<compile_context>
chip_gen: v7x
topology: tpu7x:2x2x1
jax: 0.10.2.dev20260603
libtpu: 0.0.44.dev20260713+nightly
codegen_flags: <defaults>
</compile_context>

<pallas_src>
import functools

import jax
import jax.numpy as jnp
import numpy as np
from jax import lax
from jax.experimental import pallas as pl
from jax.experimental.pallas import tpu as pltpu
from jax.experimental.pallas import tpu_sc as plsc

N = 10000
E = 320000
D = 128
H = 8
C = 16

NC = 2
NS = 16
NW = NC * NS
EPW = E // NW
B = 80
NCHUNK = EPW // B
NPAD = 10112
RPT = NPAD // NS

_BN = 1000


def _prep_body(feat_ref, w_ref, attl_ref, attr_ref, hs_ref, pil_ref,
               x_ref, ar_ref):
    xw = jnp.dot(feat_ref[...], w_ref[...], preferred_element_type=jnp.float32)
    xil = jnp.dot(xw, pil_ref[...], preferred_element_type=jnp.float32)
    al = jnp.dot(xw * attl_ref[...], hs_ref[...],
                 preferred_element_type=jnp.float32)
    ar = jnp.dot(xw * attr_ref[...], hs_ref[...],
                 preferred_element_type=jnp.float32)
    x_ref[...] = jnp.concatenate([xil, al, al], axis=1)
    ar_ref[...] = jnp.concatenate([ar, ar], axis=1)


def _prep(feat, w, attl_row, attr_row, hs, pil):
    return pl.pallas_call(
        _prep_body,
        grid=(N // _BN,),
        in_specs=[
            pl.BlockSpec((_BN, D), lambda i: (i, 0)),
            pl.BlockSpec((D, H * C), lambda i: (0, 0)),
            pl.BlockSpec((1, D), lambda i: (0, 0)),
            pl.BlockSpec((1, D), lambda i: (0, 0)),
            pl.BlockSpec((D, H), lambda i: (0, 0)),
            pl.BlockSpec((D, D), lambda i: (0, 0)),
        ],
        out_specs=[
            pl.BlockSpec((_BN, D + 2 * H), lambda i: (i, 0)),
            pl.BlockSpec((_BN, 2 * H), lambda i: (i, 0)),
        ],
        out_shape=[
            jax.ShapeDtypeStruct((N, D + 2 * H), jnp.float32),
            jax.ShapeDtypeStruct((N, 2 * H), jnp.float32),
        ],
    )(feat, w, attl_row, attr_row, hs, pil)


DW = D + 2 * H


def _edge_body(src_ref, dst_ref, ew_ref, ar_ref, x_ref,
               pagg_ref,
               idst,
               isrc0, ew0, arr0, xal0, isrc1, ew1, arr1, xal1,
               agg_sh, semg0, semg1, sems0, sems1, semi0, semi1, semz):
    isrc = (isrc0, isrc1)
    ewv = (ew0, ew1)
    arr = (arr0, arr1)
    xalb = (xal0, xal1)
    semg = (semg0, semg1)
    sems = (sems0, sems1)
    semi = (semi0, semi1)

    c = lax.axis_index("c")
    s = lax.axis_index("s")
    wid = s * NC + c
    base = wid * EPW
    zrow = s * RPT

    def _idx_start(b, k):
        off = base + jnp.minimum(k, NCHUNK - 1) * B
        pltpu.async_copy(src_ref.at[pl.ds(off, B)], isrc[b], semi[b])
        pltpu.async_copy(ew_ref.at[pl.ds(off, B)], ewv[b], semi[b])

    def _idx_wait(b, k):
        off = base + jnp.minimum(k, NCHUNK - 1) * B
        pltpu.make_async_copy(src_ref.at[pl.ds(off, B)], isrc[b],
                              semi[b]).wait()
        pltpu.make_async_copy(ew_ref.at[pl.ds(off, B)], ewv[b],
                              semi[b]).wait()

    def _gather_start(b, k):
        pltpu.async_copy(x_ref.at[isrc[b]], xalb[b], semg[b])
        pltpu.async_copy(ar_ref.at[idst.at[pl.ds(k * B, B)]], arr[b], semg[b])

    def _gather_wait(b, k):
        pltpu.make_async_copy(x_ref.at[isrc[b]], xalb[b], semg[b]).wait()
        pltpu.make_async_copy(ar_ref.at[idst.at[pl.ds(k * B, B)]], arr[b],
                              semg[b]).wait()

    def _scatter_start(b, k):
        pltpu.async_copy(xalb[b], agg_sh.at[idst.at[pl.ds(k * B, B)]],
                         sems[b], add=True)

    def _scatter_wait(b, k):
        pltpu.make_async_copy(xalb[b], agg_sh.at[idst.at[pl.ds(k * B, B)]],
                              sems[b]).wait()

    def _compute(b):
        rb, xb, wb = arr[b], xalb[b], ewv[b]
        U = 5

        def _edge(i, _):
            e0 = i * U
            exs = []
            for u in range(U):
                e = e0 + u
                esp = jnp.full((16,), e, jnp.int32)
                a = xb[e, pl.ds(D, 16)] + rb[e, :]
                w = plsc.load_gather(wb, [esp])
                t = w * a
                t = jnp.maximum(t, 0.2 * t)
                ex16 = jnp.exp(t)
                xb[e, pl.ds(D, 16)] = ex16
                exs.append((e, ex16))
            for e, ex16 in exs:
                for j in range(D // 16):
                    xb[e, pl.ds(j * 16, 16)] = xb[e, pl.ds(j * 16, 16)] * ex16
            return 0

        lax.fori_loop(0, B // U, _edge, 0)

    pltpu.sync_copy(dst_ref.at[pl.ds(base, EPW)], idst)
    _idx_start(0, 0)
    _idx_start(1, 1)
    _idx_wait(0, 0)
    _gather_start(0, 0)

    z16 = jnp.zeros((16,), jnp.float32)

    def _zbuf(i, _):
        for j in range(DW // 16):
            xal1[i, pl.ds(j * 16, 16)] = z16
        return 0

    lax.fori_loop(0, B, _zbuf, 0)

    def _zcp(i, _):
        pltpu.async_copy(xal1, agg_sh.at[pl.ds(zrow + i * B, B)], semz)
        return 0

    lax.fori_loop(0, RPT // B, _zcp, 0)
    rem = RPT - (RPT // B) * B
    if rem:
        pltpu.async_copy(xal1.at[pl.ds(0, rem)],
                         agg_sh.at[pl.ds(zrow + RPT - rem, rem)], semz)

    def _zwait(i, _):
        pltpu.make_async_copy(xal1, agg_sh.at[pl.ds(zrow + i * B, B)],
                              semz).wait()
        return 0

    lax.fori_loop(0, RPT // B, _zwait, 0)
    if rem:
        pltpu.make_async_copy(xal1.at[pl.ds(0, rem)],
                              agg_sh.at[pl.ds(zrow + RPT - rem, rem)],
                              semz).wait()

    plsc.subcore_barrier()

    def _pair(i, _):
        k0 = 2 * i
        _gather_wait(0, k0)

        @pl.when(i >= 1)
        def _():
            _scatter_wait(1, k0 - 1)

        _idx_wait(1, k0 + 1)
        _gather_start(1, k0 + 1)
        _compute(0)
        _scatter_start(0, k0)
        _idx_start(0, k0 + 2)

        _gather_wait(1, k0 + 1)
        _scatter_wait(0, k0)
        _idx_wait(0, k0 + 2)
        _gather_start(0, k0 + 2)
        _compute(1)
        _scatter_start(1, k0 + 1)
        _idx_start(1, k0 + 3)
        return 0

    lax.fori_loop(0, NCHUNK // 2, _pair, 0)

    _gather_wait(0, NCHUNK - 1)
    _scatter_wait(1, NCHUNK - 2)
    _compute(0)
    _scatter_start(0, NCHUNK - 1)
    _scatter_wait(0, NCHUNK - 1)
    _idx_wait(1, NCHUNK - 1)

    plsc.subcore_barrier()
    pltpu.sync_copy(agg_sh.at[pl.ds(zrow, RPT)],
                    pagg_ref.at[c, pl.ds(zrow, RPT)])


_edge_call = functools.partial(
    pl.kernel,
    out_type=jax.ShapeDtypeStruct((NC, NPAD, DW), jnp.float32),
    mesh=plsc.VectorSubcoreMesh(core_axis_name="c", subcore_axis_name="s",
                                num_cores=NC, num_subcores=NS),
    scratch_types=(
        [pltpu.VMEM((EPW,), jnp.int32)]
        + [pltpu.VMEM((B,), jnp.int32),
           pltpu.VMEM((B,), jnp.float32),
           pltpu.VMEM((B, 2 * H), jnp.float32),
           pltpu.VMEM((B, DW), jnp.float32)] * 2
        + [pltpu.VMEM_SHARED((NPAD, DW), jnp.float32),
           pltpu.SemaphoreType.DMA,
           pltpu.SemaphoreType.DMA,
           pltpu.SemaphoreType.DMA,
           pltpu.SemaphoreType.DMA,
           pltpu.SemaphoreType.DMA,
           pltpu.SemaphoreType.DMA,
           pltpu.SemaphoreType.DMA]
    ),
    compiler_params=pltpu.CompilerParams(needs_layout_passes=False,
                                         use_tc_tiling_on_sc=False),
)(_edge_body)


def _finish_body(pagg_ref, feat_ref, wres_ref, expd_ref, pinv_ref,
                 out_ref):
    xs = (pagg_ref[0, :, :D]
          + pagg_ref[1, :, :D])
    ss = (pagg_ref[0, :, D:D + H]
          + pagg_ref[1, :, D:D + H])
    denom = jnp.dot(ss + 1e-16, expd_ref[...],
                    preferred_element_type=jnp.float32)
    r = xs / denom
    e = jnp.where(r > 0.0, r, jnp.exp(jnp.minimum(r, 0.0)) - 1.0)
    out_ref[...] = (jnp.dot(e, pinv_ref[...],
                            preferred_element_type=jnp.float32)
                    + jnp.dot(feat_ref[...], wres_ref[...],
                              preferred_element_type=jnp.float32))


def _finish(pagg, feat, wres, expd, pinv):
    return pl.pallas_call(
        _finish_body,
        grid=(N // _BN,),
        in_specs=[
            pl.BlockSpec((NC, _BN, DW), lambda i: (0, i, 0)),
            pl.BlockSpec((_BN, D), lambda i: (i, 0)),
            pl.BlockSpec((D, D), lambda i: (0, 0)),
            pl.BlockSpec((H, D), lambda i: (0, 0)),
            pl.BlockSpec((D, D), lambda i: (0, 0)),
        ],
        out_specs=pl.BlockSpec((_BN, D), lambda i: (i, 0)),
        out_shape=jax.ShapeDtypeStruct((N, D), jnp.float32),
    )(pagg, feat, wres, expd, pinv)


_HS = np.kron(np.eye(H), np.ones((C, 1))).astype(np.float32)
_OLD = np.array([(j % H) * C + (j // H) for j in range(D)])
_PIL = np.zeros((D, D), np.float32)
_PIL[_OLD, np.arange(D)] = 1.0
_PINV = _PIL.T
_EXPD_IL = (np.arange(D)[None, :] % H == np.arange(H)[:, None]).astype(
    np.float32)


def kernel(edge_index, edge_weight, feat, W, att_l, att_r, W_res):
    src = edge_index[0].astype(jnp.int32)
    dst = edge_index[1].astype(jnp.int32)
    ew = edge_weight.reshape(E)
    attl_row = att_l.reshape(1, H * C)
    attr_row = att_r.reshape(1, H * C)

    x_cat, ar2 = _prep(feat, W, attl_row, attr_row,
                       jnp.asarray(_HS), jnp.asarray(_PIL))
    pagg = _edge_call(src, dst, ew, ar2, x_cat)
    return _finish(pagg, feat, W_res, jnp.asarray(_EXPD_IL),
                   jnp.asarray(_PINV))

# --- scband reference (transcript-rebuilt; emitter-appended) ---
"""Pipeline reference for scband-weighted-gat-18425409700192 (READ-ONLY COPY).

The authoritative reference and input builder live on the scoring server;
editing this copy changes nothing except your own understanding.
"""

import jax, jax.numpy as jnp
import numpy as np

N = 10000
E = 320000
D = 128
H = 8
C = 16

def setup_inputs(seed: int = 0) -> dict:
    key = jax.random.key(seed)
    k1, k2, k3, k4, k5, k6, k7 = jax.random.split(key, 7)
    edge_index = jax.random.randint(k1, (2, E), 0, N, dtype=jnp.int64)
    edge_weight = jax.random.uniform(k2, (E, 1), dtype=jnp.float32)
    feat = jax.random.normal(k3, (N, D), dtype=jnp.float32)
    # parameters (xavier-ish scale)
    W = jax.random.normal(k4, (D, H * C), dtype=jnp.float32) * (1.0 / np.sqrt(D))
    att_l = jax.random.normal(k5, (1, H, C), dtype=jnp.float32) * (1.0 / np.sqrt(C))
    att_r = jax.random.normal(k6, (1, H, C), dtype=jnp.float32) * (1.0 / np.sqrt(C))
    W_res = jax.random.normal(k7, (D, H * C), dtype=jnp.float32) * (1.0 / np.sqrt(D))
    return {"edge_index": edge_index, "edge_weight": edge_weight, "feat": feat,
            "W": W, "att_l": att_l, "att_r": att_r, "W_res": W_res}

def reference(edge_index, edge_weight, feat, W, att_l, att_r, W_res):
    src = edge_index[0]
    dst = edge_index[1]
    x = (feat @ W).reshape(-1, H, C)  # [N, H, C]
    alpha_l = (x * att_l).sum(axis=-1)  # [N, H]
    alpha_r = (x * att_r).sum(axis=-1)  # [N, H]
    al = alpha_l[src]  # [E, H] gather
    ar = alpha_r[dst]  # [E, H] gather
    alpha = edge_weight * (al + ar)  # [E, H]
    alpha = jax.nn.leaky_relu(alpha, negative_slope=0.2)
    # segment softmax over destination nodes
    m = jax.ops.segment_max(alpha, dst, num_segments=N)  # [N, H]
    m = jnp.where(jnp.isfinite(m), m, 0.0)
    ex = jnp.exp(alpha - m[dst])
    s = jax.ops.segment_sum(ex, dst, num_segments=N)  # [N, H]
    coefficients = ex / (s[dst] + 1e-16)  # [E, H]
    x_j = x[src]  # [E, H, C] gather
    agg = jax.ops.segment_sum(x_j * coefficients[:, :, None], dst, num_segments=N)  # [N, H, C]
    out = jax.nn.elu(agg).reshape(-1, H * C)
    out = out + feat @ W_res
    return out

if __name__ == "__main__":
    import jax
    _d = setup_inputs()
    print(jax.jit(kernel)(*tuple(_d.values())))

</pallas_src>

<mosaic_0001>
#map = affine_map<(d0, d1) -> (0)>
#map1 = affine_map<(d0, d1) -> (0, 0)>
#map2 = affine_map<(d0, d1) -> (0, 0, 0)>
module attributes {stable_mosaic.version = 14 : i64} {
  func.func @_edge_body(%arg0: i32, %arg1: i32, %arg2: memref<320000xi32, #tpu.memory_space<hbm>>, %arg3: memref<320000xi32, #tpu.memory_space<hbm>>, %arg4: memref<320000xf32, #tpu.memory_space<hbm>>, %arg5: memref<10000x16xf32, #tpu.memory_space<hbm>>, %arg6: memref<10000x144xf32, #tpu.memory_space<hbm>>, %arg7: memref<2x10112x144xf32, #tpu.memory_space<hbm>>, %arg8: memref<10000xi32, #tpu.memory_space<vmem>>, %arg9: memref<80xi32, #tpu.memory_space<vmem>>, %arg10: memref<80xf32, #tpu.memory_space<vmem>>, %arg11: memref<80x16xf32, #tpu.memory_space<vmem>>, %arg12: memref<80x144xf32, #tpu.memory_space<vmem>>, %arg13: memref<80xi32, #tpu.memory_space<vmem>>, %arg14: memref<80xf32, #tpu.memory_space<vmem>>, %arg15: memref<80x16xf32, #tpu.memory_space<vmem>>, %arg16: memref<80x144xf32, #tpu.memory_space<vmem>>, %arg17: memref<10112x144xf32, #tpu.memory_space<vmem_shared>>, %arg18: memref<!tpu.dma_semaphore, #tpu.memory_space<semaphore_mem>>, %arg19: memref<!tpu.dma_semaphore, #tpu.memory_space<semaphore_mem>>, %arg20: memref<!tpu.dma_semaphore, #tpu.memory_space<semaphore_mem>>, %arg21: memref<!tpu.dma_semaphore, #tpu.memory_space<semaphore_mem>>, %arg22: memref<!tpu.dma_semaphore, #tpu.memory_space<semaphore_mem>>, %arg23: memref<!tpu.dma_semaphore, #tpu.memory_space<semaphore_mem>>, %arg24: memref<!tpu.dma_semaphore, #tpu.memory_space<semaphore_mem>>) attributes {dimension_semantics = [#tpu.dimension_semantics<core_parallel>, #tpu.dimension_semantics<subcore_parallel>], iteration_bounds = array<i64: 2, 16>, scalar_prefetch = 0 : i64, scratch_operands = 17 : i64, tpu.core_type = #tpu.core_type<sc_vector_subcore>, window_params = [{transform_indices = #map}, {transform_indices = #map}, {transform_indices = #map}, {transform_indices = #map1}, {transform_indices = #map1}, {transform_indices = #map2}]} {
    %mul3A = arith.constant 2 : i32
    %mul3A_0 = arith.muli %arg1, %mul3A : i32
    %add3A = arith.addi %mul3A_0, %arg0 : i32
    %mul3A_1 = arith.constant 10000 : i32
    %mul3A_2 = arith.muli %add3A, %mul3A_1 : i32
    %mul3A_3 = arith.constant 632 : i32
    %mul3A_4 = arith.muli %arg1, %mul3A_3 : i32
    "tpu.region"() ({
      %run_scoped3A = tpu.sem_alloc : memref<!tpu.dma_semaphore, #tpu.memory_space<semaphore_mem>>
      %dma_start3A_136 = tpu.memref_slice %arg3[%mul3A_2] : memref<320000xi32, #tpu.memory_space<hbm>> -> memref<10000xi32, #tpu.memory_space<hbm>>
      %dma_start3A_137 = tpu.memref_slice %arg3[%mul3A_2] : memref<320000xi32, #tpu.memory_space<hbm>> -> memref<10000xi32, #tpu.memory_space<hbm>>
      tpu.enqueue_dma source(%dma_start3A_137 : memref<10000xi32, #tpu.memory_space<hbm>>) target(%arg8 : memref<10000xi32, #tpu.memory_space<vmem>>) target_semaphore(%run_scoped3A : memref<!tpu.dma_semaphore, #tpu.memory_space<semaphore_mem>>)
      %dma_wait3A_138 = tpu.memref_slice %arg3[%mul3A_2] : memref<320000xi32, #tpu.memory_space<hbm>> -> memref<10000xi32, #tpu.memory_space<hbm>>
      %dma_wait3A_139 = tpu.memref_slice %arg3[%mul3A_2] : memref<320000xi32, #tpu.memory_space<hbm>> -> memref<10000xi32, #tpu.memory_space<hbm>>
      tpu.wait_dma2 semaphore(%run_scoped3A : memref<!tpu.dma_semaphore, #tpu.memory_space<semaphore_mem>>) src(%dma_wait3A_139 : memref<10000xi32, #tpu.memory_space<hbm>>) dst(%arg8 : memref<10000xi32, #tpu.memory_space<vmem>>)
      tpu.yield
    }) : () -> ()
    %min3A = arith.constant 0 : i32
    %min3A_5 = arith.constant 124 : i32
    %min3A_6 = arith.minsi %min3A, %min3A_5 : i32
    %mul3A_7 = arith.constant 80 : i32
    %mul3A_8 = arith.muli %min3A_6, %mul3A_7 : i32
    %add3A_9 = arith.addi %mul3A_2, %mul3A_8 : i32
    %dma_start3A = tpu.memref_slice %arg2[%add3A_9] : memref<320000xi32, #tpu.memory_space<hbm>> -> memref<80xi32, #tpu.memory_space<hbm>>
    %dma_start3A_10 = tpu.memref_slice %arg2[%add3A_9] : memref<320000xi32, #tpu.memory_space<hbm>> -> memref<80xi32, #tpu.memory_space<hbm>>
    tpu.enqueue_dma source(%dma_start3A_10 : memref<80xi32, #tpu.memory_space<hbm>>) target(%arg9 : memref<80xi32, #tpu.memory_space<vmem>>) target_semaphore(%arg22 : memref<!tpu.dma_semaphore, #tpu.memory_space<semaphore_mem>>)
    %dma_start3A_11 = tpu.memref_slice %arg4[%add3A_9] : memref<320000xf32, #tpu.memory_space<hbm>> -> memref<80xf32, #tpu.memory_space<hbm>>
    %dma_start3A_12 = tpu.memref_slice %arg4[%add3A_9] : memref<320000xf32, #tpu.memory_space<hbm>> -> memref<80xf32, #tpu.memory_space<hbm>>
    tpu.enqueue_dma source(%dma_start3A_12 : memref<80xf32, #tpu.memory_space<hbm>>) target(%arg10 : memref<80xf32, #tpu.memory_space<vmem>>) target_semaphore(%arg22 : memref<!tpu.dma_semaphore, #tpu.memory_space<semaphore_mem>>)
    %min3A_13 = arith.constant 1 : i32
    %min3A_14 = arith.constant 124 : i32
    %min3A_15 = arith.minsi %min3A_13, %min3A_14 : i32
    %mul3A_16 = arith.constant 80 : i32
    %mul3A_17 = arith.muli %min3A_15, %mul3A_16 : i32
    %add3A_18 = arith.addi %mul3A_2, %mul3A_17 : i32
    %dma_start3A_19 = tpu.memref_slice %arg2[%add3A_18] : memref<320000xi32, #tpu.memory_space<hbm>> -> memref<80xi32, #tpu.memory_space<hbm>>
    %dma_start3A_20 = tpu.memref_slice %arg2[%add3A_18] : memref<320000xi32, #tpu.memory_space<hbm>> -> memref<80xi32, #tpu.memory_space<hbm>>
    tpu.enqueue_dma source(%dma_start3A_20 : memref<80xi32, #tpu.memory_space<hbm>>) target(%arg13 : memref<80xi32, #tpu.memory_space<vmem>>) target_semaphore(%arg23 : memref<!tpu.dma_semaphore, #tpu.memory_space<semaphore_mem>>)
    %dma_start3A_21 = tpu.memref_slice %arg4[%add3A_18] : memref<320000xf32, #tpu.memory_space<hbm>> -> memref<80xf32, #tpu.memory_space<hbm>>
    %dma_start3A_22 = tpu.memref_slice %arg4[%add3A_18] : memref<320000xf32, #tpu.memory_space<hbm>> -> memref<80xf32, #tpu.memory_space<hbm>>
    tpu.enqueue_dma source(%dma_start3A_22 : memref<80xf32, #tpu.memory_space<hbm>>) target(%arg14 : memref<80xf32, #tpu.memory_space<vmem>>) target_semaphore(%arg23 : memref<!tpu.dma_semaphore, #tpu.memory_space<semaphore_mem>>)
    %min3A_23 = arith.constant 0 : i32
    %min3A_24 = arith.constant 124 : i32
    %min3A_25 = arith.minsi %min3A_23, %min3A_24 : i32
    %mul3A_26 = arith.constant 80 : i32
    %mul3A_27 = arith.muli %min3A_25, %mul3A_26 : i32
    %add3A_28 = arith.addi %mul3A_2, %mul3A_27 : i32
    %dma_wait3A = tpu.memref_slice %arg2[%add3A_28] : memref<320000xi32, #tpu.memory_space<hbm>> -> memref<80xi32, #tpu.memory_space<hbm>>
    %dma_wait3A_29 = tpu.memref_slice %arg2[%add3A_28] : memref<320000xi32, #tpu.memory_space<hbm>> -> memref<80xi32, #tpu.memory_space<hbm>>
    tpu.wait_dma2 semaphore(%arg22 : memref<!tpu.dma_semaphore, #tpu.memory_space<semaphore_mem>>) src(%dma_wait3A_29 : memref<80xi32, #tpu.memory_space<hbm>>) dst(%arg9 : memref<80xi32, #tpu.memory_space<vmem>>)
    %dma_wait3A_30 = tpu.memref_slice %arg4[%add3A_28] : memref<320000xf32, #tpu.memory_space<hbm>> -> memref<80xf32, #tpu.memory_space<hbm>>
    %dma_wait3A_31 = tpu.memref_slice %arg4[%add3A_28] : memref<320000xf32, #tpu.memory_space<hbm>> -> memref<80xf32, #tpu.memory_space<hbm>>
    tpu.wait_dma2 semaphore(%arg22 : memref<!tpu.dma_semaphore, #tpu.memory_space<semaphore_mem>>) src(%dma_wait3A_31 : memref<80xf32, #tpu.memory_space<hbm>>) dst(%arg10 : memref<80xf32, #tpu.memory_space<vmem>>)
    %dma_start3A_32 = arith.constant 0 : i32
    %dma_start3A_33 = arith.constant 0 : i32
    %dma_start3A_34 = tpu.memref_slice %arg6[%dma_start3A_32, %dma_start3A_33] : memref<10000x144xf32, #tpu.memory_space<hbm>> -> memref<10000x144xf32, #tpu.memory_space<hbm>>
    tpu.enqueue_indirect_dma source(%dma_start3A_34 : memref<10000x144xf32, #tpu.memory_space<hbm>>) target(%arg12 : memref<80x144xf32, #tpu.memory_space<vmem>>) offsets(%arg9 : memref<80xi32, #tpu.memory_space<vmem>>) semaphore(%arg18 : memref<!tpu.dma_semaphore, #tpu.memory_space<semaphore_mem>>)
    %dma_start3A_35 = arith.constant 0 : i32
    %dma_start3A_36 = tpu.memref_slice %arg8[%dma_start3A_35] : memref<10000xi32, #tpu.memory_space<vmem>> -> memref<80xi32, #tpu.memory_space<vmem>>
    %dma_start3A_37 = arith.constant 0 : i32
    %dma_start3A_38 = arith.constant 0 : i32
    %dma_start3A_39 = tpu.memref_slice %arg5[%dma_start3A_37, %dma_start3A_38] : memref<10000x16xf32, #tpu.memory_space<hbm>> -> memref<10000x16xf32, #tpu.memory_space<hbm>>
    tpu.enqueue_indirect_dma source(%dma_start3A_39 : memref<10000x16xf32, #tpu.memory_space<hbm>>) target(%arg11 : memref<80x16xf32, #tpu.memory_space<vmem>>) offsets(%dma_start3A_36 : memref<80xi32, #tpu.memory_space<vmem>>) semaphore(%arg18 : memref<!tpu.dma_semaphore, #tpu.memory_space<semaphore_mem>>)
    %broadcast_in_dim3A = arith.constant 0.000000e+00 : f32
    %broadcast_in_dim3A_40 = vector.broadcast %broadcast_in_dim3A : f32 to vector<16xf32>
    %scan3A = arith.constant 0 : i32
    %scan3A_41 = arith.constant 0 : i32
    %scan3A_42 = arith.constant 80 : i32
    %scan3A_43 = arith.addi %scan3A_41, %scan3A_42 : i32
    %scan3A_44 = arith.constant 1 : i32
    %scan3A_45 = scf.for %scan3A_136 = %scan3A_41 to %scan3A_43 step %scan3A_44 iter_args(%scan3A_137 = %scan3A) -> (i32)  : i32 {
      %swap3A = arith.index_cast %scan3A_136 : i32 to index
      %swap3A_138 = arith.constant 0 : index
      %swap3A_139 = tpu.vector_load %arg16[%swap3A, %swap3A_138] {strides = array<i32>} : memref<80x144xf32, #tpu.memory_space<vmem>>, vector<16xf32>,
      tpu.vector_store %arg16[%swap3A, %swap3A_138], %broadcast_in_dim3A_40 {strides = array<i32>} : memref<80x144xf32, #tpu.memory_space<vmem>>, vector<16xf32>,
      %swap3A_140 = arith.index_cast %scan3A_136 : i32 to index
      %swap3A_141 = arith.constant 16 : index
      %swap3A_142 = tpu.vector_load %arg16[%swap3A_140, %swap3A_141] {strides = array<i32>} : memref<80x144xf32, #tpu.memory_space<vmem>>, vector<16xf32>,
      tpu.vector_store %arg16[%swap3A_140, %swap3A_141], %broadcast_in_dim3A_40 {strides = array<i32>} : memref<80x144xf32, #tpu.memory_space<vmem>>, vector<16xf32>,
      %swap3A_143 = arith.index_cast %scan3A_136 : i32 to index
      %swap3A_144 = arith.constant 32 : index
      %swap3A_145 = tpu.vector_load %arg16[%swap3A_143, %swap3A_144] {strides = array<i32>} : memref<80x144xf32, #tpu.memory_space<vmem>>, vector<16xf32>,
      tpu.vector_store %arg16[%swap3A_143, %swap3A_144], %broadcast_in_dim3A_40 {strides = array<i32>} : memref<80x144xf32, #tpu.memory_space<vmem>>, vector<16xf32>,
      %swap3A_146 = arith.index_cast %scan3A_136 : i32 to index
      %swap3A_147 = arith.constant 48 : index
      %swap3A_148 = tpu.vector_load %arg16[%swap3A_146, %swap3A_147] {strides = array<i32>} : memref<80x144xf32, #tpu.memory_space<vmem>>, vector<16xf32>,
      tpu.vector_store %arg16[%swap3A_146, %swap3A_147], %broadcast_in_dim3A_40 {strides = array<i32>} : memref<80x144xf32, #tpu.memory_space<vmem>>, vector<16xf32>,
      %swap3A_149 = arith.index_cast %scan3A_136 : i32 to index
      %swap3A_150 = arith.constant 64 : index
      %swap3A_151 = tpu.vector_load %arg16[%swap3A_149, %swap3A_150] {strides = array<i32>} : memref<80x144xf32, #tpu.memory_space<vmem>>, vector<16xf32>,
      tpu.vector_store %arg16[%swap3A_149, %swap3A_150], %broadcast_in_dim3A_40 {strides = array<i32>} : memref<80x144xf32, #tpu.memory_space<vmem>>, vector<16xf32>,
      %swap3A_152 = arith.index_cast %scan3A_136 : i32 to index
      %swap3A_153 = arith.constant 80 : index
      %swap3A_154 = tpu.vector_load %arg16[%swap3A_152, %swap3A_153] {strides = array<i32>} : memref<80x144xf32, #tpu.memory_space<vmem>>, vector<16xf32>,
      tpu.vector_store %arg16[%swap3A_152, %swap3A_153], %broadcast_in_dim3A_40 {strides = array<i32>} : memref<80x144xf32, #tpu.memory_space<vmem>>, vector<16xf32>,
      %swap3A_155 = arith.index_cast %scan3A_136 : i32 to index
      %swap3A_156 = arith.constant 96 : index
      %swap3A_157 = tpu.vector_load %arg16[%swap3A_155, %swap3A_156] {strides = array<i32>} : memref<80x144xf32, #tpu.memory_space<vmem>>, vector<16xf32>,
      tpu.vector_store %arg16[%swap3A_155, %swap3A_156], %broadcast_in_dim3A_40 {strides = array<i32>} : memref<80x144xf32, #tpu.memory_space<vmem>>, vector<16xf32>,
      %swap3A_158 = arith.index_cast %scan3A_136 : i32 to index
      %swap3A_159 = arith.constant 112 : index
      %swap3A_160 = tpu.vector_load %arg16[%swap3A_158, %swap3A_159] {strides = array<i32>} : memref<80x144xf32, #tpu.memory_space<vmem>>, vector<16xf32>,
      tpu.vector_store %arg16[%swap3A_158, %swap3A_159], %broadcast_in_dim3A_40 {strides = array<i32>} : memref<80x144xf32, #tpu.memory_space<vmem>>, vector<16xf32>,
      %swap3A_161 = arith.index_cast %scan3A_136 : i32 to index
      %swap3A_162 = arith.constant 128 : index
      %swap3A_163 = tpu.vector_load %arg16[%swap3A_161, %swap3A_162] {strides = array<i32>} : memref<80x144xf32, #tpu.memory_space<vmem>>, vector<16xf32>,
      tpu.vector_store %arg16[%swap3A_161, %swap3A_162], %broadcast_in_dim3A_40 {strides = array<i32>} : memref<80x144xf32, #tpu.memory_space<vmem>>, vector<16xf32>,
      %scan3A_164 = arith.constant 0 : i32
      scf.yield %scan3A_164 : i32
    }
    %scan3A_46 = arith.constant 80 : i32
    %scan3A_47 = arith.constant 0 : i32
    %scan3A_48 = arith.constant 0 : i32
    %scan3A_49 = arith.constant 7 : i32
    %scan3A_50 = arith.addi %scan3A_48, %scan3A_49 : i32
    %scan3A_51 = arith.constant 1 : i32
    %scan3A_52 = scf.for %scan3A_136 = %scan3A_48 to %scan3A_50 step %scan3A_51 iter_args(%scan3A_137 = %scan3A_47) -> (i32)  : i32 {
      %mul3A_138 = arith.constant 80 : i32
      %mul3A_139 = arith.muli %scan3A_136, %mul3A_138 : i32
      %add3A_140 = arith.addi %mul3A_4, %mul3A_139 : i32
      %dma_start3A_141 = arith.constant 0 : i32
      %dma_start3A_142 = tpu.memref_slice %arg17[%add3A_140, %dma_start3A_141] : memref<10112x144xf32, #tpu.memory_space<vmem_shared>> -> memref<80x144xf32, #tpu.memory_space<vmem_shared>>
      %dma_start3A_143 = arith.constant 0 : i32
      %dma_start3A_144 = tpu.memref_slice %arg17[%add3A_140, %dma_start3A_143] : memref<10112x144xf32, #tpu.memory_space<vmem_shared>> -> memref<80x144xf32, #tpu.memory_space<vmem_shared>>
      tpu.enqueue_dma source(%arg16 : memref<80x144xf32, #tpu.memory_space<vmem>>) target(%dma_start3A_144 : memref<80x144xf32, #tpu.memory_space<vmem_shared>>) target_semaphore(%arg24 : memref<!tpu.dma_semaphore, #tpu.memory_space<semaphore_mem>>)
      %scan3A_145 = arith.constant 0 : i32
      scf.yield %scan3A_145 : i32
    }
    %scan3A_53 = arith.constant 7 : i32
    %add3A_54 = arith.constant 632 : i32
    %add3A_55 = arith.addi %mul3A_4, %add3A_54 : i32
    %sub3A = arith.constant 72 : i32
    %sub3A_56 = arith.subi %add3A_55, %sub3A : i32
    %dma_start3A_57 = arith.constant 0 : i32
    %dma_start3A_58 = arith.constant 0 : i32
    %dma_start3A_59 = tpu.memref_slice %arg16[%dma_start3A_57, %dma_start3A_58] : memref<80x144xf32, #tpu.memory_space<vmem>> -> memref<72x144xf32, #tpu.memory_space<vmem>>
    %dma_start3A_60 = arith.constant 0 : i32
    %dma_start3A_61 = tpu.memref_slice %arg17[%sub3A_56, %dma_start3A_60] : memref<10112x144xf32, #tpu.memory_space<vmem_shared>> -> memref<72x144xf32, #tpu.memory_space<vmem_shared>>
    %dma_start3A_62 = arith.constant 0 : i32
    %dma_start3A_63 = tpu.memref_slice %arg17[%sub3A_56, %dma_start3A_62] : memref<10112x144xf32, #tpu.memory_space<vmem_shared>> -> memref<72x144xf32, #tpu.memory_space<vmem_shared>>
    %dma_start3A_64 = arith.constant 0 : i32
    %dma_start3A_65 = arith.constant 0 : i32
    %dma_start3A_66 = tpu.memref_slice %arg16[%dma_start3A_64, %dma_start3A_65] : memref<80x144xf32, #tpu.memory_space<vmem>> -> memref<72x144xf32, #tpu.memory_space<vmem>>
    tpu.enqueue_dma source(%dma_start3A_66 : memref<72x144xf32, #tpu.memory_space<vmem>>) target(%dma_start3A_63 : memref<72x144xf32, #tpu.memory_space<vmem_shared>>) target_semaphore(%arg24 : memref<!tpu.dma_semaphore, #tpu.memory_space<semaphore_mem>>)
    %scan3A_67 = arith.constant 0 : i32
    %scan3A_68 = arith.constant 0 : i32
    %scan3A_69 = arith.constant 7 : i32
    %scan3A_70 = arith.addi %scan3A_68, %scan3A_69 : i32
    %scan3A_71 = arith.constant 1 : i32
    %scan3A_72 = scf.for %scan3A_136 = %scan3A_68 to %scan3A_70 step %scan3A_71 iter_args(%scan3A_137 = %scan3A_67) -> (i32)  : i32 {
      %mul3A_138 = arith.constant 80 : i32
      %mul3A_139 = arith.muli %scan3A_136, %mul3A_138 : i32
      %add3A_140 = arith.addi %mul3A_4, %mul3A_139 : i32
      %dma_wait3A_141 = arith.constant 0 : i32
      %dma_wait3A_142 = tpu.memref_slice %arg17[%add3A_140, %dma_wait3A_141] : memref<10112x144xf32, #tpu.memory_space<vmem_shared>> -> memref<80x144xf32, #tpu.memory_space<vmem_shared>>
      %dma_wait3A_143 = arith.constant 0 : i32
      %dma_wait3A_144 = tpu.memref_slice %arg17[%add3A_140, %dma_wait3A_143] : memref<10112x144xf32, #tpu.memory_space<vmem_shared>> -> memref<80x144xf32, #tpu.memory_space<vmem_shared>>
      tpu.wait_dma2 semaphore(%arg24 : memref<!tpu.dma_semaphore, #tpu.memory_space<semaphore_mem>>) src(%arg16 : memref<80x144xf32, #tpu.memory_space<vmem>>) dst(%dma_wait3A_144 : memref<80x144xf32, #tpu.memory_space<vmem_shared>>)
      %scan3A_145 = arith.constant 0 : i32
      scf.yield %scan3A_145 : i32
    }
    %scan3A_73 = arith.constant 7 : i32
    %add3A_74 = arith.constant 632 : i32
    %add3A_75 = arith.addi %mul3A_4, %add3A_74 : i32
    %sub3A_76 = arith.constant 72 : i32
    %sub3A_77 = arith.subi %add3A_75, %sub3A_76 : i32
    %dma_wait3A_78 = arith.constant 0 : i32
    %dma_wait3A_79 = arith.constant 0 : i32
    %dma_wait3A_80 = tpu.memref_slice %arg16[%dma_wait3A_78, %dma_wait3A_79] : memref<80x144xf32, #tpu.memory_space<vmem>> -> memref<72x144xf32, #tpu.memory_space<vmem>>
    %dma_wait3A_81 = arith.constant 0 : i32
    %dma_wait3A_82 = tpu.memref_slice %arg17[%sub3A_77, %dma_wait3A_81] : memref<10112x144xf32, #tpu.memory_space<vmem_shared>> -> memref<72x144xf32, #tpu.memory_space<vmem_shared>>
    %dma_wait3A_83 = arith.constant 0 : i32
    %dma_wait3A_84 = tpu.memref_slice %arg17[%sub3A_77, %dma_wait3A_83] : memref<10112x144xf32, #tpu.memory_space<vmem_shared>> -> memref<72x144xf32, #tpu.memory_space<vmem_shared>>
    %dma_wait3A_85 = arith.constant 0 : i32
    %dma_wait3A_86 = arith.constant 0 : i32
    %dma_wait3A_87 = tpu.memref_slice %arg16[%dma_wait3A_85, %dma_wait3A_86] : memref<80x144xf32, #tpu.memory_space<vmem>> -> memref<72x144xf32, #tpu.memory_space<vmem>>
    tpu.wait_dma2 semaphore(%arg24 : memref<!tpu.dma_semaphore, #tpu.memory_space<semaphore_mem>>) src(%dma_wait3A_87 : memref<72x144xf32, #tpu.memory_space<vmem>>) dst(%dma_wait3A_84 : memref<72x144xf32, #tpu.memory_space<vmem_shared>>)
    %barrier3A = arith.constant 0 : index
    tpu.barrier barrier_id(%barrier3A)
    %scan3A_88 = arith.constant 0 : i32
    %scan3A_89 = arith.constant 0 : i32
    %scan3A_90 = arith.constant 62 : i32
    %scan3A_91 = arith.addi %scan3A_89, %scan3A_90 : i32
    %scan3A_92 = arith.constant 1 : i32
    %scan3A_93 = scf.for %scan3A_136 = %scan3A_89 to %scan3A_91 step %scan3A_92 iter_args(%scan3A_137 = %scan3A_88) -> (i32)  : i32 {
      %mul3A_138 = arith.constant 2 : i32
      %mul3A_139 = arith.muli %mul3A_138, %scan3A_136 : i32
      %dma_wait3A_140 = arith.constant 0 : i32
      %dma_wait3A_141 = arith.constant 0 : i32
      %dma_wait3A_142 = tpu.memref_slice %arg6[%dma_wait3A_140, %dma_wait3A_141] : memref<10000x144xf32, #tpu.memory_space<hbm>> -> memref<10000x144xf32, #tpu.memory_space<hbm>>
      tpu.wait_indirect_dma semaphore(%arg18 : memref<!tpu.dma_semaphore, #tpu.memory_space<semaphore_mem>>) src(%dma_wait3A_142 : memref<10000x144xf32, #tpu.memory_space<hbm>>) dst(%arg12 : memref<80x144xf32, #tpu.memory_space<vmem>>)
      %mul3A_143 = arith.constant 80 : i32
      %mul3A_144 = arith.muli %mul3A_139, %mul3A_143 : i32
      %dma_wait3A_145 = tpu.memref_slice %arg8[%mul3A_144] : memref<10000xi32, #tpu.memory_space<vmem>> -> memref<80xi32, #tpu.memory_space<vmem>>
      %dma_wait3A_146 = arith.constant 0 : i32
      %dma_wait3A_147 = arith.constant 0 : i32
      %dma_wait3A_148 = tpu.memref_slice %arg5[%dma_wait3A_146, %dma_wait3A_147] : memref<10000x16xf32, #tpu.memory_space<hbm>> -> memref<10000x16xf32, #tpu.memory_space<hbm>>
      tpu.wait_indirect_dma semaphore(%arg18 : memref<!tpu.dma_semaphore, #tpu.memory_space<semaphore_mem>>) src(%dma_wait3A_148 : memref<10000x16xf32, #tpu.memory_space<hbm>>) dst(%arg11 : memref<80x16xf32, #tpu.memory_space<vmem>>)
      %ge3A = arith.constant 1 : i32
      %ge3A_149 = arith.cmpi sge, %scan3A_136, %ge3A : i32
      %convert_element_type3A = arith.extui %ge3A_149 : i1 to i32
      %cond3A = arith.constant 0 : i32
      %cond3A_150 = arith.cmpi ne, %convert_element_type3A, %cond3A : i32
      scf.if %cond3A_150 {
        %sub3A_263 = arith.constant 1 : i32
        %sub3A_264 = arith.subi %mul3A_139, %sub3A_263 : i32
        %mul3A_265 = arith.constant 80 : i32
        %mul3A_266 = arith.muli %sub3A_264, %mul3A_265 : i32
        %dma_wait3A_267 = tpu.memref_slice %arg8[%mul3A_266] : memref<10000xi32, #tpu.memory_space<vmem>> -> memref<80xi32, #tpu.memory_space<vmem>>
        %dma_wait3A_268 = arith.constant 0 : i32
        %dma_wait3A_269 = arith.constant 0 : i32
        %dma_wait3A_270 = tpu.memref_slice %arg17[%dma_wait3A_268, %dma_wait3A_269] : memref<10112x144xf32, #tpu.memory_space<vmem_shared>> -> memref<10112x144xf32, #tpu.memory_space<vmem_shared>>
        tpu.wait_indirect_dma semaphore(%arg21 : memref<!tpu.dma_semaphore, #tpu.memory_space<semaphore_mem>>) src(%arg16 : memref<80x144xf32, #tpu.memory_space<vmem>>) dst(%dma_wait3A_270 : memref<10112x144xf32, #tpu.memory_space<vmem_shared>>)
      } else {
      }
      %add3A_151 = arith.constant 1 : i32
      %add3A_152 = arith.addi %mul3A_139, %add3A_151 : i32
      %min3A_153 = arith.constant 124 : i32
      %min3A_154 = arith.minsi %add3A_152, %min3A_153 : i32
      %mul3A_155 = arith.constant 80 : i32
      %mul3A_156 = arith.muli %min3A_154, %mul3A_155 : i32
      %add3A_157 = arith.addi %mul3A_2, %mul3A_156 : i32
      %dma_wait3A_158 = tpu.memref_slice %arg2[%add3A_157] : memref<320000xi32, #tpu.memory_space<hbm>> -> memref<80xi32, #tpu.memory_space<hbm>>
      %dma_wait3A_159 = tpu.memref_slice %arg2[%add3A_157] : memref<320000xi32, #tpu.memory_space<hbm>> -> memref<80xi32, #tpu.memory_space<hbm>>
      tpu.wait_dma2 semaphore(%arg23 : memref<!tpu.dma_semaphore, #tpu.memory_space<semaphore_mem>>) src(%dma_wait3A_159 : memref<80xi32, #tpu.memory_space<hbm>>) dst(%arg13 : memref<80xi32, #tpu.memory_space<vmem>>)
      %dma_wait3A_160 = tpu.memref_slice %arg4[%add3A_157] : memref<320000xf32, #tpu.memory_space<hbm>> -> memref<80xf32, #tpu.memory_space<hbm>>
      %dma_wait3A_161 = tpu.memref_slice %arg4[%add3A_157] : memref<320000xf32, #tpu.memory_space<hbm>> -> memref<80xf32, #tpu.memory_space<hbm>>
      tpu.wait_dma2 semaphore(%arg23 : memref<!tpu.dma_semaphore, #tpu.memory_space<semaphore_mem>>) src(%dma_wait3A_161 : memref<80xf32, #tpu.memory_space<hbm>>) dst(%arg14 : memref<80xf32, #tpu.memory_space<vmem>>)
      %add3A_162 = arith.constant 1 : i32
      %add3A_163 = arith.addi %mul3A_139, %add3A_162 : i32
      %dma_start3A_164 = arith.constant 0 : i32
      %dma_start3A_165 = arith.constant 0 : i32
      %dma_start3A_166 = tpu.memref_slice %arg6[%dma_start3A_164, %dma_start3A_165] : memref<10000x144xf32, #tpu.memory_space<hbm>> -> memref<10000x144xf32, #tpu.memory_space<hbm>>
      tpu.enqueue_indirect_dma source(%dma_start3A_166 : memref<10000x144xf32, #tpu.memory_space<hbm>>) target(%arg16 : memref<80x144xf32, #tpu.memory_space<vmem>>) offsets(%arg13 : memref<80xi32, #tpu.memory_space<vmem>>) semaphore(%arg19 : memref<!tpu.dma_semaphore, #tpu.memory_space<semaphore_mem>>)
      %mul3A_167 = arith.constant 80 : i32
      %mul3A_168 = arith.muli %add3A_163, %mul3A_167 : i32
      %dma_start3A_169 = tpu.memref_slice %arg8[%mul3A_168] : memref<10000xi32, #tpu.memory_space<vmem>> -> memref<80xi32, #tpu.memory_space<vmem>>
      %dma_start3A_170 = arith.constant 0 : i32
      %dma_start3A_171 = arith.constant 0 : i32
      %dma_start3A_172 = tpu.memref_slice %arg5[%dma_start3A_170, %dma_start3A_171] : memref<10000x16xf32, #tpu.memory_space<hbm>> -> memref<10000x16xf32, #tpu.memory_space<hbm>>
      tpu.enqueue_indirect_dma source(%dma_start3A_172 : memref<10000x16xf32, #tpu.memory_space<hbm>>) target(%arg15 : memref<80x16xf32, #tpu.memory_space<vmem>>) offsets(%dma_start3A_169 : memref<80xi32, #tpu.memory_space<vmem>>) semaphore(%arg19 : memref<!tpu.dma_semaphore, #tpu.memory_space<semaphore_mem>>)
      %scan3A_173 = arith.constant 0 : i32
      %scan3A_174 = arith.constant 0 : i32
      %scan3A_175 = arith.constant 16 : i32
      %scan3A_176 = arith.addi %scan3A_174, %scan3A_175 : i32
      %scan3A_177 = arith.constant 1 : i32
      %scan3A_178 = scf.for %scan3A_263 = %scan3A_174 to %scan3A_176 step %scan3A_177 iter_args(%scan3A_264 = %scan3A_173) -> (i32)  : i32 {
        %mul3A_265 = arith.constant 5 : i32
        %mul3A_266 = arith.muli %scan3A_263, %mul3A_265 : i32
        %add3A_267 = arith.constant 0 : i32
        %add3A_268 = arith.addi %mul3A_266, %add3A_267 : i32
        %broadcast_in_dim3A_269 = vector.broadcast %add3A_268 : i32 to vector<16xi32>
        %get3A = arith.index_cast %add3A_268 : i32 to index
        %get3A_270 = arith.constant 128 : index
        %get3A_271 = tpu.vector_load %arg12[%get3A, %get3A_270] {strides = array<i32>} : memref<80x144xf32, #tpu.memory_space<vmem>>, vector<16xf32>,
        %get3A_272 = arith.index_cast %add3A_268 : i32 to index
        %get3A_273 = arith.constant 0 : index
        %get3A_274 = tpu.vector_load %arg11[%get3A_272, %get3A_273] {strides = array<i32>} : memref<80x16xf32, #tpu.memory_space<vmem>>, vector<16xf32>,
        %add3A_275 = arith.addf %get3A_271, %get3A_274 : vector<16xf32>
        %gather3A = tpu.vector_load_idx %arg10[%broadcast_in_dim3A_269] : memref<80xf32, #tpu.memory_space<vmem>>[vector<16xi32>], vector<16xf32>,
        %mul3A_276 = arith.mulf %gather3A, %add3A_275 : vector<16xf32>
        %mul3A_277 = arith.constant 2.000000e-01 : f32
        %mul3A_278 = vector.broadcast %mul3A_277 : f32 to vector<16xf32>
        %mul3A_279 = arith.mulf %mul3A_278, %mul3A_276 : vector<16xf32>
        %max3A = arith.maximumf %mul3A_276, %mul3A_279 : vector<16xf32>
        %exp3A = math.exp %max3A : vector<16xf32>
        %swap3A = arith.index_cast %add3A_268 : i32 to index
        %swap3A_280 = arith.constant 128 : index
        %swap3A_281 = tpu.vector_load %arg12[%swap3A, %swap3A_280] {strides = array<i32>} : memref<80x144xf32, #tpu.memory_space<vmem>>, vector<16xf32>,
        tpu.vector_store %arg12[%swap3A, %swap3A_280], %exp3A {strides = array<i32>} : memref<80x144xf32, #tpu.memory_space<vmem>>, vector<16xf32>,
        %add3A_282 = arith.constant 1 : i32
        %add3A_283 = arith.addi %mul3A_266, %add3A_282 : i32
        %broadcast_in_dim3A_284 = vector.broadcast %add3A_283 : i32 to vector<16xi32>
        %get3A_285 = arith.index_cast %add3A_283 : i32 to index
        %get3A_286 = arith.constant 128 : index
        %get3A_287 = tpu.vector_load %arg12[%get3A_285, %get3A_286] {strides = array<i32>} : memref<80x144xf32, #tpu.memory_space<vmem>>, vector<16xf32>,
        %get3A_288 = arith.index_cast %add3A_283 : i32 to index
        %get3A_289 = arith.constant 0 : index
        %get3A_290 = tpu.vector_load %arg11[%get3A_288, %get3A_289] {strides = array<i32>} : memref<80x16xf32, #tpu.memory_space<vmem>>, vector<16xf32>,
        %add3A_291 = arith.addf %get3A_287, %get3A_290 : vector<16xf32>
        %gather3A_292 = tpu.vector_load_idx %arg10[%broadcast_in_dim3A_284] : memref<80xf32, #tpu.memory_space<vmem>>[vector<16xi32>], vector<16xf32>,
        %mul3A_293 = arith.mulf %gather3A_292, %add3A_291 : vector<16xf32>
        %mul3A_294 = arith.constant 2.000000e-01 : f32
        %mul3A_295 = vector.broadcast %mul3A_294 : f32 to vector<16xf32>
        %mul3A_296 = arith.mulf %mul3A_295, %mul3A_293 : vector<16xf32>
        %max3A_297 = arith.maximumf %mul3A_293, %mul3A_296 : vector<16xf32>
        %exp3A_298 = math.exp %max3A_297 : vector<16xf32>
        %swap3A_299 = arith.index_cast %add3A_283 : i32 to index
        %swap3A_300 = arith.constant 128 : index
        %swap3A_301 = tpu.vector_load %arg12[%swap3A_299, %swap3A_300] {strides = array<i32>} : memref<80x144xf32, #tpu.memory_space<vmem>>, vector<16xf32>,
        tpu.vector_store %arg12[%swap3A_299, %swap3A_300], %exp3A_298 {strides = array<i32>} : memref<80x144xf32, #tpu.memory_space<vmem>>, vector<16xf32>,
        %add3A_302 = arith.constant 2 : i32
        %add3A_303 = arith.addi %mul3A_266, %add3A_302 : i32
        %broadcast_in_dim3A_304 = vector.broadcast %add3A_303 : i32 to vector<16xi32>
        %get3A_305 = arith.index_cast %add3A_303 : i32 to index
        %get3A_306 = arith.constant 128 : index
        %get3A_307 = tpu.vector_load %arg12[%get3A_305, %get3A_306] {strides = array<i32>} : memref<80x144xf32, #tpu.memory_space<vmem>>, vector<16xf32>,
        %get3A_308 = arith.index_cast %add3A_303 : i32 to index
        %get3A_309 = arith.constant 0 : index
        %get3A_310 = tpu.vector_load %arg11[%get3A_308, %get3A_309] {strides = array<i32>} : memref<80x16xf32, #tpu.memory_space<vmem>>, vector<16xf32>,
        %add3A_311 = arith.addf %get3A_307, %get3A_310 : vector<16xf32>
        %gather3A_312 = tpu.vector_load_idx %arg10[%broadcast_in_dim3A_304] : memref<80xf32, #tpu.memory_space<vmem>>[vector<16xi32>], vector<16xf32>,
        %mul3A_313 = arith.mulf %gather3A_312, %add3A_311 : vector<16xf32>
        %mul3A_314 = arith.constant 2.000000e-01 : f32
        %mul3A_315 = vector.broadcast %mul3A_314 : f32 to vector<16xf32>
        %mul3A_316 = arith.mulf %mul3A_315, %mul3A_313 : vector<16xf32>
        %max3A_317 = arith.maximumf %mul3A_313, %mul3A_316 : vector<16xf32>
        %exp3A_318 = math.exp %max3A_317 : vector<16xf32>
        %swap3A_319 = arith.index_cast %add3A_303 : i32 to index
        %swap3A_320 = arith.constant 128 : index
        %swap3A_321 = tpu.vector_load %arg12[%swap3A_319, %swap3A_320] {strides = array<i32>} : memref<80x144xf32, #tpu.memory_space<vmem>>, vector<16xf32>,
        tpu.vector_store %arg12[%swap3A_319, %swap3A_320], %exp3A_318 {strides = array<i32>} : memref<80x144xf32, #tpu.memory_space<vmem>>, vector<16xf32>,
        %add3A_322 = arith.constant 3 : i32
        %add3A_323 = arith.addi %mul3A_266, %add3A_322 : i32
        %broadcast_in_dim3A_324 = vector.broadcast %add3A_323 : i32 to vector<16xi32>
        %get3A_325 = arith.index_cast %add3A_323 : i32 to index
        %get3A_326 = arith.constant 128 : index
        %get3A_327 = tpu.vector_load %arg12[%get3A_325, %get3A_326] {strides = array<i32>} : memref<80x144xf32, #tpu.memory_space<vmem>>, vector<16xf32>,
        %get3A_328 = arith.index_cast %add3A_323 : i32 to index
        %get3A_329 = arith.constant 0 : index
        %get3A_330 = tpu.vector_load %arg11[%get3A_328, %get3A_329] {strides = array<i32>} : memref<80x16xf32, #tpu.memory_space<vmem>>, vector<16xf32>,
        %add3A_331 = arith.addf %get3A_327, %get3A_330 : vector<16xf32>
        %gather3A_332 = tpu.vector_load_idx %arg10[%broadcast_in_dim3A_324] : memref<80xf32, #tpu.memory_space<vmem>>[vector<16xi32>], vector<16xf32>,
        %mul3A_333 = arith.mulf %gather3A_332, %add3A_331 : vector<16xf32>
        %mul3A_334 = arith.constant 2.000000e-01 : f32
        %mul3A_335 = vector.broadcast %mul3A_334 : f32 to vector<16xf32>
        %mul3A_336 = arith.mulf %mul3A_335, %mul3A_333 : vector<16xf32>
        %max3A_337 = arith.maximumf %mul3A_333, %mul3A_336 : vector<16xf32>
        %exp3A_338 = math.exp %max3A_337 : vector<16xf32>
        %swap3A_339 = arith.index_cast %add3A_323 : i32 to index
        %swap3A_340 = arith.constant 128 : index
        %swap3A_341 = tpu.vector_load %arg12[%swap3A_339, %swap3A_340] {strides = array<i32>} : memref<80x144xf32, #tpu.memory_space<vmem>>, vector<16xf32>,
        tpu.vector_store %arg12[%swap3A_339, %swap3A_340], %exp3A_338 {strides = array<i32>} : memref<80x144xf32, #tpu.memory_space<vmem>>, vector<16xf32>,
        %add3A_342 = arith.constant 4 : i32
        %add3A_343 = arith.addi %mul3A_266, %add3A_342 : i32
        %broadcast_in_dim3A_344 = vector.broadcast %add3A_343 : i32 to vector<16xi32>
        %get3A_345 = arith.index_cast %add3A_343 : i32 to index
        %get3A_346 = arith.constant 128 : index
        %get3A_347 = tpu.vector_load %arg12[%get3A_345, %get3A_346] {strides = array<i32>} : memref<80x144xf32, #tpu.memory_space<vmem>>, vector<16xf32>,
        %get3A_348 = arith.index_cast %add3A_343 : i32 to index
        %get3A_349 = arith.constant 0 : index
        %get3A_350 = tpu.vector_load %arg11[%get3A_348, %get3A_349] {strides = array<i32>} : memref<80x16xf32, #tpu.memory_space<vmem>>, vector<16xf32>,
        %add3A_351 = arith.addf %get3A_347, %get3A_350 : vector<16xf32>
        %gather3A_352 = tpu.vector_load_idx %arg10[%broadcast_in_dim3A_344] : memref<80xf32, #tpu.memory_space<vmem>>[vector<16xi32>], vector<16xf32>,
        %mul3A_353 = arith.mulf %gather3A_352, %add3A_351 : vector<16xf32>
        %mul3A_354 = arith.constant 2.000000e-01 : f32
        %mul3A_355 = vector.broadcast %mul3A_354 : f32 to vector<16xf32>
        %mul3A_356 = arith.mulf %mul3A_355, %mul3A_353 : vector<16xf32>
        %max3A_357 = arith.maximumf %mul3A_353, %mul3A_356 : vector<16xf32>
        %exp3A_358 = math.exp %max3A_357 : vector<16xf32>
        %swap3A_359 = arith.index_cast %add3A_343 : i32 to index
        %swap3A_360 = arith.constant 128 : index
        %swap3A_361 = tpu.vector_load %arg12[%swap3A_359, %swap3A_360] {strides = array<i32>} : memref<80x144xf32, #tpu.memory_space<vmem>>, vector<16xf32>,
        tpu.vector_store %arg12[%swap3A_359, %swap3A_360], %exp3A_358 {strides = array<i32>} : memref<80x144xf32, #tpu.memory_space<vmem>>, vector<16xf32>,
        %get3A_362 = arith.index_cast %add3A_268 : i32 to index
        %get3A_363 = arith.constant 0 : index
        %get3A_364 = tpu.vector_load %arg12[%get3A_362, %get3A_363] {strides = array<i32>} : memref<80x144xf32, #tpu.memory_space<vmem>>, vector<16xf32>,
        %mul3A_365 = arith.mulf %get3A_364, %exp3A : vector<16xf32>
        %swap3A_366 = arith.index_cast %add3A_268 : i32 to index
        %swap3A_367 = arith.constant 0 : index
        %swap3A_368 = tpu.vector_load %arg12[%swap3A_366, %swap3A_367] {strides = array<i32>} : memref<80x144xf32, #tpu.memory_space<vmem>>, vector<16xf32>,
        tpu.vector_store %arg12[%swap3A_366, %swap3A_367], %mul3A_365 {strides = array<i32>} : memref<80x144xf32, #tpu.memory_space<vmem>>, vector<16xf32>,
        %get3A_369 = arith.index_cast %add3A_268 : i32 to index
        %get3A_370 = arith.constant 16 : index
        %get3A_371 = tpu.vector_load %arg12[%get3A_369, %get3A_370] {strides = array<i32>} : memref<80x144xf32, #tpu.memory_space<vmem>>, vector<16xf32>,
        %mul3A_372 = arith.mulf %get3A_371, %exp3A : vector<16xf32>
        %swap3A_373 = arith.index_cast %add3A_268 : i32 to index
        %swap3A_374 = arith.constant 16 : index
        %swap3A_375 = tpu.vector_load %arg12[%swap3A_373, %swap3A_374] {strides = array<i32>} : memref<80x144xf32, #tpu.memory_space<vmem>>, vector<16xf32>,
        tpu.vector_store %arg12[%swap3A_373, %swap3A_374], %mul3A_372 {strides = array<i32>} : memref<80x144xf32, #tpu.memory_space<vmem>>, vector<16xf32>,
        %get3A_376 = arith.index_cast %add3A_268 : i32 to index
        %get3A_377 = arith.constant 32 : index
        %get3A_378 = tpu.vector_load %arg12[%get3A_376, %get3A_377] {strides = array<i32>} : memref<80x144xf32, #tpu.memory_space<vmem>>, vector<16xf32>,
        %mul3A_379 = arith.mulf %get3A_378, %exp3A : vector<16xf32>
        %swap3A_380 = arith.index_cast %add3A_268 : i32 to index
        %swap3A_381 = arith.constant 32 : index
        %swap3A_382 = tpu.vector_load %arg12[%swap3A_380, %swap3A_381] {strides = array<i32>} : memref<80x144xf32, #tpu.memory_space<vmem>>, vector<16xf32>,
        tpu.vector_store %arg12[%swap3A_380, %swap3A_381], %mul3A_379 {strides = array<i32>} : memref<80x144xf32, #tpu.memory_space<vmem>>, vector<16xf32>,
        %get3A_383 = arith.index_cast %add3A_268 : i32 to index
        %get3A_384 = arith.constant 48 : index
        %get3A_385 = tpu.vector_load %arg12[%get3A_383, %get3A_384] {strides = array<i32>} : memref<80x144xf32, #tpu.memory_space<vmem>>, vector<16xf32>,
        %mul3A_386 = arith.mulf %get3A_385, %exp3A : vector<16xf32>
        %swap3A_387 = arith.index_cast %add3A_268 : i32 to index
        %swap3A_388 = arith.constant 48 : index
        %swap3A_389 = tpu.vector_load %arg12[%swap3A_387, %swap3A_388] {strides = array<i32>} : memref<80x144xf32, #tpu.memory_space<vmem>>, vector<16xf32>,
        tpu.vector_store %arg12[%swap3A_387, %swap3A_388], %mul3A_386 {strides = array<i32>} : memref<80x144xf32, #tpu.memory_space<vmem>>, vector<16xf32>,
        %get3A_390 = arith.index_cast %add3A_268 : i32 to index
        %get3A_391 = arith.constant 64 : index
        %get3A_392 = tpu.vector_load %arg12[%get3A_390, %get3A_391] {strides = array<i32>} : memref<80x144xf32, #tpu.memory_space<vmem>>, vector<16xf32>,
        %mul3A_393 = arith.mulf %get3A_392, %exp3A : vector<16xf32>
        %swap3A_394 = arith.index_cast %add3A_268 : i32 to index
        %swap3A_395 = arith.constant 64 : index
        %swap3A_396 = tpu.vector_load %arg12[%swap3A_394, %swap3A_395] {strides = array<i32>} : memref<80x144xf32, #tpu.memory_space<vmem>>, vector<16xf32>,
        tpu.vector_store %arg12[%swap3A_394, %swap3A_395], %mul3A_393 {strides = array<i32>} : memref<80x144xf32, #tpu.memory_space<vmem>>, vector<16xf32>,
        %get3A_397 = arith.index_cast %add3A_268 : i32 to index
        %get3A_398 = arith.constant 80 : index
        %get3A_399 = tpu.vector_load %arg12[%get3A_397, %get3A_398] {strides = array<i32>} : memref<80x144xf32, #tpu.memory_space<vmem>>, vector<16xf32>,
        %mul3A_400 = arith.mulf %get3A_399, %exp3A : vector<16xf32>
        %swap3A_401 = arith.index_cast %add3A_268 : i32 to index
        %swap3A_402 = arith.constant 80 : index
        %swap3A_403 = tpu.vector_load %arg12[%swap3A_401, %swap3A_402] {strides = array<i32>} : memref<80x144xf32, #tpu.memory_space<vmem>>, vector<16xf32>,
        tpu.vector_store %arg12[%swap3A_401, %swap3A_402], %mul3A_400 {strides = array<i32>} : memref<80x144xf32, #tpu.memory_space<vmem>>, vector<16xf32>,
        %get3A_404 = arith.index_cast %add3A_268 : i32 to index
        %get3A_405 = arith.constant 96 : index
        %get3A_406 = tpu.vector_load %arg12[%get3A_404, %get3A_405] {strides = array<i32>} : memref<80x144xf32, #tpu.memory_space<vmem>>, vector<16xf32>,
        %mul3A_407 = arith.mulf %get3A_406, %exp3A : vector<16xf32>
        %swap3A_408 = arith.index_cast %add3A_268 : i32 to index
        %swap3A_409 = arith.constant 96 : index
        %swap3A_410 = tpu.vector_load %arg12[%swap3A_408, %swap3A_409] {strides = array<i32>} : memref<80x144xf32, #tpu.memory_space<vmem>>, vector<16xf32>,
        tpu.vector_store %arg12[%swap3A_408, %swap3A_409], %mul3A_407 {strides = array<i32>} : memref<80x144xf32, #tpu.memory_space<vmem>>, vector<16xf32>,
        %get3A_411 = arith.index_cast %add3A_268 : i32 to index
        %get3A_412 = arith.constant 112 : index
        %get3A_413 = tpu.vector_load %arg12[%get3A_411, %get3A_412] {strides = array<i32>} : memref<80x144xf32, #tpu.memory_space<vmem>>, vector<16xf32>,
        %mul3A_414 = arith.mulf %get3A_413, %exp3A : vector<16xf32>
        %swap3A_415 = arith.index_cast %add3A_268 : i32 to index
        %swap3A_416 = arith.constant 112 : index
        %swap3A_417 = tpu.vector_load %arg12[%swap3A_415, %swap3A_416] {strides = array<i32>} : memref<80x144xf32, #tpu.memory_space<vmem>>, vector<16xf32>,
        tpu.vector_store %arg12[%swap3A_415, %swap3A_416], %mul3A_414 {strides = array<i32>} : memref<80x144xf32, #tpu.memory_space<vmem>>, vector<16xf32>,
        %get3A_418 = arith.index_cast %add3A_283 : i32 to index
        %get3A_419 = arith.constant 0 : index
        %get3A_420 = tpu.vector_load %arg12[%get3A_418, %get3A_419] {strides = array<i32>} : memref<80x144xf32, #tpu.memory_space<vmem>>, vector<16xf32>,
        %mul3A_421 = arith.mulf %get3A_420, %exp3A_298 : vector<16xf32>
        %swap3A_422 = arith.index_cast %add3A_283 : i32 to index
        %swap3A_423 = arith.constant 0 : index
        %swap3A_424 = tpu.vector_load %arg12[%swap3A_422, %swap3A_423] {strides = array<i32>} : memref<80x144xf32, #tpu.memory_space<vmem>>, vector<16xf32>,
        tpu.vector_store %arg12[%swap3A_422, %swap3A_423], %mul3A_421 {strides = array<i32>} : memref<80x144xf32, #tpu.memory_space<vmem>>, vector<16xf32>,
        %get3A_425 = arith.index_cast %add3A_283 : i32 to index
        %get3A_426 = arith.constant 16 : index
        %get3A_427 = tpu.vector_load %arg12[%get3A_425, %get3A_426] {strides = array<i32>} : memref<80x144xf32, #tpu.memory_space<vmem>>, vector<16xf32>,
        %mul3A_428 = arith.mulf %get3A_427, %exp3A_298 : vector<16xf32>
        %swap3A_429 = arith.index_cast %add3A_283 : i32 to index
        %swap3A_430 = arith.constant 16 : index
        %swap3A_431 = tpu.vector_load %arg12[%swap3A_429, %swap3A_430] {strides = array<i32>} : memref<80x144xf32, #tpu.memory_space<vmem>>, vector<16xf32>,
        tpu.vector_store %arg12[%swap3A_429, %swap3A_430], %mul3A_428 {strides = array<i32>} : memref<80x144xf32, #tpu.memory_space<vmem>>, vector<16xf32>,
        %get3A_432 = arith.index_cast %add3A_283 : i32 to index
        %get3A_433 = arith.constant 32 : index
        %get3A_434 = tpu.vector_load %arg12[%get3A_432, %get3A_433] {strides = array<i32>} : memref<80x144xf32, #tpu.memory_space<vmem>>, vector<16xf32>,
        %mul3A_435 = arith.mulf %get3A_434, %exp3A_298 : vector<16xf32>
        %swap3A_436 = arith.index_cast %add3A_283 : i32 to index
        %swap3A_437 = arith.constant 32 : index
        %swap3A_438 = tpu.vector_load %arg12[%swap3A_436, %swap3A_437] {strides = array<i32>} : memref<80x144xf32, #tpu.memory_space<vmem>>, vector<16xf32>,
        tpu.vector_store %arg12[%swap3A_436, %swap3A_437], %mul3A_435 {strides = array<i32>} : memref<80x144xf32, #tpu.memory_space<vmem>>, vector<16xf32>,
        %get3A_439 = arith.index_cast %add3A_283 : i32 to index
        %get3A_440 = arith.constant 48 : index
        %get3A_441 = tpu.vector_load %arg12[%get3A_439, %get3A_440] {strides = array<i32>} : memref<80x144xf32, #tpu.memory_space<vmem>>, vector<16xf32>,
        %mul3A_442 = arith.mulf %get3A_441, %exp3A_298 : vector<16xf32>
        %swap3A_443 = arith.index_cast %add3A_283 : i32 to index
        %swap3A_444 = arith.constant 48 : index
        %swap3A_445 = tpu.vector_load %arg12[%swap3A_443, %swap3A_444] {strides = array<i32>} : memref<80x144xf32, #tpu.memory_space<vmem>>, vector<16xf32>,
        tpu.vector_store %arg12[%swap3A_443, %swap3A_444], %mul3A_442 {strides = array<i32>} : memref<80x144xf32, #tpu.memory_space<vmem>>, vector<16xf32>,
        %get3A_446 = arith.index_cast %add3A_283 : i32 to index
        %get3A_447 = arith.constant 64 : index
        %get3A_448 = tpu.vector_load %arg12[%get3A_446, %get3A_447] {strides = array<i32>} : memref<80x144xf32, #tpu.memory_space<vmem>>, vector<16xf32>,
        %mul3A_449 = arith.mulf %get3A_448, %exp3A_298 : vector<16xf32>
        %swap3A_450 = arith.index_cast %add3A_283 : i32 to index
        %swap3A_451 = arith.constant 64 : index
        %swap3A_452 = tpu.vector_load %arg12[%swap3A_450, %swap3A_451] {strides = array<i32>} : memref<80x144xf32, #tpu.memory_space<vmem>>, vector<16xf32>,
        tpu.vector_store %arg12[%swap3A_450, %swap3A_451], %mul3A_449 {strides = array<i32>} : memref<80x144xf32, #tpu.memory_space<vmem>>, vector<16xf32>,
        %get3A_453 = arith.index_cast %add3A_283 : i32 to index
        %get3A_454 = arith.constant 80 : index
        %get3A_455 = tpu.vector_load %arg12[%get3A_453, %get3A_454] {strides = array<i32>} : memref<80x144xf32, #tpu.memory_space<vmem>>, vector<16xf32>,
        %mul3A_456 = arith.mulf %get3A_455, %exp3A_298 : vector<16xf32>
        %swap3A_457 = arith.index_cast %add3A_283 : i32 to index
        %swap3A_458 = arith.constant 80 : index
        %swap3A_459 = tpu.vector_load %arg12[%swap3A_457, %swap3A_458] {strides = array<i32>} : memref<80x144xf32, #tpu.memory_space<vmem>>, vector<16xf32>,
        tpu.vector_store %arg12[%swap3A_457, %swap3A_458], %mul3A_456 {strides = array<i32>} : memref<80x144xf32, #tpu.memory_space<vmem>>, vector<16xf32>,
        %get3A_460 = arith.index_cast %add3A_283 : i32 to index
        %get3A_461 = arith.constant 96 : index
        %get3A_462 = tpu.vector_load %arg12[%get3A_460, %get3A_461] {strides = array<i32>} : memref<80x144xf32, #tpu.memory_space<vmem>>, vector<16xf32>,
        %mul3A_463 = arith.mulf %get3A_462, %exp3A_298 : vector<16xf32>
        %swap3A_464 = arith.index_cast %add3A_283 : i32 to index
        %swap3A_465 = arith.constant 96 : index
        %swap3A_466 = tpu.vector_load %arg12[%swap3A_464, %swap3A_465] {strides = array<i32>} : memref<80x144xf32, #tpu.memory_space<vmem>>, vector<16xf32>,
        tpu.vector_store %arg12[%swap3A_464, %swap3A_465], %mul3A_463 {strides = array<i32>} : memref<80x144xf32, #tpu.memory_space<vmem>>, vector<16xf32>,
        %get3A_467 = arith.index_cast %add3A_283 : i32 to index
        %get3A_468 = arith.constant 112 : index
        %get3A_469 = tpu.vector_load %arg12[%get3A_467, %get3A_468] {strides = array<i32>} : memref<80x144xf32, #tpu.memory_space<vmem>>, vector<16xf32>,
        %mul3A_470 = arith.mulf %get3A_469, %exp3A_298 : vector<16xf32>
        %swap3A_471 = arith.index_cast %add3A_283 : i32 to index
        %swap3A_472 = arith.constant 112 : index
        %swap3A_473 = tpu.vector_load %arg12[%swap3A_471, %swap3A_472] {strides = array<i32>} : memref<80x144xf32, #tpu.memory_space<vmem>>, vector<16xf32>,
        tpu.vector_store %arg12[%swap3A_471, %swap3A_472], %mul3A_470 {strides = array<i32>} : memref<80x144xf32, #tpu.memory_space<vmem>>, vector<16xf32>,
        %get3A_474 = arith.index_cast %add3A_303 : i32 to index
        %get3A_475 = arith.constant 0 : index
        %get3A_476 = tpu.vector_load %arg12[%get3A_474, %get3A_475] {strides = array<i32>} : memref<80x144xf32, #tpu.memory_space<vmem>>, vector<16xf32>,
        %mul3A_477 = arith.mulf %get3A_476, %exp3A_318 : vector<16xf32>
        %swap3A_478 = arith.index_cast %add3A_303 : i32 to index
        %swap3A_479 = arith.constant 0 : index
        %swap3A_480 = tpu.vector_load %arg12[%swap3A_478, %swap3A_479] {strides = array<i32>} : memref<80x144xf32, #tpu.memory_space<vmem>>, vector<16xf32>,
        tpu.vector_store %arg12[%swap3A_478, %swap3A_479], %mul3A_477 {strides = array<i32>} : memref<80x144xf32, #tpu.memory_space<vmem>>, vector<16xf32>,
        %get3A_481 = arith.index_cast %add3A_303 : i32 to index
        %get3A_482 = arith.constant 16 : index
        %get3A_483 = tpu.vector_load %arg12[%get3A_481, %get3A_482] {strides = array<i32>} : memref<80x144xf32, #tpu.memory_space<vmem>>, vector<16xf32>,
        %mul3A_484 = arith.mulf %get3A_483, %exp3A_318 : vector<16xf32>
        %swap3A_485 = arith.index_cast %add3A_303 : i32 to index
        %swap3A_486 = arith.constant 16 : index
        %swap3A_487 = tpu.vector_load %arg12[%swap3A_485, %swap3A_486] {strides = array<i32>} : memref<80x144xf32, #tpu.memory_space<vmem>>, vector<16xf32>,
        tpu.vector_store %arg12[%swap3A_485, %swap3A_486], %mul3A_484 {strides = array<i32>} : memref<80x144xf32, #tpu.memory_space<vmem>>, vector<16xf32>,
        %get3A_488 = arith.index_cast %add3A_303 : i32 to index
        %get3A_489 = arith.constant 32 : index
        %get3A_490 = tpu.vector_load %arg12[%get3A_488, %get3A_489] {strides = array<i32>} : memref<80x144xf32, #tpu.memory_space<vmem>>, vector<16xf32>,
        %mul3A_491 = arith.mulf %get3A_490, %exp3A_318 : vector<16xf32>
        %swap3A_492 = arith.index_cast %add3A_303 : i32 to index
        %swap3A_493 = arith.constant 32 : index
        %swap3A_494 = tpu.vector_load %arg12[%swap3A_492, %swap3A_493] {strides = array<i32>} : memref<80x144xf32, #tpu.memory_space<vmem>>, vector<16xf32>,
        tpu.vector_store %arg12[%swap3A_492, %swap3A_493], %mul3A_491 {strides = array<i32>} : memref<80x144xf32, #tpu.memory_space<vmem>>, vector<16xf32>,
        %get3A_495 = arith.index_cast %add3A_303 : i32 to index
        %get3A_496 = arith.constant 48 : index
        %get3A_497 = tpu.vector_load %arg12[%get3A_495, %get3A_496] {strides = array<i32>} : memref<80x144xf32, #tpu.memory_space<vmem>>, vector<16xf32>,
        %mul3A_498 = arith.mulf %get3A_497, %exp3A_318 : vector<16xf32>
        %swap3A_499 = arith.index_cast %add3A_303 : i32 to index
        %swap3A_500 = arith.constant 48 : index
        %swap3A_501 = tpu.vector_load %arg12[%swap3A_499, %swap3A_500] {strides = array<i32>} : memref<80x144xf32, #tpu.memory_space<vmem>>, vector<16xf32>,
        tpu.vector_store %arg12[%swap3A_499, %swap3A_500], %mul3A_498 {strides = array<i32>} : memref<80x144xf32, #tpu.memory_space<vmem>>, vector<16xf32>,
        %get3A_502 = arith.index_cast %add3A_303 : i32 to index
        %get3A_503 = arith.constant 64 : index
        %get3A_504 = tpu.vector_load %arg12[%get3A_502, %get3A_503] {strides = array<i32>} : memref<80x144xf32, #tpu.memory_space<vmem>>, vector<16xf32>,
        %mul3A_505 = arith.mulf %get3A_504, %exp3A_318 : vector<16xf32>
        %swap3A_506 = arith.index_cast %add3A_303 : i32 to index
        %swap3A_507 = arith.constant 64 : index
        %swap3A_508 = tpu.vector_load %arg12[%swap3A_506, %swap3A_507] {strides = array<i32>} : memref<80x144xf32, #tpu.memory_space<vmem>>, vector<16xf32>,
        tpu.vector_store %arg12[%swap3A_506, %swap3A_507], %mul3A_505 {strides = array<i32>} : memref<80x144xf32, #tpu.memory_space<vmem>>, vector<16xf32>,
        %get3A_509 = arith.index_cast %add3A_303 : i32 to index
        %get3A_510 = arith.constant 80 : index
        %get3A_511 = tpu.vector_load %arg12[%get3A_509, %get3A_510] {strides = array<i32>} : memref<80x144xf32, #tpu.memory_space<vmem>>, vector<16xf32>,
        %mul3A_512 = arith.mulf %get3A_511, %exp3A_318 : vector<16xf32>
        %swap3A_513 = arith.index_cast %add3A_303 : i32 to index
        %swap3A_514 = arith.constant 80 : index
        %swap3A_515 = tpu.vector_load %arg12[%swap3A_513, %swap3A_514] {strides = array<i32>} : memref<80x144xf32, #tpu.memory_space<vmem>>, vector<16xf32>,
        tpu.vector_store %arg12[%swap3A_513, %swap3A_514], %mul3A_512 {strides = array<i32>} : memref<80x144xf32, #tpu.memory_space<vmem>>, vector<16xf32>,
        %get3A_516 = arith.index_cast %add3A_303 : i32 to index
        %get3A_517 = arith.constant 96 : index
        %get3A_518 = tpu.vector_load %arg12[%get3A_516, %get3A_517] {strides = array<i32>} : memref<80x144xf32, #tpu.memory_space<vmem>>, vector<16xf32>,
        %mul3A_519 = arith.mulf %get3A_518, %exp3A_318 : vector<16xf32>
        %swap3A_520 = arith.index_cast %add3A_303 : i32 to index
        %swap3A_521 = arith.constant 96 : index
        %swap3A_522 = tpu.vector_load %arg12[%swap3A_520, %swap3A_521] {strides = array<i32>} : memref<80x144xf32, #tpu.memory_space<vmem>>, vector<16xf32>,
        tpu.vector_store %arg12[%swap3A_520, %swap3A_521], %mul3A_519 {strides = array<i32>} : memref<80x144xf32, #tpu.memory_space<vmem>>, vector<16xf32>,
        %get3A_523 = arith.index_cast %add3A_303 : i32 to index
        %get3A_524 = arith.constant 112 : index
        %get3A_525 = tpu.vector_load %arg12[%get3A_523, %get3A_524] {strides = array<i32>} : memref<80x144xf32, #tpu.memory_space<vmem>>, vector<16xf32>,
        %mul3A_526 = arith.mulf %get3A_525, %exp3A_318 : vector<16xf32>
        %swap3A_527 = arith.index_cast %add3A_303 : i32 to index
        %swap3A_528 = arith.constant 112 : index
        %swap3A_529 = tpu.vector_load %arg12[%swap3A_527, %swap3A_528] {strides = array<i32>} : memref<80x144xf32, #tpu.memory_space<vmem>>, vector<16xf32>,
        tpu.vector_store %arg12[%swap3A_527, %swap3A_528], %mul3A_526 {strides = array<i32>} : memref<80x144xf32, #tpu.memory_space<vmem>>, vector<16xf32>,
        %get3A_530 = arith.index_cast %add3A_323 : i32 to index
        %get3A_531 = arith.constant 0 : index
        %get3A_532 = tpu.vector_load %arg12[%get3A_530, %get3A_531] {strides = array<i32>} : memref<80x144xf32, #tpu.memory_space<vmem>>, vector<16xf32>,
        %mul3A_533 = arith.mulf %get3A_532, %exp3A_338 : vector<16xf32>
        %swap3A_534 = arith.index_cast %add3A_323 : i32 to index
        %swap3A_535 = arith.constant 0 : index
        %swap3A_536 = tpu.vector_load %arg12[%swap3A_534, %swap3A_535] {strides = array<i32>} : memref<80x144xf32, #tpu.memory_space<vmem>>, vector<16xf32>,
        tpu.vector_store %arg12[%swap3A_534, %swap3A_535], %mul3A_533 {strides = array<i32>} : memref<80x144xf32, #tpu.memory_space<vmem>>, vector<16xf32>,
        %get3A_537 = arith.index_cast %add3A_323 : i32 to index
        %get3A_538 = arith.constant 16 : index
        %get3A_539 = tpu.vector_load %arg12[%get3A_537, %get3A_538] {strides = array<i32>} : memref<80x144xf32, #tpu.memory_space<vmem>>, vector<16xf32>,
        %mul3A_540 = arith.mulf %get3A_539, %exp3A_338 : vector<16xf32>
        %swap3A_541 = arith.index_cast %add3A_323 : i32 to index
        %swap3A_542 = arith.constant 16 : index
        %swap3A_543 = tpu.vector_load %arg12[%swap3A_541, %swap3A_542] {strides = array<i32>} : memref<80x144xf32, #tpu.memory_space<vmem>>, vector<16xf32>,
        tpu.vector_store %arg12[%swap3A_541, %swap3A_542], %mul3A_540 {strides = array<i32>} : memref<80x144xf32, #tpu.memory_space<vmem>>, vector<16xf32>,
        %get3A_544 = arith.index_cast %add3A_323 : i32 to index
        %get3A_545 = arith.constant 32 : index
        %get3A_546 = tpu.vector_load %arg12[%get3A_544, %get3A_545] {strides = array<i32>} : memref<80x144xf32, #tpu.memory_space<vmem>>, vector<16xf32>,
        %mul3A_547 = arith.mulf %get3A_546, %exp3A_338 : vector<16xf32>
        %swap3A_548 = arith.index_cast %add3A_323 : i32 to index
        %swap3A_549 = arith.constant 32 : index
        %swap3A_550 = tpu.vector_load %arg12[%swap3A_548, %swap3A_549] {strides = array<i32>} : memref<80x144xf32, #tpu.memory_space<vmem>>, vector<16xf32>,
        tpu.vector_store %arg12[%swap3A_548, %swap3A_549], %mul3A_547 {strides = array<i32>} : memref<80x144xf32, #tpu.memory_space<vmem>>, vector<16xf32>,
        %get3A_551 = arith.index_cast %add3A_323 : i32 to index
        %get3A_552 = arith.constant 48 : index
        %get3A_553 = tpu.vector_load %arg12[%get3A_551, %get3A_552] {strides = array<i32>} : memref<80x144xf32, #tpu.memory_space<vmem>>, vector<16xf32>,
        %mul3A_554 = arith.mulf %get3A_553, %exp3A_338 : vector<16xf32>
        %swap3A_555 = arith.index_cast %add3A_323 : i32 to index
        %swap3A_556 = arith.constant 48 : index
        %swap3A_557 = tpu.vector_load %arg12[%swap3A_555, %swap3A_556] {strides = array<i32>} : memref<80x144xf32, #tpu.memory_space<vmem>>, vector<16xf32>,
        tpu.vector_store %arg12[%swap3A_555, %swap3A_556], %mul3A_554 {strides = array<i32>} : memref<80x144xf32, #tpu.memory_space<vmem>>, vector<16xf32>,
        %get3A_558 = arith.index_cast %add3A_323 : i32 to index
        %get3A_559 = arith.constant 64 : index
        %get3A_560 = tpu.vector_load %arg12[%get3A_558, %get3A_559] {strides = array<i32>} : memref<80x144xf32, #tpu.memory_space<vmem>>, vector<16xf32>,
        %mul3A_561 = arith.mulf %get3A_560, %exp3A_338 : vector<16xf32>
        %swap3A_562 = arith.index_cast %add3A_323 : i32 to index
        %swap3A_563 = arith.constant 64 : index
        %swap3A_564 = tpu.vector_load %arg12[%swap3A_562, %swap3A_563] {strides = array<i32>} : memref<80x144xf32, #tpu.memory_space<vmem>>, vector<16xf32>,
        tpu.vector_store %arg12[%swap3A_562, %swap3A_563], %mul3A_561 {strides = array<i32>} : memref<80x144xf32, #tpu.memory_space<vmem>>, vector<16xf32>,
        %get3A_565 = arith.index_cast %add3A_323 : i32 to index
        %get3A_566 = arith.constant 80 : index
        %get3A_567 = tpu.vector_load %arg12[%get3A_565, %get3A_566] {strides = array<i32>} : memref<80x144xf32, #tpu.memory_space<vmem>>, vector<16xf32>,
        %mul3A_568 = arith.mulf %get3A_567, %exp3A_338 : vector<16xf32>
        %swap3A_569 = arith.index_cast %add3A_323 : i32 to index
        %swap3A_570 = arith.constant 80 : index
        %swap3A_571 = tpu.vector_load %arg12[%swap3A_569, %swap3A_570] {strides = array<i32>} : memref<80x144xf32, #tpu.memory_space<vmem>>, vector<16xf32>,
        tpu.vector_store %arg12[%swap3A_569, %swap3A_570], %mul3A_568 {strides = array<i32>} : memref<80x144xf32, #tpu.memory_space<vmem>>, vector<16xf32>,
        %get3A_572 = arith.index_cast %add3A_323 : i32 to index
        %get3A_573 = arith.constant 96 : index
        %get3A_574 = tpu.vector_load %arg12[%get3A_572, %get3A_573] {strides = array<i32>} : memref<80x144xf32, #tpu.memory_space<vmem>>, vector<16xf32>,
        %mul3A_575 = arith.mulf %get3A_574, %exp3A_338 : vector<16xf32>
        %swap3A_576 = arith.index_cast %add3A_323 : i32 to index
        %swap3A_577 = arith.constant 96 : index
        %swap3A_578 = tpu.vector_load %arg12[%swap3A_576, %swap3A_577] {strides = array<i32>} : memref<80x144xf32, #tpu.memory_space<vmem>>, vector<16xf32>,
        tpu.vector_store %arg12[%swap3A_576, %swap3A_577], %mul3A_575 {strides = array<i32>} : memref<80x144xf32, #tpu.memory_space<vmem>>, vector<16xf32>,
        %get3A_579 = arith.index_cast %add3A_323 : i32 to index
        %get3A_580 = arith.constant 112 : index
        %get3A_581 = tpu.vector_load %arg12[%get3A_579, %get3A_580] {strides = array<i32>} : memref<80x144xf32, #tpu.memory_space<vmem>>, vector<16xf32>,
        %mul3A_582 = arith.mulf %get3A_581, %exp3A_338 : vector<16xf32>
        %swap3A_583 = arith.index_cast %add3A_323 : i32 to index
        %swap3A_584 = arith.constant 112 : index
        %swap3A_585 = tpu.vector_load %arg12[%swap3A_583, %swap3A_584] {strides = array<i32>} : memref<80x144xf32, #tpu.memory_space<vmem>>, vector<16xf32>,
        tpu.vector_store %arg12[%swap3A_583, %swap3A_584], %mul3A_582 {strides = array<i32>} : memref<80x144xf32, #tpu.memory_space<vmem>>, vector<16xf32>,
        %get3A_586 = arith.index_cast %add3A_343 : i32 to index
        %get3A_587 = arith.constant 0 : index
        %get3A_588 = tpu.vector_load %arg12[%get3A_586, %get3A_587] {strides = array<i32>} : memref<80x144xf32, #tpu.memory_space<vmem>>, vector<16xf32>,
        %mul3A_589 = arith.mulf %get3A_588, %exp3A_358 : vector<16xf32>
        %swap3A_590 = arith.index_cast %add3A_343 : i32 to index
        %swap3A_591 = arith.constant 0 : index
        %swap3A_592 = tpu.vector_load %arg12[%swap3A_590, %swap3A_591] {strides = array<i32>} : memref<80x144xf32, #tpu.memory_space<vmem>>, vector<16xf32>,
        tpu.vector_store %arg12[%swap3A_590, %swap3A_591], %mul3A_589 {strides = array<i32>} : memref<80x144xf32, #tpu.memory_space<vmem>>, vector<16xf32>,
        %get3A_593 = arith.index_cast %add3A_343 : i32 to index
        %get3A_594 = arith.constant 16 : index
        %get3A_595 = tpu.vector_load %arg12[%get3A_593, %get3A_594] {strides = array<i32>} : memref<80x144xf32, #tpu.memory_space<vmem>>, vector<16xf32>,
        %mul3A_596 = arith.mulf %get3A_595, %exp3A_358 : vector<16xf32>
        %swap3A_597 = arith.index_cast %add3A_343 : i32 to index
        %swap3A_598 = arith.constant 16 : index
        %swap3A_599 = tpu.vector_load %arg12[%swap3A_597, %swap3A_598] {strides = array<i32>} : memref<80x144xf32, #tpu.memory_space<vmem>>, vector<16xf32>,
        tpu.vector_store %arg12[%swap3A_597, %swap3A_598], %mul3A_596 {strides = array<i32>} : memref<80x144xf32, #tpu.memory_space<vmem>>, vector<16xf32>,
        %get3A_600 = arith.index_cast %add3A_343 : i32 to index
        %get3A_601 = arith.constant 32 : index
        %get3A_602 = tpu.vector_load %arg12[%get3A_600, %get3A_601] {strides = array<i32>} : memref<80x144xf32, #tpu.memory_space<vmem>>, vector<16xf32>,
        %mul3A_603 = arith.mulf %get3A_602, %exp3A_358 : vector<16xf32>
        %swap3A_604 = arith.index_cast %add3A_343 : i32 to index
        %swap3A_605 = arith.constant 32 : index
        %swap3A_606 = tpu.vector_load %arg12[%swap3A_604, %swap3A_605] {strides = array<i32>} : memref<80x144xf32, #tpu.memory_space<vmem>>, vector<16xf32>,
        tpu.vector_store %arg12[%swap3A_604, %swap3A_605], %mul3A_603 {strides = array<i32>} : memref<80x144xf32, #tpu.memory_space<vmem>>, vector<16xf32>,
        %get3A_607 = arith.index_cast %add3A_343 : i32 to index
        %get3A_608 = arith.constant 48 : index
        %get3A_609 = tpu.vector_load %arg12[%get3A_607, %get3A_608] {strides = array<i32>} : memref<80x144xf32, #tpu.memory_space<vmem>>, vector<16xf32>,
        %mul3A_610 = arith.mulf %get3A_609, %exp3A_358 : vector<16xf32>
        %swap3A_611 = arith.index_cast %add3A_343 : i32 to index
        %swap3A_612 = arith.constant 48 : index
        %swap3A_613 = tpu.vector_load %arg12[%swap3A_611, %swap3A_612] {strides = array<i32>} : memref<80x144xf32, #tpu.memory_space<vmem>>, vector<16xf32>,
        tpu.vector_store %arg12[%swap3A_611, %swap3A_612], %mul3A_610 {strides = array<i32>} : memref<80x144xf32, #tpu.memory_space<vmem>>, vector<16xf32>,
        %get3A_614 = arith.index_cast %add3A_343 : i32 to index
        %get3A_615 = arith.constant 64 : index
        %get3A_616 = tpu.vector_load %arg12[%get3A_614, %get3A_615] {strides = array<i32>} : memref<80x144xf32, #tpu.memory_space<vmem>>, vector<16xf32>,
        %mul3A_617 = arith.mulf %get3A_616, %exp3A_358 : vector<16xf32>
        %swap3A_618 = arith.index_cast %add3A_343 : i32 to index
        %swap3A_619 = arith.constant 64 : index
        %swap3A_620 = tpu.vector_load %arg12[%swap3A_618, %swap3A_619] {strides = array<i32>} : memref<80x144xf32, #tpu.memory_space<vmem>>, vector<16xf32>,
        tpu.vector_store %arg12[%swap3A_618, %swap3A_619], %mul3A_617 {strides = array<i32>} : memref<80x144xf32, #tpu.memory_space<vmem>>, vector<16xf32>,
        %get3A_621 = arith.index_cast %add3A_343 : i32 to index
        %get3A_622 = arith.constant 80 : index
        %get3A_623 = tpu.vector_load %arg12[%get3A_621, %get3A_622] {strides = array<i32>} : memref<80x144xf32, #tpu.memory_space<vmem>>, vector<16xf32>,
        %mul3A_624 = arith.mulf %get3A_623, %exp3A_358 : vector<16xf32>
        %swap3A_625 = arith.index_cast %add3A_343 : i32 to index
        %swap3A_626 = arith.constant 80 : index
        %swap3A_627 = tpu.vector_load %arg12[%swap3A_625, %swap3A_626] {strides = array<i32>} : memref<80x144xf32, #tpu.memory_space<vmem>>, vector<16xf32>,
        tpu.vector_store %arg12[%swap3A_625, %swap3A_626], %mul3A_624 {strides = array<i32>} : memref<80x144xf32, #tpu.memory_space<vmem>>, vector<16xf32>,
        %get3A_628 = arith.index_cast %add3A_343 : i32 to index
        %get3A_629 = arith.constant 96 : index
        %get3A_630 = tpu.vector_load %arg12[%get3A_628, %get3A_629] {strides = array<i32>} : memref<80x144xf32, #tpu.memory_space<vmem>>, vector<16xf32>,
        %mul3A_631 = arith.mulf %get3A_630, %exp3A_358 : vector<16xf32>
        %swap3A_632 = arith.index_cast %add3A_343 : i32 to index
        %swap3A_633 = arith.constant 96 : index
        %swap3A_634 = tpu.vector_load %arg12[%swap3A_632, %swap3A_633] {strides = array<i32>} : memref<80x144xf32, #tpu.memory_space<vmem>>, vector<16xf32>,
        tpu.vector_store %arg12[%swap3A_632, %swap3A_633], %mul3A_631 {strides = array<i32>} : memref<80x144xf32, #tpu.memory_space<vmem>>, vector<16xf32>,
        %get3A_635 = arith.index_cast %add3A_343 : i32 to index
        %get3A_636 = arith.constant 112 : index
        %get3A_637 = tpu.vector_load %arg12[%get3A_635, %get3A_636] {strides = array<i32>} : memref<80x144xf32, #tpu.memory_space<vmem>>, vector<16xf32>,
        %mul3A_638 = arith.mulf %get3A_637, %exp3A_358 : vector<16xf32>
        %swap3A_639 = arith.index_cast %add3A_343 : i32 to index
        %swap3A_640 = arith.constant 112 : index
        %swap3A_641 = tpu.vector_load %arg12[%swap3A_639, %swap3A_640] {strides = array<i32>} : memref<80x144xf32, #tpu.memory_space<vmem>>, vector<16xf32>,
        tpu.vector_store %arg12[%swap3A_639, %swap3A_640], %mul3A_638 {strides = array<i32>} : memref<80x144xf32, #tpu.memory_space<vmem>>, vector<16xf32>,
        %scan3A_642 = arith.constant 0 : i32
        scf.yield %scan3A_642 : i32
      }
      %scan3A_179 = arith.constant 16 : i32
      %mul3A_180 = arith.constant 80 : i32
      %mul3A_181 = arith.muli %mul3A_139, %mul3A_180 : i32
      %dma_start3A_182 = tpu.memref_slice %arg8[%mul3A_181] : memref<10000xi32, #tpu.memory_space<vmem>> -> memref<80xi32, #tpu.memory_space<vmem>>
      %dma_start3A_183 = arith.constant 0 : i32
      %dma_start3A_184 = arith.constant 0 : i32
      %dma_start3A_185 = tpu.memref_slice %arg17[%dma_start3A_183, %dma_start3A_184] : memref<10112x144xf32, #tpu.memory_space<vmem_shared>> -> memref<10112x144xf32, #tpu.memory_space<vmem_shared>>
      tpu.enqueue_indirect_dma source(%arg12 : memref<80x144xf32, #tpu.memory_space<vmem>>) target(%dma_start3A_185 : memref<10112x144xf32, #tpu.memory_space<vmem_shared>>) offsets(%dma_start3A_182 : memref<80xi32, #tpu.memory_space<vmem>>) semaphore(%arg20 : memref<!tpu.dma_semaphore, #tpu.memory_space<semaphore_mem>>) {add = true}
      %add3A_186 = arith.constant 2 : i32
      %add3A_187 = arith.addi %mul3A_139, %add3A_186 : i32
      %min3A_188 = arith.constant 124 : i32
      %min3A_189 = arith.minsi %add3A_187, %min3A_188 : i32
      %mul3A_190 = arith.constant 80 : i32
      %mul3A_191 = arith.muli %min3A_189, %mul3A_190 : i32
      %add3A_192 = arith.addi %mul3A_2, %mul3A_191 : i32
      %dma_start3A_193 = tpu.memref_slice %arg2[%add3A_192] : memref<320000xi32, #tpu.memory_space<hbm>> -> memref<80xi32, #tpu.memory_space<hbm>>
      %dma_start3A_194 = tpu.memref_slice %arg2[%add3A_192] : memref<320000xi32, #tpu.memory_space<hbm>> -> memref<80xi32, #tpu.memory_space<hbm>>
      tpu.enqueue_dma source(%dma_start3A_194 : memref<80xi32, #tpu.memory_space<hbm>>) target(%arg9 : memref<80xi32, #tpu.memory_space<vmem>>) target_semaphore(%arg22 : memref<!tpu.dma_semaphore, #tpu.memory_space<semaphore_mem>>)
      %dma_start3A_195 = tpu.memref_slice %arg4[%add3A_192] : memref<320000xf32, #tpu.memory_space<hbm>> -> memref<80xf32, #tpu.memory_space<hbm>>
      %dma_start3A_196 = tpu.memref_slice %arg4[%add3A_192] : memref<320000xf32, #tpu.memory_space<hbm>> -> memref<80xf32, #tpu.memory_space<hbm>>
      tpu.enqueue_dma source(%dma_start3A_196 : memref<80xf32, #tpu.memory_space<hbm>>) target(%arg10 : memref<80xf32, #tpu.memory_space<vmem>>) target_semaphore(%arg22 : memref<!tpu.dma_semaphore, #tpu.memory_space<semaphore_mem>>)
      %add3A_197 = arith.constant 1 : i32
      %add3A_198 = arith.addi %mul3A_139, %add3A_197 : i32
      %dma_wait3A_199 = arith.constant 0 : i32
      %dma_wait3A_200 = arith.constant 0 : i32
      %dma_wait3A_201 = tpu.memref_slice %arg6[%dma_wait3A_199, %dma_wait3A_200] : memref<10000x144xf32, #tpu.memory_space<hbm>> -> memref<10000x144xf32, #tpu.memory_space<hbm>>
      tpu.wait_indirect_dma semaphore(%arg19 : memref<!tpu.dma_semaphore, #tpu.memory_space<semaphore_mem>>) src(%dma_wait3A_201 : memref<10000x144xf32, #tpu.memory_space<hbm>>) dst(%arg16 : memref<80x144xf32, #tpu.memory_space<vmem>>)
      %mul3A_202 = arith.constant 80 : i32
      %mul3A_203 = arith.muli %add3A_198, %mul3A_202 : i32
      %dma_wait3A_204 = tpu.memref_slice %arg8[%mul3A_203] : memref<10000xi32, #tpu.memory_space<vmem>> -> memref<80xi32, #tpu.memory_space<vmem>>
      %dma_wait3A_205 = arith.constant 0 : i32
      %dma_wait3A_206 = arith.constant 0 : i32
      %dma_wait3A_207 = tpu.memref_slice %arg5[%dma_wait3A_205, %dma_wait3A_206] : memref<10000x16xf32, #tpu.memory_space<hbm>> -> memref<10000x16xf32, #tpu.memory_space<hbm>>
      tpu.wait_indirect_dma semaphore(%arg19 : memref<!tpu.dma_semaphore, #tpu.memory_space<semaphore_mem>>) src(%dma_wait3A_207 : memref<10000x16xf32, #tpu.memory_space<hbm>>) dst(%arg15 : memref<80x16xf32, #tpu.memory_space<vmem>>)
      %mul3A_208 = arith.constant 80 : i32
      %mul3A_209 = arith.muli %mul3A_139, %mul3A_208 : i32
      %dma_wait3A_210 = tpu.memref_slice %arg8[%mul3A_209] : memref<10000xi32, #tpu.memory_space<vmem>> -> memref<80xi32, #tpu.memory_space<vmem>>
      %dma_wait3A_211 = arith.constant 0 : i32
      %dma_wait3A_212 = arith.constant 0 : i32
      %dma_wait3A_213 = tpu.memref_slice %arg17[%dma_wait3A_211, %dma_wait3A_212] : memref<10112x144xf32, #tpu.memory_space<vmem_shared>> -> memref<10112x144xf32, #tpu.memory_space<vmem_shared>>
      tpu.wait_indirect_dma semaphore(%arg20 : memref<!tpu.dma_semaphore, #tpu.memory_space<semaphore_mem>>) src(%arg12 : memref<80x144xf32, #tpu.memory_space<vmem>>) dst(%dma_wait3A_213 : memref<10112x144xf32, #tpu.memory_space<vmem_shared>>)
      %add3A_214 = arith.constant 2 : i32
      %add3A_215 = arith.addi %mul3A_139, %add3A_214 : i32
      %min3A_216 = arith.constant 124 : i32
      %min3A_217 = arith.minsi %add3A_215, %min3A_216 : i32
      %mul3A_218 = arith.constant 80 : i32
      %mul3A_219 = arith.muli %min3A_217, %mul3A_218 : i32
      %add3A_220 = arith.addi %mul3A_2, %mul3A_219 : i32
      %dma_wait3A_221 = tpu.memref_slice %arg2[%add3A_220] : memref<320000xi32, #tpu.memory_space<hbm>> -> memref<80xi32, #tpu.memory_space<hbm>>
      %dma_wait3A_222 = tpu.memref_slice %arg2[%add3A_220] : memref<320000xi32, #tpu.memory_space<hbm>> -> memref<80xi32, #tpu.memory_space<hbm>>
      tpu.wait_dma2 semaphore(%arg22 : memref<!tpu.dma_semaphore, #tpu.memory_space<semaphore_mem>>) src(%dma_wait3A_222 : memref<80xi32, #tpu.memory_space<hbm>>) dst(%arg9 : memref<80xi32, #tpu.memory_space<vmem>>)
      %dma_wait3A_223 = tpu.memref_slice %arg4[%add3A_220] : memref<320000xf32, #tpu.memory_space<hbm>> -> memref<80xf32, #tpu.memory_space<hbm>>
      %dma_wait3A_224 = tpu.memref_slice %arg4[%add3A_220] : memref<320000xf32, #tpu.memory_space<hbm>> -> memref<80xf32, #tpu.memory_space<hbm>>
      tpu.wait_dma2 semaphore(%arg22 : memref<!tpu.dma_semaphore, #tpu.memory_space<semaphore_mem>>) src(%dma_wait3A_224 : memref<80xf32, #tpu.memory_space<hbm>>) dst(%arg10 : memref<80xf32, #tpu.memory_space<vmem>>)
      %add3A_225 = arith.constant 2 : i32
      %add3A_226 = arith.addi %mul3A_139, %add3A_225 : i32
      %dma_start3A_227 = arith.constant 0 : i32
      %dma_start3A_228 = arith.constant 0 : i32
      %dma_start3A_229 = tpu.memref_slice %arg6[%dma_start3A_227, %dma_start3A_228] : memref<10000x144xf32, #tpu.memory_space<hbm>> -> memref<10000x144xf32, #tpu.memory_space<hbm>>
      tpu.enqueue_indirect_dma source(%dma_start3A_229 : memref<10000x144xf32, #tpu.memory_space<hbm>>) target(%arg12 : memref<80x144xf32, #tpu.memory_space<vmem>>) offsets(%arg9 : memref<80xi32, #tpu.memory_space<vmem>>) semaphore(%arg18 : memref<!tpu.dma_semaphore, #tpu.memory_space<semaphore_mem>>)
      %mul3A_230 = arith.constant 80 : i32
      %mul3A_231 = arith.muli %add3A_226, %mul3A_230 : i32
      %dma_start3A_232 = tpu.memref_slice %arg8[%mul3A_231] : memref<10000xi32, #tpu.memory_space<vmem>> -> memref<80xi32, #tpu.memory_space<vmem>>
      %dma_start3A_233 = arith.constant 0 : i32
      %dma_start3A_234 = arith.constant 0 : i32
      %dma_start3A_235 = tpu.memref_slice %arg5[%dma_start3A_233, %dma_start3A_234] : memref<10000x16xf32, #tpu.memory_space<hbm>> -> memref<10000x16xf32, #tpu.memory_space<hbm>>
      tpu.enqueue_indirect_dma source(%dma_start3A_235 : memref<10000x16xf32, #tpu.memory_space<hbm>>) target(%arg11 : memref<80x16xf32, #tpu.memory_space<vmem>>) offsets(%dma_start3A_232 : memref<80xi32, #tpu.memory_space<vmem>>) semaphore(%arg18 : memref<!tpu.dma_semaphore, #tpu.memory_space<semaphore_mem>>)
      %scan3A_236 = arith.constant 0 : i32
      %scan3A_237 = arith.constant 0 : i32
      %scan3A_238 = arith.constant 16 : i32
      %scan3A_239 = arith.addi %scan3A_237, %scan3A_238 : i32
      %scan3A_240 = arith.constant 1 : i32
      %scan3A_241 = scf.for %scan3A_263 = %scan3A_237 to %scan3A_239 step %scan3A_240 iter_args(%scan3A_264 = %scan3A_236) -> (i32)  : i32 {
        %mul3A_265 = arith.constant 5 : i32
        %mul3A_266 = arith.muli %scan3A_263, %mul3A_265 : i32
        %add3A_267 = arith.constant 0 : i32
        %add3A_268 = arith.addi %mul3A_266, %add3A_267 : i32
        %broadcast_in_dim3A_269 = vector.broadcast %add3A_268 : i32 to vector<16xi32>
        %get3A = arith.index_cast %add3A_268 : i32 to index
        %get3A_270 = arith.constant 128 : index
        %get3A_271 = tpu.vector_load %arg16[%get3A, %get3A_270] {strides = array<i32>} : memref<80x144xf32, #tpu.memory_space<vmem>>, vector<16xf32>,
        %get3A_272 = arith.index_cast %add3A_268 : i32 to index
        %get3A_273 = arith.constant 0 : index
        %get3A_274 = tpu.vector_load %arg15[%get3A_272, %get3A_273] {strides = array<i32>} : memref<80x16xf32, #tpu.memory_space<vmem>>, vector<16xf32>,
        %add3A_275 = arith.addf %get3A_271, %get3A_274 : vector<16xf32>
        %gather3A = tpu.vector_load_idx %arg14[%broadcast_in_dim3A_269] : memref<80xf32, #tpu.memory_space<vmem>>[vector<16xi32>], vector<16xf32>,
        %mul3A_276 = arith.mulf %gather3A, %add3A_275 : vector<16xf32>
        %mul3A_277 = arith.constant 2.000000e-01 : f32
        %mul3A_278 = vector.broadcast %mul3A_277 : f32 to vector<16xf32>
        %mul3A_279 = arith.mulf %mul3A_278, %mul3A_276 : vector<16xf32>
        %max3A = arith.maximumf %mul3A_276, %mul3A_279 : vector<16xf32>
        %exp3A = math.exp %max3A : vector<16xf32>
        %swap3A = arith.index_cast %add3A_268 : i32 to index
        %swap3A_280 = arith.constant 128 : index
        %swap3A_281 = tpu.vector_load %arg16[%swap3A, %swap3A_280] {strides = array<i32>} : memref<80x144xf32, #tpu.memory_space<vmem>>, vector<16xf32>,
        tpu.vector_store %arg16[%swap3A, %swap3A_280], %exp3A {strides = array<i32>} : memref<80x144xf32, #tpu.memory_space<vmem>>, vector<16xf32>,
        %add3A_282 = arith.constant 1 : i32
        %add3A_283 = arith.addi %mul3A_266, %add3A_282 : i32
        %broadcast_in_dim3A_284 = vector.broadcast %add3A_283 : i32 to vector<16xi32>
        %get3A_285 = arith.index_cast %add3A_283 : i32 to index
        %get3A_286 = arith.constant 128 : index
        %get3A_287 = tpu.vector_load %arg16[%get3A_285, %get3A_286] {strides = array<i32>} : memref<80x144xf32, #tpu.memory_space<vmem>>, vector<16xf32>,
        %get3A_288 = arith.index_cast %add3A_283 : i32 to index
        %get3A_289 = arith.constant 0 : index
        %get3A_290 = tpu.vector_load %arg15[%get3A_288, %get3A_289] {strides = array<i32>} : memref<80x16xf32, #tpu.memory_space<vmem>>, vector<16xf32>,
        %add3A_291 = arith.addf %get3A_287, %get3A_290 : vector<16xf32>
        %gather3A_292 = tpu.vector_load_idx %arg14[%broadcast_in_dim3A_284] : memref<80xf32, #tpu.memory_space<vmem>>[vector<16xi32>], vector<16xf32>,
        %mul3A_293 = arith.mulf %gather3A_292, %add3A_291 : vector<16xf32>
        %mul3A_294 = arith.constant 2.000000e-01 : f32
        %mul3A_295 = vector.broadcast %mul3A_294 : f32 to vector<16xf32>
        %mul3A_296 = arith.mulf %mul3A_295, %mul3A_293 : vector<16xf32>
        %max3A_297 = arith.maximumf %mul3A_293, %mul3A_296 : vector<16xf32>
        %exp3A_298 = math.exp %max3A_297 : vector<16xf32>
        %swap3A_299 = arith.index_cast %add3A_283 : i32 to index
        %swap3A_300 = arith.constant 128 : index
        %swap3A_301 = tpu.vector_load %arg16[%swap3A_299, %swap3A_300] {strides = array<i32>} : memref<80x144xf32, #tpu.memory_space<vmem>>, vector<16xf32>,
        tpu.vector_store %arg16[%swap3A_299, %swap3A_300], %exp3A_298 {strides = array<i32>} : memref<80x144xf32, #tpu.memory_space<vmem>>, vector<16xf32>,
        %add3A_302 = arith.constant 2 : i32
        %add3A_303 = arith.addi %mul3A_266, %add3A_302 : i32
        %broadcast_in_dim3A_304 = vector.broadcast %add3A_303 : i32 to vector<16xi32>
        %get3A_305 = arith.index_cast %add3A_303 : i32 to index
        %get3A_306 = arith.constant 128 : index
        %get3A_307 = tpu.vector_load %arg16[%get3A_305, %get3A_306] {strides = array<i32>} : memref<80x144xf32, #tpu.memory_space<vmem>>, vector<16xf32>,
        %get3A_308 = arith.index_cast %add3A_303 : i32 to index
        %get3A_309 = arith.constant 0 : index
        %get3A_310 = tpu.vector_load %arg15[%get3A_308, %get3A_309] {strides = array<i32>} : memref<80x16xf32, #tpu.memory_space<vmem>>, vector<16xf32>,
        %add3A_311 = arith.addf %get3A_307, %get3A_310 : vector<16xf32>
        %gather3A_312 = tpu.vector_load_idx %arg14[%broadcast_in_dim3A_304] : memref<80xf32, #tpu.memory_space<vmem>>[vector<16xi32>], vector<16xf32>,
        %mul3A_313 = arith.mulf %gather3A_312, %add3A_311 : vector<16xf32>
        %mul3A_314 = arith.constant 2.000000e-01 : f32
        %mul3A_315 = vector.broadcast %mul3A_314 : f32 to vector<16xf32>
        %mul3A_316 = arith.mulf %mul3A_315, %mul3A_313 : vector<16xf32>
        %max3A_317 = arith.maximumf %mul3A_313, %mul3A_316 : vector<16xf32>
        %exp3A_318 = math.exp %max3A_317 : vector<16xf32>
        %swap3A_319 = arith.index_cast %add3A_303 : i32 to index
        %swap3A_320 = arith.constant 128 : index
        %swap3A_321 = tpu.vector_load %arg16[%swap3A_319, %swap3A_320] {strides = array<i32>} : memref<80x144xf32, #tpu.memory_space<vmem>>, vector<16xf32>,
        tpu.vector_store %arg16[%swap3A_319, %swap3A_320], %exp3A_318 {strides = array<i32>} : memref<80x144xf32, #tpu.memory_space<vmem>>, vector<16xf32>,
        %add3A_322 = arith.constant 3 : i32
        %add3A_323 = arith.addi %mul3A_266, %add3A_322 : i32
        %broadcast_in_dim3A_324 = vector.broadcast %add3A_323 : i32 to vector<16xi32>
        %get3A_325 = arith.index_cast %add3A_323 : i32 to index
        %get3A_326 = arith.constant 128 : index
        %get3A_327 = tpu.vector_load %arg16[%get3A_325, %get3A_326] {strides = array<i32>} : memref<80x144xf32, #tpu.memory_space<vmem>>, vector<16xf32>,
        %get3A_328 = arith.index_cast %add3A_323 : i32 to index
        %get3A_329 = arith.constant 0 : index
        %get3A_330 = tpu.vector_load %arg15[%get3A_328, %get3A_329] {strides = array<i32>} : memref<80x16xf32, #tpu.memory_space<vmem>>, vector<16xf32>,
        %add3A_331 = arith.addf %get3A_327, %get3A_330 : vector<16xf32>
        %gather3A_332 = tpu.vector_load_idx %arg14[%broadcast_in_dim3A_324] : memref<80xf32, #tpu.memory_space<vmem>>[vector<16xi32>], vector<16xf32>,
        %mul3A_333 = arith.mulf %gather3A_332, %add3A_331 : vector<16xf32>
        %mul3A_334 = arith.constant 2.000000e-01 : f32
        %mul3A_335 = vector.broadcast %mul3A_334 : f32 to vector<16xf32>
        %mul3A_336 = arith.mulf %mul3A_335, %mul3A_333 : vector<16xf32>
        %max3A_337 = arith.maximumf %mul3A_333, %mul3A_336 : vector<16xf32>
        %exp3A_338 = math.exp %max3A_337 : vector<16xf32>
        %swap3A_339 = arith.index_cast %add3A_323 : i32 to index
        %swap3A_340 = arith.constant 128 : index
        %swap3A_341 = tpu.vector_load %arg16[%swap3A_339, %swap3A_340] {strides = array<i32>} : memref<80x144xf32, #tpu.memory_space<vmem>>, vector<16xf32>,
        tpu.vector_store %arg16[%swap3A_339, %swap3A_340], %exp3A_338 {strides = array<i32>} : memref<80x144xf32, #tpu.memory_space<vmem>>, vector<16xf32>,
        %add3A_342 = arith.constant 4 : i32
        %add3A_343 = arith.addi %mul3A_266, %add3A_342 : i32
        %broadcast_in_dim3A_344 = vector.broadcast %add3A_343 : i32 to vector<16xi32>
        %get3A_345 = arith.index_cast %add3A_343 : i32 to index
        %get3A_346 = arith.constant 128 : index
        %get3A_347 = tpu.vector_load %arg16[%get3A_345, %get3A_346] {strides = array<i32>} : memref<80x144xf32, #tpu.memory_space<vmem>>, vector<16xf32>,
        %get3A_348 = arith.index_cast %add3A_343 : i32 to index
        %get3A_349 = arith.constant 0 : index
        %get3A_350 = tpu.vector_load %arg15[%get3A_348, %get3A_349] {strides = array<i32>} : memref<80x16xf32, #tpu.memory_space<vmem>>, vector<16xf32>,
        %add3A_351 = arith.addf %get3A_347, %get3A_350 : vector<16xf32>
        %gather3A_352 = tpu.vector_load_idx %arg14[%broadcast_in_dim3A_344] : memref<80xf32, #tpu.memory_space<vmem>>[vector<16xi32>], vector<16xf32>,
        %mul3A_353 = arith.mulf %gather3A_352, %add3A_351 : vector<16xf32>
        %mul3A_354 = arith.constant 2.000000e-01 : f32
        %mul3A_355 = vector.broadcast %mul3A_354 : f32 to vector<16xf32>
        %mul3A_356 = arith.mulf %mul3A_355, %mul3A_353 : vector<16xf32>
        %max3A_357 = arith.maximumf %mul3A_353, %mul3A_356 : vector<16xf32>
        %exp3A_358 = math.exp %max3A_357 : vector<16xf32>
        %swap3A_359 = arith.index_cast %add3A_343 : i32 to index
        %swap3A_360 = arith.constant 128 : index
        %swap3A_361 = tpu.vector_load %arg16[%swap3A_359, %swap3A_360] {strides = array<i32>} : memref<80x144xf32, #tpu.memory_space<vmem>>, vector<16xf32>,
        tpu.vector_store %arg16[%swap3A_359, %swap3A_360], %exp3A_358 {strides = array<i32>} : memref<80x144xf32, #tpu.memory_space<vmem>>, vector<16xf32>,
        %get3A_362 = arith.index_cast %add3A_268 : i32 to index
        %get3A_363 = arith.constant 0 : index
        %get3A_364 = tpu.vector_load %arg16[%get3A_362, %get3A_363] {strides = array<i32>} : memref<80x144xf32, #tpu.memory_space<vmem>>, vector<16xf32>,
        %mul3A_365 = arith.mulf %get3A_364, %exp3A : vector<16xf32>
        %swap3A_366 = arith.index_cast %add3A_268 : i32 to index
        %swap3A_367 = arith.constant 0 : index
        %swap3A_368 = tpu.vector_load %arg16[%swap3A_366, %swap3A_367] {strides = array<i32>} : memref<80x144xf32, #tpu.memory_space<vmem>>, vector<16xf32>,
        tpu.vector_store %arg16[%swap3A_366, %swap3A_367], %mul3A_365 {strides = array<i32>} : memref<80x144xf32, #tpu.memory_space<vmem>>, vector<16xf32>,
        %get3A_369 = arith.index_cast %add3A_268 : i32 to index
        %get3A_370 = arith.constant 16 : index
        %get3A_371 = tpu.vector_load %arg16[%get3A_369, %get3A_370] {strides = array<i32>} : memref<80x144xf32, #tpu.memory_space<vmem>>, vector<16xf32>,
        %mul3A_372 = arith.mulf %get3A_371, %exp3A : vector<16xf32>
        %swap3A_373 = arith.index_cast %add3A_268 : i32 to index
        %swap3A_374 = arith.constant 16 : index
        %swap3A_375 = tpu.vector_load %arg16[%swap3A_373, %swap3A_374] {strides = array<i32>} : memref<80x144xf32, #tpu.memory_space<vmem>>, vector<16xf32>,
        tpu.vector_store %arg16[%swap3A_373, %swap3A_374], %mul3A_372 {strides = array<i32>} : memref<80x144xf32, #tpu.memory_space<vmem>>, vector<16xf32>,
        %get3A_376 = arith.index_cast %add3A_268 : i32 to index
        %get3A_377 = arith.constant 32 : index
        %get3A_378 = tpu.vector_load %arg16[%get3A_376, %get3A_377] {strides = array<i32>} : memref<80x144xf32, #tpu.memory_space<vmem>>, vector<16xf32>,
        %mul3A_379 = arith.mulf %get3A_378, %exp3A : vector<16xf32>
        %swap3A_380 = arith.index_cast %add3A_268 : i32 to index
        %swap3A_381 = arith.constant 32 : index
        %swap3A_382 = tpu.vector_load %arg16[%swap3A_380, %swap3A_381] {strides = array<i32>} : memref<80x144xf32, #tpu.memory_space<vmem>>, vector<16xf32>,
        tpu.vector_store %arg16[%swap3A_380, %swap3A_381], %mul3A_379 {strides = array<i32>} : memref<80x144xf32, #tpu.memory_space<vmem>>, vector<16xf32>,
        %get3A_383 = arith.index_cast %add3A_268 : i32 to index
        %get3A_384 = arith.constant 48 : index
        %get3A_385 = tpu.vector_load %arg16[%get3A_383, %get3A_384] {strides = array<i32>} : memref<80x144xf32, #tpu.memory_space<vmem>>, vector<16xf32>,
        %mul3A_386 = arith.mulf %get3A_385, %exp3A : vector<16xf32>
        %swap3A_387 = arith.index_cast %add3A_268 : i32 to index
        %swap3A_388 = arith.constant 48 : index
        %swap3A_389 = tpu.vector_load %arg16[%swap3A_387, %swap3A_388] {strides = array<i32>} : memref<80x144xf32, #tpu.memory_space<vmem>>, vector<16xf32>,
        tpu.vector_store %arg16[%swap3A_387, %swap3A_388], %mul3A_386 {strides = array<i32>} : memref<80x144xf32, #tpu.memory_space<vmem>>, vector<16xf32>,
        %get3A_390 = arith.index_cast %add3A_268 : i32 to index
        %get3A_391 = arith.constant 64 : index
        %get3A_392 = tpu.vector_load %arg16[%get3A_390, %get3A_391] {strides = array<i32>} : memref<80x144xf32, #tpu.memory_space<vmem>>, vector<16xf32>,
        %mul3A_393 = arith.mulf %get3A_392, %exp3A : vector<16xf32>
        %swap3A_394 = arith.index_cast %add3A_268 : i32 to index
        %swap3A_395 = arith.constant 64 : index
        %swap3A_396 = tpu.vector_load %arg16[%swap3A_394, %swap3A_395] {strides = array<i32>} : memref<80x144xf32, #tpu.memory_space<vmem>>, vector<16xf32>,
        tpu.vector_store %arg16[%swap3A_394, %swap3A_395], %mul3A_393 {strides = array<i32>} : memref<80x144xf32, #tpu.memory_space<vmem>>, vector<16xf32>,
        %get3A_397 = arith.index_cast %add3A_268 : i32 to index
        %get3A_398 = arith.constant 80 : index
        %get3A_399 = tpu.vector_load %arg16[%get3A_397, %get3A_398] {strides = array<i32>} : memref<80x144xf32, #tpu.memory_space<vmem>>, vector<16xf32>,
        %mul3A_400 = arith.mulf %get3A_399, %exp3A : vector<16xf32>
        %swap3A_401 = arith.index_cast %add3A_268 : i32 to index
        %swap3A_402 = arith.constant 80 : index
        %swap3A_403 = tpu.vector_load %arg16[%swap3A_401, %swap3A_402] {strides = array<i32>} : memref<80x144xf32, #tpu.memory_space<vmem>>, vector<16xf32>,
        tpu.vector_store %arg16[%swap3A_401, %swap3A_402], %mul3A_400 {strides = array<i32>} : memref<80x144xf32, #tpu.memory_space<vmem>>, vector<16xf32>,
        %get3A_404 = arith.index_cast %add3A_268 : i32 to index
        %get3A_405 = arith.constant 96 : index
        %get3A_406 = tpu.vector_load %arg16[%get3A_404, %get3A_405] {strides = array<i32>} : memref<80x144xf32, #tpu.memory_space<vmem>>, vector<16xf32>,
        %mul3A_407 = arith.mulf %get3A_406, %exp3A : vector<16xf32>
        %swap3A_408 = arith.index_cast %add3A_268 : i32 to index
        %swap3A_409 = arith.constant 96 : index
        %swap3A_410 = tpu.vector_load %arg16[%swap3A_408, %swap3A_409] {strides = array<i32>} : memref<80x144xf32, #tpu.memory_space<vmem>>, vector<16xf32>,
        tpu.vector_store %arg16[%swap3A_408, %swap3A_409], %mul3A_407 {strides = array<i32>} : memref<80x144xf32, #tpu.memory_space<vmem>>, vector<16xf32>,
        %get3A_411 = arith.index_cast %add3A_268 : i32 to index
        %get3A_412 = arith.constant 112 : index
        %get3A_413 = tpu.vector_load %arg16[%get3A_411, %get3A_412] {strides = array<i32>} : memref<80x144xf32, #tpu.memory_space<vmem>>, vector<16xf32>,
        %mul3A_414 = arith.mulf %get3A_413, %exp3A : vector<16xf32>
        %swap3A_415 = arith.index_cast %add3A_268 : i32 to index
        %swap3A_416 = arith.constant 112 : index
        %swap3A_417 = tpu.vector_load %arg16[%swap3A_415, %swap3A_416] {strides = array<i32>} : memref<80x144xf32, #tpu.memory_space<vmem>>, vector<16xf32>,
        tpu.vector_store %arg16[%swap3A_415, %swap3A_416], %mul3A_414 {strides = array<i32>} : memref<80x144xf32, #tpu.memory_space<vmem>>, vector<16xf32>,
        %get3A_418 = arith.index_cast %add3A_283 : i32 to index
        %get3A_419 = arith.constant 0 : index
        %get3A_420 = tpu.vector_load %arg16[%get3A_418, %get3A_419] {strides = array<i32>} : memref<80x144xf32, #tpu.memory_space<vmem>>, vector<16xf32>,
        %mul3A_421 = arith.mulf %get3A_420, %exp3A_298 : vector<16xf32>
        %swap3A_422 = arith.index_cast %add3A_283 : i32 to index
        %swap3A_423 = arith.constant 0 : index
        %swap3A_424 = tpu.vector_load %arg16[%swap3A_422, %swap3A_423] {strides = array<i32>} : memref<80x144xf32, #tpu.memory_space<vmem>>, vector<16xf32>,
        tpu.vector_store %arg16[%swap3A_422, %swap3A_423], %mul3A_421 {strides = array<i32>} : memref<80x144xf32, #tpu.memory_space<vmem>>, vector<16xf32>,
        %get3A_425 = arith.index_cast %add3A_283 : i32 to index
        %get3A_426 = arith.constant 16 : index
        %get3A_427 = tpu.vector_load %arg16[%get3A_425, %get3A_426] {strides = array<i32>} : memref<80x144xf32, #tpu.memory_space<vmem>>, vector<16xf32>,
        %mul3A_428 = arith.mulf %get3A_427, %exp3A_298 : vector<16xf32>
        %swap3A_429 = arith.index_cast %add3A_283 : i32 to index
        %swap3A_430 = arith.constant 16 : index
        %swap3A_431 = tpu.vector_load %arg16[%swap3A_429, %swap3A_430] {strides = array<i32>} : memref<80x144xf32, #tpu.memory_space<vmem>>, vector<16xf32>,
        tpu.vector_store %arg16[%swap3A_429, %swap3A_430], %mul3A_428 {strides = array<i32>} : memref<80x144xf32, #tpu.memory_space<vmem>>, vector<16xf32>,
        %get3A_432 = arith.index_cast %add3A_283 : i32 to index
        %get3A_433 = arith.constant 32 : index
        %get3A_434 = tpu.vector_load %arg16[%get3A_432, %get3A_433] {strides = array<i32>} : memref<80x144xf32, #tpu.memory_space<vmem>>, vector<16xf32>,
        %mul3A_435 = arith.mulf %get3A_434, %exp3A_298 : vector<16xf32>
        %swap3A_436 = arith.index_cast %add3A_283 : i32 to index
        %swap3A_437 = arith.constant 32 : index
        %swap3A_438 = tpu.vector_load %arg16[%swap3A_436, %swap3A_437] {strides = array<i32>} : memref<80x144xf32, #tpu.memory_space<vmem>>, vector<16xf32>,
        tpu.vector_store %arg16[%swap3A_436, %swap3A_437], %mul3A_435 {strides = array<i32>} : memref<80x144xf32, #tpu.memory_space<vmem>>, vector<16xf32>,
        %get3A_439 = arith.index_cast %add3A_283 : i32 to index
        %get3A_440 = arith.constant 48 : index
        %get3A_441 = tpu.vector_load %arg16[%get3A_439, %get3A_440] {strides = array<i32>} : memref<80x144xf32, #tpu.memory_space<vmem>>, vector<16xf32>,
        %mul3A_442 = arith.mulf %get3A_441, %exp3A_298 : vector<16xf32>
        %swap3A_443 = arith.index_cast %add3A_283 : i32 to index
        %swap3A_444 = arith.constant 48 : index
        %swap3A_445 = tpu.vector_load %arg16[%swap3A_443, %swap3A_444] {strides = array<i32>} : memref<80x144xf32, #tpu.memory_space<vmem>>, vector<16xf32>,
        tpu.vector_store %arg16[%swap3A_443, %swap3A_444], %mul3A_442 {strides = array<i32>} : memref<80x144xf32, #tpu.memory_space<vmem>>, vector<16xf32>,
        %get3A_446 = arith.index_cast %add3A_283 : i32 to index
        %get3A_447 = arith.constant 64 : index
        %get3A_448 = tpu.vector_load %arg16[%get3A_446, %get3A_447] {strides = array<i32>} : memref<80x144xf32, #tpu.memory_space<vmem>>, vector<16xf32>,
        %mul3A_449 = arith.mulf %get3A_448, %exp3A_298 : vector<16xf32>
        %swap3A_450 = arith.index_cast %add3A_283 : i32 to index
        %swap3A_451 = arith.constant 64 : index
        %swap3A_452 = tpu.vector_load %arg16[%swap3A_450, %swap3A_451] {strides = array<i32>} : memref<80x144xf32, #tpu.memory_space<vmem>>, vector<16xf32>,
        tpu.vector_store %arg16[%swap3A_450, %swap3A_451], %mul3A_449 {strides = array<i32>} : memref<80x144xf32, #tpu.memory_space<vmem>>, vector<16xf32>,
        %get3A_453 = arith.index_cast %add3A_283 : i32 to index
        %get3A_454 = arith.constant 80 : index
        %get3A_455 = tpu.vector_load %arg16[%get3A_453, %get3A_454] {strides = array<i32>} : memref<80x144xf32, #tpu.memory_space<vmem>>, vector<16xf32>,
        %mul3A_456 = arith.mulf %get3A_455, %exp3A_298 : vector<16xf32>
        %swap3A_457 = arith.index_cast %add3A_283 : i32 to index
        %swap3A_458 = arith.constant 80 : index
        %swap3A_459 = tpu.vector_load %arg16[%swap3A_457, %swap3A_458] {strides = array<i32>} : memref<80x144xf32, #tpu.memory_space<vmem>>, vector<16xf32>,
        tpu.vector_store %arg16[%swap3A_457, %swap3A_458], %mul3A_456 {strides = array<i32>} : memref<80x144xf32, #tpu.memory_space<vmem>>, vector<16xf32>,
        %get3A_460 = arith.index_cast %add3A_283 : i32 to index
        %get3A_461 = arith.constant 96 : index
        %get3A_462 = tpu.vector_load %arg16[%get3A_460, %get3A_461] {strides = array<i32>} : memref<80x144xf32, #tpu.memory_space<vmem>>, vector<16xf32>,
        %mul3A_463 = arith.mulf %get3A_462, %exp3A_298 : vector<16xf32>
        %swap3A_464 = arith.index_cast %add3A_283 : i32 to index
        %swap3A_465 = arith.constant 96 : index
        %swap3A_466 = tpu.vector_load %arg16[%swap3A_464, %swap3A_465] {strides = array<i32>} : memref<80x144xf32, #tpu.memory_space<vmem>>, vector<16xf32>,
        tpu.vector_store %arg16[%swap3A_464, %swap3A_465], %mul3A_463 {strides = array<i32>} : memref<80x144xf32, #tpu.memory_space<vmem>>, vector<16xf32>,
        %get3A_467 = arith.index_cast %add3A_283 : i32 to index
        %get3A_468 = arith.constant 112 : index
        %get3A_469 = tpu.vector_load %arg16[%get3A_467, %get3A_468] {strides = array<i32>} : memref<80x144xf32, #tpu.memory_space<vmem>>, vector<16xf32>,
        %mul3A_470 = arith.mulf %get3A_469, %exp3A_298 : vector<16xf32>
        %swap3A_471 = arith.index_cast %add3A_283 : i32 to index
        %swap3A_472 = arith.constant 112 : index
        %swap3A_473 = tpu.vector_load %arg16[%swap3A_471, %swap3A_472] {strides = array<i32>} : memref<80x144xf32, #tpu.memory_space<vmem>>, vector<16xf32>,
        tpu.vector_store %arg16[%swap3A_471, %swap3A_472], %mul3A_470 {strides = array<i32>} : memref<80x144xf32, #tpu.memory_space<vmem>>, vector<16xf32>,
        %get3A_474 = arith.index_cast %add3A_303 : i32 to index
        %get3A_475 = arith.constant 0 : index
        %get3A_476 = tpu.vector_load %arg16[%get3A_474, %get3A_475] {strides = array<i32>} : memref<80x144xf32, #tpu.memory_space<vmem>>, vector<16xf32>,
        %mul3A_477 = arith.mulf %get3A_476, %exp3A_318 : vector<16xf32>
        %swap3A_478 = arith.index_cast %add3A_303 : i32 to index
        %swap3A_479 = arith.constant 0 : index
        %swap3A_480 = tpu.vector_load %arg16[%swap3A_478, %swap3A_479] {strides = array<i32>} : memref<80x144xf32, #tpu.memory_space<vmem>>, vector<16xf32>,
        tpu.vector_store %arg16[%swap3A_478, %swap3A_479], %mul3A_477 {strides = array<i32>} : memref<80x144xf32, #tpu.memory_space<vmem>>, vector<16xf32>,
        %get3A_481 = arith.index_cast %add3A_303 : i32 to index
        %get3A_482 = arith.constant 16 : index
        %get3A_483 = tpu.vector_load %arg16[%get3A_481, %get3A_482] {strides = array<i32>} : memref<80x144xf32, #tpu.memory_space<vmem>>, vector<16xf32>,
        %mul3A_484 = arith.mulf %get3A_483, %exp3A_318 : vector<16xf32>
        %swap3A_485 = arith.index_cast %add3A_303 : i32 to index
        %swap3A_486 = arith.constant 16 : index
        %swap3A_487 = tpu.vector_load %arg16[%swap3A_485, %swap3A_486] {strides = array<i32>} : memref<80x144xf32, #tpu.memory_space<vmem>>, vector<16xf32>,
        tpu.vector_store %arg16[%swap3A_485, %swap3A_486], %mul3A_484 {strides = array<i32>} : memref<80x144xf32, #tpu.memory_space<vmem>>, vector<16xf32>,
        %get3A_488 = arith.index_cast %add3A_303 : i32 to index
        %get3A_489 = arith.constant 32 : index
        %get3A_490 = tpu.vector_load %arg16[%get3A_488, %get3A_489] {strides = array<i32>} : memref<80x144xf32, #tpu.memory_space<vmem>>, vector<16xf32>,
        %mul3A_491 = arith.mulf %get3A_490, %exp3A_318 : vector<16xf32>
        %swap3A_492 = arith.index_cast %add3A_303 : i32 to index
        %swap3A_493 = arith.constant 32 : index
        %swap3A_494 = tpu.vector_load %arg16[%swap3A_492, %swap3A_493] {strides = array<i32>} : memref<80x144xf32, #tpu.memory_space<vmem>>, vector<16xf32>,
        tpu.vector_store %arg16[%swap3A_492, %swap3A_493], %mul3A_491 {strides = array<i32>} : memref<80x144xf32, #tpu.memory_space<vmem>>, vector<16xf32>,
        %get3A_495 = arith.index_cast %add3A_303 : i32 to index
        %get3A_496 = arith.constant 48 : index
        %get3A_497 = tpu.vector_load %arg16[%get3A_495, %get3A_496] {strides = array<i32>} : memref<80x144xf32, #tpu.memory_space<vmem>>, vector<16xf32>,
        %mul3A_498 = arith.mulf %get3A_497, %exp3A_318 : vector<16xf32>
        %swap3A_499 = arith.index_cast %add3A_303 : i32 to index
        %swap3A_500 = arith.constant 48 : index
        %swap3A_501 = tpu.vector_load %arg16[%swap3A_499, %swap3A_500] {strides = array<i32>} : memref<80x144xf32, #tpu.memory_space<vmem>>, vector<16xf32>,
        tpu.vector_store %arg16[%swap3A_499, %swap3A_500], %mul3A_498 {strides = array<i32>} : memref<80x144xf32, #tpu.memory_space<vmem>>, vector<16xf32>,
        %get3A_502 = arith.index_cast %add3A_303 : i32 to index
        %get3A_503 = arith.constant 64 : index
        %get3A_504 = tpu.vector_load %arg16[%get3A_502, %get3A_503] {strides = array<i32>} : memref<80x144xf32, #tpu.memory_space<vmem>>, vector<16xf32>,
        %mul3A_505 = arith.mulf %get3A_504, %exp3A_318 : vector<16xf32>
        %swap3A_506 = arith.index_cast %add3A_303 : i32 to index
        %swap3A_507 = arith.constant 64 : index
        %swap3A_508 = tpu.vector_load %arg16[%swap3A_506, %swap3A_507] {strides = array<i32>} : memref<80x144xf32, #tpu.memory_space<vmem>>, vector<16xf32>,
        tpu.vector_store %arg16[%swap3A_506, %swap3A_507], %mul3A_505 {strides = array<i32>} : memref<80x144xf32, #tpu.memory_space<vmem>>, vector<16xf32>,
        %get3A_509 = arith.index_cast %add3A_303 : i32 to index
        %get3A_510 = arith.constant 80 : index
        %get3A_511 = tpu.vector_load %arg16[%get3A_509, %get3A_510] {strides = array<i32>} : memref<80x144xf32, #tpu.memory_space<vmem>>, vector<16xf32>,
        %mul3A_512 = arith.mulf %get3A_511, %exp3A_318 : vector<16xf32>
        %swap3A_513 = arith.index_cast %add3A_303 : i32 to index
        %swap3A_514 = arith.constant 80 : index
        %swap3A_515 = tpu.vector_load %arg16[%swap3A_513, %swap3A_514] {strides = array<i32>} : memref<80x144xf32, #tpu.memory_space<vmem>>, vector<16xf32>,
        tpu.vector_store %arg16[%swap3A_513, %swap3A_514], %mul3A_512 {strides = array<i32>} : memref<80x144xf32, #tpu.memory_space<vmem>>, vector<16xf32>,
        %get3A_516 = arith.index_cast %add3A_303 : i32 to index
        %get3A_517 = arith.constant 96 : index
        %get3A_518 = tpu.vector_load %arg16[%get3A_516, %get3A_517] {strides = array<i32>} : memref<80x144xf32, #tpu.memory_space<vmem>>, vector<16xf32>,
        %mul3A_519 = arith.mulf %get3A_518, %exp3A_318 : vector<16xf32>
        %swap3A_520 = arith.index_cast %add3A_303 : i32 to index
        %swap3A_521 = arith.constant 96 : index
        %swap3A_522 = tpu.vector_load %arg16[%swap3A_520, %swap3A_521] {strides = array<i32>} : memref<80x144xf32, #tpu.memory_space<vmem>>, vector<16xf32>,
        tpu.vector_store %arg16[%swap3A_520, %swap3A_521], %mul3A_519 {strides = array<i32>} : memref<80x144xf32, #tpu.memory_space<vmem>>, vector<16xf32>,
        %get3A_523 = arith.index_cast %add3A_303 : i32 to index
        %get3A_524 = arith.constant 112 : index
        %get3A_525 = tpu.vector_load %arg16[%get3A_523, %get3A_524] {strides = array<i32>} : memref<80x144xf32, #tpu.memory_space<vmem>>, vector<16xf32>,
        %mul3A_526 = arith.mulf %get3A_525, %exp3A_318 : vector<16xf32>
        %swap3A_527 = arith.index_cast %add3A_303 : i32 to index
        %swap3A_528 = arith.constant 112 : index
        %swap3A_529 = tpu.vector_load %arg16[%swap3A_527, %swap3A_528] {strides = array<i32>} : memref<80x144xf32, #tpu.memory_space<vmem>>, vector<16xf32>,
        tpu.vector_store %arg16[%swap3A_527, %swap3A_528], %mul3A_526 {strides = array<i32>} : memref<80x144xf32, #tpu.memory_space<vmem>>, vector<16xf32>,
        %get3A_530 = arith.index_cast %add3A_323 : i32 to index
        %get3A_531 = arith.constant 0 : index
        %get3A_532 = tpu.vector_load %arg16[%get3A_530, %get3A_531] {strides = array<i32>} : memref<80x144xf32, #tpu.memory_space<vmem>>, vector<16xf32>,
        %mul3A_533 = arith.mulf %get3A_532, %exp3A_338 : vector<16xf32>
        %swap3A_534 = arith.index_cast %add3A_323 : i32 to index
        %swap3A_535 = arith.constant 0 : index
        %swap3A_536 = tpu.vector_load %arg16[%swap3A_534, %swap3A_535] {strides = array<i32>} : memref<80x144xf32, #tpu.memory_space<vmem>>, vector<16xf32>,
        tpu.vector_store %arg16[%swap3A_534, %swap3A_535], %mul3A_533 {strides = array<i32>} : memref<80x144xf32, #tpu.memory_space<vmem>>, vector<16xf32>,
        %get3A_537 = arith.index_cast %add3A_323 : i32 to index
        %get3A_538 = arith.constant 16 : index
        %get3A_539 = tpu.vector_load %arg16[%get3A_537, %get3A_538] {strides = array<i32>} : memref<80x144xf32, #tpu.memory_space<vmem>>, vector<16xf32>,
        %mul3A_540 = arith.mulf %get3A_539, %exp3A_338 : vector<16xf32>
        %swap3A_541 = arith.index_cast %add3A_323 : i32 to index
        %swap3A_542 = arith.constant 16 : index
        %swap3A_543 = tpu.vector_load %arg16[%swap3A_541, %swap3A_542] {strides = array<i32>} : memref<80x144xf32, #tpu.memory_space<vmem>>, vector<16xf32>,
        tpu.vector_store %arg16[%swap3A_541, %swap3A_542], %mul3A_540 {strides = array<i32>} : memref<80x144xf32, #tpu.memory_space<vmem>>, vector<16xf32>,
        %get3A_544 = arith.index_cast %add3A_323 : i32 to index
        %get3A_545 = arith.constant 32 : index
        %get3A_546 = tpu.vector_load %arg16[%get3A_544, %get3A_545] {strides = array<i32>} : memref<80x144xf32, #tpu.memory_space<vmem>>, vector<16xf32>,
        %mul3A_547 = arith.mulf %get3A_546, %exp3A_338 : vector<16xf32>
        %swap3A_548 = arith.index_cast %add3A_323 : i32 to index
        %swap3A_549 = arith.constant 32 : index
        %swap3A_550 = tpu.vector_load %arg16[%swap3A_548, %swap3A_549] {strides = array<i32>} : memref<80x144xf32, #tpu.memory_space<vmem>>, vector<16xf32>,
        tpu.vector_store %arg16[%swap3A_548, %swap3A_549], %mul3A_547 {strides = array<i32>} : memref<80x144xf32, #tpu.memory_space<vmem>>, vector<16xf32>,
        %get3A_551 = arith.index_cast %add3A_323 : i32 to index
        %get3A_552 = arith.constant 48 : index
        %get3A_553 = tpu.vector_load %arg16[%get3A_551, %get3A_552] {strides = array<i32>} : memref<80x144xf32, #tpu.memory_space<vmem>>, vector<16xf32>,
        %mul3A_554 = arith.mulf %get3A_553, %exp3A_338 : vector<16xf32>
        %swap3A_555 = arith.index_cast %add3A_323 : i32 to index
        %swap3A_556 = arith.constant 48 : index
        %swap3A_557 = tpu.vector_load %arg16[%swap3A_555, %swap3A_556] {strides = array<i32>} : memref<80x144xf32, #tpu.memory_space<vmem>>, vector<16xf32>,
        tpu.vector_store %arg16[%swap3A_555, %swap3A_556], %mul3A_554 {strides = array<i32>} : memref<80x144xf32, #tpu.memory_space<vmem>>, vector<16xf32>,
        %get3A_558 = arith.index_cast %add3A_323 : i32 to index
        %get3A_559 = arith.constant 64 : index
        %get3A_560 = tpu.vector_load %arg16[%get3A_558, %get3A_559] {strides = array<i32>} : memref<80x144xf32, #tpu.memory_space<vmem>>, vector<16xf32>,
        %mul3A_561 = arith.mulf %get3A_560, %exp3A_338 : vector<16xf32>
        %swap3A_562 = arith.index_cast %add3A_323 : i32 to index
        %swap3A_563 = arith.constant 64 : index
        %swap3A_564 = tpu.vector_load %arg16[%swap3A_562, %swap3A_563] {strides = array<i32>} : memref<80x144xf32, #tpu.memory_space<vmem>>, vector<16xf32>,
        tpu.vector_store %arg16[%swap3A_562, %swap3A_563], %mul3A_561 {strides = array<i32>} : memref<80x144xf32, #tpu.memory_space<vmem>>, vector<16xf32>,
        %get3A_565 = arith.index_cast %add3A_323 : i32 to index
        %get3A_566 = arith.constant 80 : index
        %get3A_567 = tpu.vector_load %arg16[%get3A_565, %get3A_566] {strides = array<i32>} : memref<80x144xf32, #tpu.memory_space<vmem>>, vector<16xf32>,
        %mul3A_568 = arith.mulf %get3A_567, %exp3A_338 : vector<16xf32>
        %swap3A_569 = arith.index_cast %add3A_323 : i32 to index
        %swap3A_570 = arith.constant 80 : index
        %swap3A_571 = tpu.vector_load %arg16[%swap3A_569, %swap3A_570] {strides = array<i32>} : memref<80x144xf32, #tpu.memory_space<vmem>>, vector<16xf32>,
        tpu.vector_store %arg16[%swap3A_569, %swap3A_570], %mul3A_568 {strides = array<i32>} : memref<80x144xf32, #tpu.memory_space<vmem>>, vector<16xf32>,
        %get3A_572 = arith.index_cast %add3A_323 : i32 to index
        %get3A_573 = arith.constant 96 : index
        %get3A_574 = tpu.vector_load %arg16[%get3A_572, %get3A_573] {strides = array<i32>} : memref<80x144xf32, #tpu.memory_space<vmem>>, vector<16xf32>,
        %mul3A_575 = arith.mulf %get3A_574, %exp3A_338 : vector<16xf32>
        %swap3A_576 = arith.index_cast %add3A_323 : i32 to index
        %swap3A_577 = arith.constant 96 : index
        %swap3A_578 = tpu.vector_load %arg16[%swap3A_576, %swap3A_577] {strides = array<i32>} : memref<80x144xf32, #tpu.memory_space<vmem>>, vector<16xf32>,
        tpu.vector_store %arg16[%swap3A_576, %swap3A_577], %mul3A_575 {strides = array<i32>} : memref<80x144xf32, #tpu.memory_space<vmem>>, vector<16xf32>,
        %get3A_579 = arith.index_cast %add3A_323 : i32 to index
        %get3A_580 = arith.constant 112 : index
        %get3A_581 = tpu.vector_load %arg16[%get3A_579, %get3A_580] {strides = array<i32>} : memref<80x144xf32, #tpu.memory_space<vmem>>, vector<16xf32>,
        %mul3A_582 = arith.mulf %get3A_581, %exp3A_338 : vector<16xf32>
        %swap3A_583 = arith.index_cast %add3A_323 : i32 to index
        %swap3A_584 = arith.constant 112 : index
        %swap3A_585 = tpu.vector_load %arg16[%swap3A_583, %swap3A_584] {strides = array<i32>} : memref<80x144xf32, #tpu.memory_space<vmem>>, vector<16xf32>,
        tpu.vector_store %arg16[%swap3A_583, %swap3A_584], %mul3A_582 {strides = array<i32>} : memref<80x144xf32, #tpu.memory_space<vmem>>, vector<16xf32>,
        %get3A_586 = arith.index_cast %add3A_343 : i32 to index
        %get3A_587 = arith.constant 0 : index
        %get3A_588 = tpu.vector_load %arg16[%get3A_586, %get3A_587] {strides = array<i32>} : memref<80x144xf32, #tpu.memory_space<vmem>>, vector<16xf32>,
        %mul3A_589 = arith.mulf %get3A_588, %exp3A_358 : vector<16xf32>
        %swap3A_590 = arith.index_cast %add3A_343 : i32 to index
        %swap3A_591 = arith.constant 0 : index
        %swap3A_592 = tpu.vector_load %arg16[%swap3A_590, %swap3A_591] {strides = array<i32>} : memref<80x144xf32, #tpu.memory_space<vmem>>, vector<16xf32>,
        tpu.vector_store %arg16[%swap3A_590, %swap3A_591], %mul3A_589 {strides = array<i32>} : memref<80x144xf32, #tpu.memory_space<vmem>>, vector<16xf32>,
        %get3A_593 = arith.index_cast %add3A_343 : i32 to index
        %get3A_594 = arith.constant 16 : index
        %get3A_595 = tpu.vector_load %arg16[%get3A_593, %get3A_594] {strides = array<i32>} : memref<80x144xf32, #tpu.memory_space<vmem>>, vector<16xf32>,
        %mul3A_596 = arith.mulf %get3A_595, %exp3A_358 : vector<16xf32>
        %swap3A_597 = arith.index_cast %add3A_343 : i32 to index
        %swap3A_598 = arith.constant 16 : index
        %swap3A_599 = tpu.vector_load %arg16[%swap3A_597, %swap3A_598] {strides = array<i32>} : memref<80x144xf32, #tpu.memory_space<vmem>>, vector<16xf32>,
        tpu.vector_store %arg16[%swap3A_597, %swap3A_598], %mul3A_596 {strides = array<i32>} : memref<80x144xf32, #tpu.memory_space<vmem>>, vector<16xf32>,
        %get3A_600 = arith.index_cast %add3A_343 : i32 to index
        %get3A_601 = arith.constant 32 : index
        %get3A_602 = tpu.vector_load %arg16[%get3A_600, %get3A_601] {strides = array<i32>} : memref<80x144xf32, #tpu.memory_space<vmem>>, vector<16xf32>,
        %mul3A_603 = arith.mulf %get3A_602, %exp3A_358 : vector<16xf32>
        %swap3A_604 = arith.index_cast %add3A_343 : i32 to index
        %swap3A_605 = arith.constant 32 : index
        %swap3A_606 = tpu.vector_load %arg16[%swap3A_604, %swap3A_605] {strides = array<i32>} : memref<80x144xf32, #tpu.memory_space<vmem>>, vector<16xf32>,
        tpu.vector_store %arg16[%swap3A_604, %swap3A_605], %mul3A_603 {strides = array<i32>} : memref<80x144xf32, #tpu.memory_space<vmem>>, vector<16xf32>,
        %get3A_607 = arith.index_cast %add3A_343 : i32 to index
        %get3A_608 = arith.constant 48 : index
        %get3A_609 = tpu.vector_load %arg16[%get3A_607, %get3A_608] {strides = array<i32>} : memref<80x144xf32, #tpu.memory_space<vmem>>, vector<16xf32>,
        %mul3A_610 = arith.mulf %get3A_609, %exp3A_358 : vector<16xf32>
        %swap3A_611 = arith.index_cast %add3A_343 : i32 to index
        %swap3A_612 = arith.constant 48 : index
        %swap3A_613 = tpu.vector_load %arg16[%swap3A_611, %swap3A_612] {strides = array<i32>} : memref<80x144xf32, #tpu.memory_space<vmem>>, vector<16xf32>,
        tpu.vector_store %arg16[%swap3A_611, %swap3A_612], %mul3A_610 {strides = array<i32>} : memref<80x144xf32, #tpu.memory_space<vmem>>, vector<16xf32>,
        %get3A_614 = arith.index_cast %add3A_343 : i32 to index
        %get3A_615 = arith.constant 64 : index
        %get3A_616 = tpu.vector_load %arg16[%get3A_614, %get3A_615] {strides = array<i32>} : memref<80x144xf32, #tpu.memory_space<vmem>>, vector<16xf32>,
        %mul3A_617 = arith.mulf %get3A_616, %exp3A_358 : vector<16xf32>
        %swap3A_618 = arith.index_cast %add3A_343 : i32 to index
        %swap3A_619 = arith.constant 64 : index
        %swap3A_620 = tpu.vector_load %arg16[%swap3A_618, %swap3A_619] {strides = array<i32>} : memref<80x144xf32, #tpu.memory_space<vmem>>, vector<16xf32>,
        tpu.vector_store %arg16[%swap3A_618, %swap3A_619], %mul3A_617 {strides = array<i32>} : memref<80x144xf32, #tpu.memory_space<vmem>>, vector<16xf32>,
        %get3A_621 = arith.index_cast %add3A_343 : i32 to index
        %get3A_622 = arith.constant 80 : index
        %get3A_623 = tpu.vector_load %arg16[%get3A_621, %get3A_622] {strides = array<i32>} : memref<80x144xf32, #tpu.memory_space<vmem>>, vector<16xf32>,
        %mul3A_624 = arith.mulf %get3A_623, %exp3A_358 : vector<16xf32>
        %swap3A_625 = arith.index_cast %add3A_343 : i32 to index
        %swap3A_626 = arith.constant 80 : index
        %swap3A_627 = tpu.vector_load %arg16[%swap3A_625, %swap3A_626] {strides = array<i32>} : memref<80x144xf32, #tpu.memory_space<vmem>>, vector<16xf32>,
        tpu.vector_store %arg16[%swap3A_625, %swap3A_626], %mul3A_624 {strides = array<i32>} : memref<80x144xf32, #tpu.memory_space<vmem>>, vector<16xf32>,
        %get3A_628 = arith.index_cast %add3A_343 : i32 to index
        %get3A_629 = arith.constant 96 : index
        %get3A_630 = tpu.vector_load %arg16[%get3A_628, %get3A_629] {strides = array<i32>} : memref<80x144xf32, #tpu.memory_space<vmem>>, vector<16xf32>,
        %mul3A_631 = arith.mulf %get3A_630, %exp3A_358 : vector<16xf32>
        %swap3A_632 = arith.index_cast %add3A_343 : i32 to index
        %swap3A_633 = arith.constant 96 : index
        %swap3A_634 = tpu.vector_load %arg16[%swap3A_632, %swap3A_633] {strides = array<i32>} : memref<80x144xf32, #tpu.memory_space<vmem>>, vector<16xf32>,
        tpu.vector_store %arg16[%swap3A_632, %swap3A_633], %mul3A_631 {strides = array<i32>} : memref<80x144xf32, #tpu.memory_space<vmem>>, vector<16xf32>,
        %get3A_635 = arith.index_cast %add3A_343 : i32 to index
        %get3A_636 = arith.constant 112 : index
        %get3A_637 = tpu.vector_load %arg16[%get3A_635, %get3A_636] {strides = array<i32>} : memref<80x144xf32, #tpu.memory_space<vmem>>, vector<16xf32>,
        %mul3A_638 = arith.mulf %get3A_637, %exp3A_358 : vector<16xf32>
        %swap3A_639 = arith.index_cast %add3A_343 : i32 to index
        %swap3A_640 = arith.constant 112 : index
        %swap3A_641 = tpu.vector_load %arg16[%swap3A_639, %swap3A_640] {strides = array<i32>} : memref<80x144xf32, #tpu.memory_space<vmem>>, vector<16xf32>,
        tpu.vector_store %arg16[%swap3A_639, %swap3A_640], %mul3A_638 {strides = array<i32>} : memref<80x144xf32, #tpu.memory_space<vmem>>, vector<16xf32>,
        %scan3A_642 = arith.constant 0 : i32
        scf.yield %scan3A_642 : i32
      }
      %scan3A_242 = arith.constant 16 : i32
      %add3A_243 = arith.constant 1 : i32
      %add3A_244 = arith.addi %mul3A_139, %add3A_243 : i32
      %mul3A_245 = arith.constant 80 : i32
      %mul3A_246 = arith.muli %add3A_244, %mul3A_245 : i32
      %dma_start3A_247 = tpu.memref_slice %arg8[%mul3A_246] : memref<10000xi32, #tpu.memory_space<vmem>> -> memref<80xi32, #tpu.memory_space<vmem>>
      %dma_start3A_248 = arith.constant 0 : i32
      %dma_start3A_249 = arith.constant 0 : i32
      %dma_start3A_250 = tpu.memref_slice %arg17[%dma_start3A_248, %dma_start3A_249] : memref<10112x144xf32, #tpu.memory_space<vmem_shared>> -> memref<10112x144xf32, #tpu.memory_space<vmem_shared>>
      tpu.enqueue_indirect_dma source(%arg16 : memref<80x144xf32, #tpu.memory_space<vmem>>) target(%dma_start3A_250 : memref<10112x144xf32, #tpu.memory_space<vmem_shared>>) offsets(%dma_start3A_247 : memref<80xi32, #tpu.memory_space<vmem>>) semaphore(%arg21 : memref<!tpu.dma_semaphore, #tpu.memory_space<semaphore_mem>>) {add = true}
      %add3A_251 = arith.constant 3 : i32
      %add3A_252 = arith.addi %mul3A_139, %add3A_251 : i32
      %min3A_253 = arith.constant 124 : i32
      %min3A_254 = arith.minsi %add3A_252, %min3A_253 : i32
      %mul3A_255 = arith.constant 80 : i32
      %mul3A_256 = arith.muli %min3A_254, %mul3A_255 : i32
      %add3A_257 = arith.addi %mul3A_2, %mul3A_256 : i32
      %dma_start3A_258 = tpu.memref_slice %arg2[%add3A_257] : memref<320000xi32, #tpu.memory_space<hbm>> -> memref<80xi32, #tpu.memory_space<hbm>>
      %dma_start3A_259 = tpu.memref_slice %arg2[%add3A_257] : memref<320000xi32, #tpu.memory_space<hbm>> -> memref<80xi32, #tpu.memory_space<hbm>>
      tpu.enqueue_dma source(%dma_start3A_259 : memref<80xi32, #tpu.memory_space<hbm>>) target(%arg13 : memref<80xi32, #tpu.memory_space<vmem>>) target_semaphore(%arg23 : memref<!tpu.dma_semaphore, #tpu.memory_space<semaphore_mem>>)
      %dma_start3A_260 = tpu.memref_slice %arg4[%add3A_257] : memref<320000xf32, #tpu.memory_space<hbm>> -> memref<80xf32, #tpu.memory_space<hbm>>
      %dma_start3A_261 = tpu.memref_slice %arg4[%add3A_257] : memref<320000xf32, #tpu.memory_space<hbm>> -> memref<80xf32, #tpu.memory_space<hbm>>
      tpu.enqueue_dma source(%dma_start3A_261 : memref<80xf32, #tpu.memory_space<hbm>>) target(%arg14 : memref<80xf32, #tpu.memory_space<vmem>>) target_semaphore(%arg23 : memref<!tpu.dma_semaphore, #tpu.memory_space<semaphore_mem>>)
      %scan3A_262 = arith.constant 0 : i32
      scf.yield %scan3A_262 : i32
    }
    %scan3A_94 = arith.constant 62 : i32
    %dma_wait3A_95 = arith.constant 0 : i32
    %dma_wait3A_96 = arith.constant 0 : i32
    %dma_wait3A_97 = tpu.memref_slice %arg6[%dma_wait3A_95, %dma_wait3A_96] : memref<10000x144xf32, #tpu.memory_space<hbm>> -> memref<10000x144xf32, #tpu.memory_space<hbm>>
    tpu.wait_indirect_dma semaphore(%arg18 : memref<!tpu.dma_semaphore, #tpu.memory_space<semaphore_mem>>) src(%dma_wait3A_97 : memref<10000x144xf32, #tpu.memory_space<hbm>>) dst(%arg12 : memref<80x144xf32, #tpu.memory_space<vmem>>)
    %dma_wait3A_98 = arith.constant 9920 : i32
    %dma_wait3A_99 = tpu.memref_slice %arg8[%dma_wait3A_98] : memref<10000xi32, #tpu.memory_space<vmem>> -> memref<80xi32, #tpu.memory_space<vmem>>
    %dma_wait3A_100 = arith.constant 0 : i32
    %dma_wait3A_101 = arith.constant 0 : i32
    %dma_wait3A_102 = tpu.memref_slice %arg5[%dma_wait3A_100, %dma_wait3A_101] : memref<10000x16xf32, #tpu.memory_space<hbm>> -> memref<10000x16xf32, #tpu.memory_space<hbm>>
    tpu.wait_indirect_dma semaphore(%arg18 : memref<!tpu.dma_semaphore, #tpu.memory_space<semaphore_mem>>) src(%dma_wait3A_102 : memref<10000x16xf32, #tpu.memory_space<hbm>>) dst(%arg11 : memref<80x16xf32, #tpu.memory_space<vmem>>)
    %dma_wait3A_103 = arith.constant 9840 : i32
    %dma_wait3A_104 = tpu.memref_slice %arg8[%dma_wait3A_103] : memref<10000xi32, #tpu.memory_space<vmem>> -> memref<80xi32, #tpu.memory_space<vmem>>
    %dma_wait3A_105 = arith.constant 0 : i32
    %dma_wait3A_106 = arith.constant 0 : i32
    %dma_wait3A_107 = tpu.memref_slice %arg17[%dma_wait3A_105, %dma_wait3A_106] : memref<10112x144xf32, #tpu.memory_space<vmem_shared>> -> memref<10112x144xf32, #tpu.memory_space<vmem_shared>>
    tpu.wait_indirect_dma semaphore(%arg21 : memref<!tpu.dma_semaphore, #tpu.memory_space<semaphore_mem>>) src(%arg16 : memref<80x144xf32, #tpu.memory_space<vmem>>) dst(%dma_wait3A_107 : memref<10112x144xf32, #tpu.memory_space<vmem_shared>>)
    %scan3A_108 = arith.constant 0 : i32
    %scan3A_109 = arith.constant 0 : i32
    %scan3A_110 = arith.constant 16 : i32
    %scan3A_111 = arith.addi %scan3A_109, %scan3A_110 : i32
    %scan3A_112 = arith.constant 1 : i32
    %scan3A_113 = scf.for %scan3A_136 = %scan3A_109 to %scan3A_111 step %scan3A_112 iter_args(%scan3A_137 = %scan3A_108) -> (i32)  : i32 {
      %mul3A_138 = arith.constant 5 : i32
      %mul3A_139 = arith.muli %scan3A_136, %mul3A_138 : i32
      %add3A_140 = arith.constant 0 : i32
      %add3A_141 = arith.addi %mul3A_139, %add3A_140 : i32
      %broadcast_in_dim3A_142 = vector.broadcast %add3A_141 : i32 to vector<16xi32>
      %get3A = arith.index_cast %add3A_141 : i32 to index
      %get3A_143 = arith.constant 128 : index
      %get3A_144 = tpu.vector_load %arg12[%get3A, %get3A_143] {strides = array<i32>} : memref<80x144xf32, #tpu.memory_space<vmem>>, vector<16xf32>,
      %get3A_145 = arith.index_cast %add3A_141 : i32 to index
      %get3A_146 = arith.constant 0 : index
      %get3A_147 = tpu.vector_load %arg11[%get3A_145, %get3A_146] {strides = array<i32>} : memref<80x16xf32, #tpu.memory_space<vmem>>, vector<16xf32>,
      %add3A_148 = arith.addf %get3A_144, %get3A_147 : vector<16xf32>
      %gather3A = tpu.vector_load_idx %arg10[%broadcast_in_dim3A_142] : memref<80xf32, #tpu.memory_space<vmem>>[vector<16xi32>], vector<16xf32>,
      %mul3A_149 = arith.mulf %gather3A, %add3A_148 : vector<16xf32>
      %mul3A_150 = arith.constant 2.000000e-01 : f32
      %mul3A_151 = vector.broadcast %mul3A_150 : f32 to vector<16xf32>
      %mul3A_152 = arith.mulf %mul3A_151, %mul3A_149 : vector<16xf32>
      %max3A = arith.maximumf %mul3A_149, %mul3A_152 : vector<16xf32>
      %exp3A = math.exp %max3A : vector<16xf32>
      %swap3A = arith.index_cast %add3A_141 : i32 to index
      %swap3A_153 = arith.constant 128 : index
      %swap3A_154 = tpu.vector_load %arg12[%swap3A, %swap3A_153] {strides = array<i32>} : memref<80x144xf32, #tpu.memory_space<vmem>>, vector<16xf32>,
      tpu.vector_store %arg12[%swap3A, %swap3A_153], %exp3A {strides = array<i32>} : memref<80x144xf32, #tpu.memory_space<vmem>>, vector<16xf32>,
      %add3A_155 = arith.constant 1 : i32
      %add3A_156 = arith.addi %mul3A_139, %add3A_155 : i32
      %broadcast_in_dim3A_157 = vector.broadcast %add3A_156 : i32 to vector<16xi32>
      %get3A_158 = arith.index_cast %add3A_156 : i32 to index
      %get3A_159 = arith.constant 128 : index
      %get3A_160 = tpu.vector_load %arg12[%get3A_158, %get3A_159] {strides = array<i32>} : memref<80x144xf32, #tpu.memory_space<vmem>>, vector<16xf32>,
      %get3A_161 = arith.index_cast %add3A_156 : i32 to index
      %get3A_162 = arith.constant 0 : index
      %get3A_163 = tpu.vector_load %arg11[%get3A_161, %get3A_162] {strides = array<i32>} : memref<80x16xf32, #tpu.memory_space<vmem>>, vector<16xf32>,
      %add3A_164 = arith.addf %get3A_160, %get3A_163 : vector<16xf32>
      %gather3A_165 = tpu.vector_load_idx %arg10[%broadcast_in_dim3A_157] : memref<80xf32, #tpu.memory_space<vmem>>[vector<16xi32>], vector<16xf32>,
      %mul3A_166 = arith.mulf %gather3A_165, %add3A_164 : vector<16xf32>
      %mul3A_167 = arith.constant 2.000000e-01 : f32
      %mul3A_168 = vector.broadcast %mul3A_167 : f32 to vector<16xf32>
      %mul3A_169 = arith.mulf %mul3A_168, %mul3A_166 : vector<16xf32>
      %max3A_170 = arith.maximumf %mul3A_166, %mul3A_169 : vector<16xf32>
      %exp3A_171 = math.exp %max3A_170 : vector<16xf32>
      %swap3A_172 = arith.index_cast %add3A_156 : i32 to index
      %swap3A_173 = arith.constant 128 : index
      %swap3A_174 = tpu.vector_load %arg12[%swap3A_172, %swap3A_173] {strides = array<i32>} : memref<80x144xf32, #tpu.memory_space<vmem>>, vector<16xf32>,
      tpu.vector_store %arg12[%swap3A_172, %swap3A_173], %exp3A_171 {strides = array<i32>} : memref<80x144xf32, #tpu.memory_space<vmem>>, vector<16xf32>,
      %add3A_175 = arith.constant 2 : i32
      %add3A_176 = arith.addi %mul3A_139, %add3A_175 : i32
      %broadcast_in_dim3A_177 = vector.broadcast %add3A_176 : i32 to vector<16xi32>
      %get3A_178 = arith.index_cast %add3A_176 : i32 to index
      %get3A_179 = arith.constant 128 : index
      %get3A_180 = tpu.vector_load %arg12[%get3A_178, %get3A_179] {strides = array<i32>} : memref<80x144xf32, #tpu.memory_space<vmem>>, vector<16xf32>,
      %get3A_181 = arith.index_cast %add3A_176 : i32 to index
      %get3A_182 = arith.constant 0 : index
      %get3A_183 = tpu.vector_load %arg11[%get3A_181, %get3A_182] {strides = array<i32>} : memref<80x16xf32, #tpu.memory_space<vmem>>, vector<16xf32>,
      %add3A_184 = arith.addf %get3A_180, %get3A_183 : vector<16xf32>
      %gather3A_185 = tpu.vector_load_idx %arg10[%broadcast_in_dim3A_177] : memref<80xf32, #tpu.memory_space<vmem>>[vector<16xi32>], vector<16xf32>,
      %mul3A_186 = arith.mulf %gather3A_185, %add3A_184 : vector<16xf32>
      %mul3A_187 = arith.constant 2.000000e-01 : f32
      %mul3A_188 = vector.broadcast %mul3A_187 : f32 to vector<16xf32>
      %mul3A_189 = arith.mulf %mul3A_188, %mul3A_186 : vector<16xf32>
      %max3A_190 = arith.maximumf %mul3A_186, %mul3A_189 : vector<16xf32>
      %exp3A_191 = math.exp %max3A_190 : vector<16xf32>
      %swap3A_192 = arith.index_cast %add3A_176 : i32 to index
      %swap3A_193 = arith.constant 128 : index
      %swap3A_194 = tpu.vector_load %arg12[%swap3A_192, %swap3A_193] {strides = array<i32>} : memref<80x144xf32, #tpu.memory_space<vmem>>, vector<16xf32>,
      tpu.vector_store %arg12[%swap3A_192, %swap3A_193], %exp3A_191 {strides = array<i32>} : memref<80x144xf32, #tpu.memory_space<vmem>>, vector<16xf32>,
      %add3A_195 = arith.constant 3 : i32
      %add3A_196 = arith.addi %mul3A_139, %add3A_195 : i32
      %broadcast_in_dim3A_197 = vector.broadcast %add3A_196 : i32 to vector<16xi32>
      %get3A_198 = arith.index_cast %add3A_196 : i32 to index
      %get3A_199 = arith.constant 128 : index
      %get3A_200 = tpu.vector_load %arg12[%get3A_198, %get3A_199] {strides = array<i32>} : memref<80x144xf32, #tpu.memory_space<vmem>>, vector<16xf32>,
      %get3A_201 = arith.index_cast %add3A_196 : i32 to index
      %get3A_202 = arith.constant 0 : index
      %get3A_203 = tpu.vector_load %arg11[%get3A_201, %get3A_202] {strides = array<i32>} : memref<80x16xf32, #tpu.memory_space<vmem>>, vector<16xf32>,
      %add3A_204 = arith.addf %get3A_200, %get3A_203 : vector<16xf32>
      %gather3A_205 = tpu.vector_load_idx %arg10[%broadcast_in_dim3A_197] : memref<80xf32, #tpu.memory_space<vmem>>[vector<16xi32>], vector<16xf32>,
      %mul3A_206 = arith.mulf %gather3A_205, %add3A_204 : vector<16xf32>
      %mul3A_207 = arith.constant 2.000000e-01 : f32
      %mul3A_208 = vector.broadcast %mul3A_207 : f32 to vector<16xf32>
      %mul3A_209 = arith.mulf %mul3A_208, %mul3A_206 : vector<16xf32>
      %max3A_210 = arith.maximumf %mul3A_206, %mul3A_209 : vector<16xf32>
      %exp3A_211 = math.exp %max3A_210 : vector<16xf32>
      %swap3A_212 = arith.index_cast %add3A_196 : i32 to index
      %swap3A_213 = arith.constant 128 : index
      %swap3A_214 = tpu.vector_load %arg12[%swap3A_212, %swap3A_213] {strides = array<i32>} : memref<80x144xf32, #tpu.memory_space<vmem>>, vector<16xf32>,
      tpu.vector_store %arg12[%swap3A_212, %swap3A_213], %exp3A_211 {strides = array<i32>} : memref<80x144xf32, #tpu.memory_space<vmem>>, vector<16xf32>,
      %add3A_215 = arith.constant 4 : i32
      %add3A_216 = arith.addi %mul3A_139, %add3A_215 : i32
      %broadcast_in_dim3A_217 = vector.broadcast %add3A_216 : i32 to vector<16xi32>
      %get3A_218 = arith.index_cast %add3A_216 : i32 to index
      %get3A_219 = arith.constant 128 : index
      %get3A_220 = tpu.vector_load %arg12[%get3A_218, %get3A_219] {strides = array<i32>} : memref<80x144xf32, #tpu.memory_space<vmem>>, vector<16xf32>,
      %get3A_221 = arith.index_cast %add3A_216 : i32 to index
      %get3A_222 = arith.constant 0 : index
      %get3A_223 = tpu.vector_load %arg11[%get3A_221, %get3A_222] {strides = array<i32>} : memref<80x16xf32, #tpu.memory_space<vmem>>, vector<16xf32>,
      %add3A_224 = arith.addf %get3A_220, %get3A_223 : vector<16xf32>
      %gather3A_225 = tpu.vector_load_idx %arg10[%broadcast_in_dim3A_217] : memref<80xf32, #tpu.memory_space<vmem>>[vector<16xi32>], vector<16xf32>,
      %mul3A_226 = arith.mulf %gather3A_225, %add3A_224 : vector<16xf32>
      %mul3A_227 = arith.constant 2.000000e-01 : f32
      %mul3A_228 = vector.broadcast %mul3A_227 : f32 to vector<16xf32>
      %mul3A_229 = arith.mulf %mul3A_228, %mul3A_226 : vector<16xf32>
      %max3A_230 = arith.maximumf %mul3A_226, %mul3A_229 : vector<16xf32>
      %exp3A_231 = math.exp %max3A_230 : vector<16xf32>
      %swap3A_232 = arith.index_cast %add3A_216 : i32 to index
      %swap3A_233 = arith.constant 128 : index
      %swap3A_234 = tpu.vector_load %arg12[%swap3A_232, %swap3A_233] {strides = array<i32>} : memref<80x144xf32, #tpu.memory_space<vmem>>, vector<16xf32>,
      tpu.vector_store %arg12[%swap3A_232, %swap3A_233], %exp3A_231 {strides = array<i32>} : memref<80x144xf32, #tpu.memory_space<vmem>>, vector<16xf32>,
      %get3A_235 = arith.index_cast %add3A_141 : i32 to index
      %get3A_236 = arith.constant 0 : index
      %get3A_237 = tpu.vector_load %arg12[%get3A_235, %get3A_236] {strides = array<i32>} : memref<80x144xf32, #tpu.memory_space<vmem>>, vector<16xf32>,
      %mul3A_238 = arith.mulf %get3A_237, %exp3A : vector<16xf32>
      %swap3A_239 = arith.index_cast %add3A_141 : i32 to index
      %swap3A_240 = arith.constant 0 : index
      %swap3A_241 = tpu.vector_load %arg12[%swap3A_239, %swap3A_240] {strides = array<i32>} : memref<80x144xf32, #tpu.memory_space<vmem>>, vector<16xf32>,
      tpu.vector_store %arg12[%swap3A_239, %swap3A_240], %mul3A_238 {strides = array<i32>} : memref<80x144xf32, #tpu.memory_space<vmem>>, vector<16xf32>,
      %get3A_242 = arith.index_cast %add3A_141 : i32 to index
      %get3A_243 = arith.constant 16 : index
      %get3A_244 = tpu.vector_load %arg12[%get3A_242, %get3A_243] {strides = array<i32>} : memref<80x144xf32, #tpu.memory_space<vmem>>, vector<16xf32>,
      %mul3A_245 = arith.mulf %get3A_244, %exp3A : vector<16xf32>
      %swap3A_246 = arith.index_cast %add3A_141 : i32 to index
      %swap3A_247 = arith.constant 16 : index
      %swap3A_248 = tpu.vector_load %arg12[%swap3A_246, %swap3A_247] {strides = array<i32>} : memref<80x144xf32, #tpu.memory_space<vmem>>, vector<16xf32>,
      tpu.vector_store %arg12[%swap3A_246, %swap3A_247], %mul3A_245 {strides = array<i32>} : memref<80x144xf32, #tpu.memory_space<vmem>>, vector<16xf32>,
      %get3A_249 = arith.index_cast %add3A_141 : i32 to index
      %get3A_250 = arith.constant 32 : index
      %get3A_251 = tpu.vector_load %arg12[%get3A_249, %get3A_250] {strides = array<i32>} : memref<80x144xf32, #tpu.memory_space<vmem>>, vector<16xf32>,
      %mul3A_252 = arith.mulf %get3A_251, %exp3A : vector<16xf32>
      %swap3A_253 = arith.index_cast %add3A_141 : i32 to index
      %swap3A_254 = arith.constant 32 : index
      %swap3A_255 = tpu.vector_load %arg12[%swap3A_253, %swap3A_254] {strides = array<i32>} : memref<80x144xf32, #tpu.memory_space<vmem>>, vector<16xf32>,
      tpu.vector_store %arg12[%swap3A_253, %swap3A_254], %mul3A_252 {strides = array<i32>} : memref<80x144xf32, #tpu.memory_space<vmem>>, vector<16xf32>,
      %get3A_256 = arith.index_cast %add3A_141 : i32 to index
      %get3A_257 = arith.constant 48 : index
      %get3A_258 = tpu.vector_load %arg12[%get3A_256, %get3A_257] {strides = array<i32>} : memref<80x144xf32, #tpu.memory_space<vmem>>, vector<16xf32>,
      %mul3A_259 = arith.mulf %get3A_258, %exp3A : vector<16xf32>
      %swap3A_260 = arith.index_cast %add3A_141 : i32 to index
      %swap3A_261 = arith.constant 48 : index
      %swap3A_262 = tpu.vector_load %arg12[%swap3A_260, %swap3A_261] {strides = array<i32>} : memref<80x144xf32, #tpu.memory_space<vmem>>, vector<16xf32>,
      tpu.vector_store %arg12[%swap3A_260, %swap3A_261], %mul3A_259 {strides = array<i32>} : memref<80x144xf32, #tpu.memory_space<vmem>>, vector<16xf32>,
      %get3A_263 = arith.index_cast %add3A_141 : i32 to index
      %get3A_264 = arith.constant 64 : index
      %get3A_265 = tpu.vector_load %arg12[%get3A_263, %get3A_264] {strides = array<i32>} : memref<80x144xf32, #tpu.memory_space<vmem>>, vector<16xf32>,
      %mul3A_266 = arith.mulf %get3A_265, %exp3A : vector<16xf32>
      %swap3A_267 = arith.index_cast %add3A_141 : i32 to index
      %swap3A_268 = arith.constant 64 : index
      %swap3A_269 = tpu.vector_load %arg12[%swap3A_267, %swap3A_268] {strides = array<i32>} : memref<80x144xf32, #tpu.memory_space<vmem>>, vector<16xf32>,
      tpu.vector_store %arg12[%swap3A_267, %swap3A_268], %mul3A_266 {strides = array<i32>} : memref<80x144xf32, #tpu.memory_space<vmem>>, vector<16xf32>,
      %get3A_270 = arith.index_cast %add3A_141 : i32 to index
      %get3A_271 = arith.constant 80 : index
      %get3A_272 = tpu.vector_load %arg12[%get3A_270, %get3A_271] {strides = array<i32>} : memref<80x144xf32, #tpu.memory_space<vmem>>, vector<16xf32>,
      %mul3A_273 = arith.mulf %get3A_272, %exp3A : vector<16xf32>
      %swap3A_274 = arith.index_cast %add3A_141 : i32 to index
      %swap3A_275 = arith.constant 80 : index
      %swap3A_276 = tpu.vector_load %arg12[%swap3A_274, %swap3A_275] {strides = array<i32>} : memref<80x144xf32, #tpu.memory_space<vmem>>, vector<16xf32>,
      tpu.vector_store %arg12[%swap3A_274, %swap3A_275], %mul3A_273 {strides = array<i32>} : memref<80x144xf32, #tpu.memory_space<vmem>>, vector<16xf32>,
      %get3A_277 = arith.index_cast %add3A_141 : i32 to index
      %get3A_278 = arith.constant 96 : index
      %get3A_279 = tpu.vector_load %arg12[%get3A_277, %get3A_278] {strides = array<i32>} : memref<80x144xf32, #tpu.memory_space<vmem>>, vector<16xf32>,
      %mul3A_280 = arith.mulf %get3A_279, %exp3A : vector<16xf32>
      %swap3A_281 = arith.index_cast %add3A_141 : i32 to index
      %swap3A_282 = arith.constant 96 : index
      %swap3A_283 = tpu.vector_load %arg12[%swap3A_281, %swap3A_282] {strides = array<i32>} : memref<80x144xf32, #tpu.memory_space<vmem>>, vector<16xf32>,
      tpu.vector_store %arg12[%swap3A_281, %swap3A_282], %mul3A_280 {strides = array<i32>} : memref<80x144xf32, #tpu.memory_space<vmem>>, vector<16xf32>,
      %get3A_284 = arith.index_cast %add3A_141 : i32 to index
      %get3A_285 = arith.constant 112 : index
      %get3A_286 = tpu.vector_load %arg12[%get3A_284, %get3A_285] {strides = array<i32>} : memref<80x144xf32, #tpu.memory_space<vmem>>, vector<16xf32>,
      %mul3A_287 = arith.mulf %get3A_286, %exp3A : vector<16xf32>
      %swap3A_288 = arith.index_cast %add3A_141 : i32 to index
      %swap3A_289 = arith.constant 112 : index
      %swap3A_290 = tpu.vector_load %arg12[%swap3A_288, %swap3A_289] {strides = array<i32>} : memref<80x144xf32, #tpu.memory_space<vmem>>, vector<16xf32>,
      tpu.vector_store %arg12[%swap3A_288, %swap3A_289], %mul3A_287 {strides = array<i32>} : memref<80x144xf32, #tpu.memory_space<vmem>>, vector<16xf32>,
      %get3A_291 = arith.index_cast %add3A_156 : i32 to index
      %get3A_292 = arith.constant 0 : index
      %get3A_293 = tpu.vector_load %arg12[%get3A_291, %get3A_292] {strides = array<i32>} : memref<80x144xf32, #tpu.memory_space<vmem>>, vector<16xf32>,
      %mul3A_294 = arith.mulf %get3A_293, %exp3A_171 : vector<16xf32>
      %swap3A_295 = arith.index_cast %add3A_156 : i32 to index
      %swap3A_296 = arith.constant 0 : index
      %swap3A_297 = tpu.vector_load %arg12[%swap3A_295, %swap3A_296] {strides = array<i32>} : memref<80x144xf32, #tpu.memory_space<vmem>>, vector<16xf32>,
      tpu.vector_store %arg12[%swap3A_295, %swap3A_296], %mul3A_294 {strides = array<i32>} : memref<80x144xf32, #tpu.memory_space<vmem>>, vector<16xf32>,
      %get3A_298 = arith.index_cast %add3A_156 : i32 to index
      %get3A_299 = arith.constant 16 : index
      %get3A_300 = tpu.vector_load %arg12[%get3A_298, %get3A_299] {strides = array<i32>} : memref<80x144xf32, #tpu.memory_space<vmem>>, vector<16xf32>,
      %mul3A_301 = arith.mulf %get3A_300, %exp3A_171 : vector<16xf32>
      %swap3A_302 = arith.index_cast %add3A_156 : i32 to index
      %swap3A_303 = arith.constant 16 : index
      %swap3A_304 = tpu.vector_load %arg12[%swap3A_302, %swap3A_303] {strides = array<i32>} : memref<80x144xf32, #tpu.memory_space<vmem>>, vector<16xf32>,
      tpu.vector_store %arg12[%swap3A_302, %swap3A_303], %mul3A_301 {strides = array<i32>} : memref<80x144xf32, #tpu.memory_space<vmem>>, vector<16xf32>,
      %get3A_305 = arith.index_cast %add3A_156 : i32 to index
      %get3A_306 = arith.constant 32 : index
      %get3A_307 = tpu.vector_load %arg12[%get3A_305, %get3A_306] {strides = array<i32>} : memref<80x144xf32, #tpu.memory_space<vmem>>, vector<16xf32>,
      %mul3A_308 = arith.mulf %get3A_307, %exp3A_171 : vector<16xf32>
      %swap3A_309 = arith.index_cast %add3A_156 : i32 to index
      %swap3A_310 = arith.constant 32 : index
      %swap3A_311 = tpu.vector_load %arg12[%swap3A_309, %swap3A_310] {strides = array<i32>} : memref<80x144xf32, #tpu.memory_space<vmem>>, vector<16xf32>,
      tpu.vector_store %arg12[%swap3A_309, %swap3A_310], %mul3A_308 {strides = array<i32>} : memref<80x144xf32, #tpu.memory_space<vmem>>, vector<16xf32>,
      %get3A_312 = arith.index_cast %add3A_156 : i32 to index
      %get3A_313 = arith.constant 48 : index
      %get3A_314 = tpu.vector_load %arg12[%get3A_312, %get3A_313] {strides = array<i32>} : memref<80x144xf32, #tpu.memory_space<vmem>>, vector<16xf32>,
      %mul3A_315 = arith.mulf %get3A_314, %exp3A_171 : vector<16xf32>
      %swap3A_316 = arith.index_cast %add3A_156 : i32 to index
      %swap3A_317 = arith.constant 48 : index
      %swap3A_318 = tpu.vector_load %arg12[%swap3A_316, %swap3A_317] {strides = array<i32>} : memref<80x144xf32, #tpu.memory_space<vmem>>, vector<16xf32>,
      tpu.vector_store %arg12[%swap3A_316, %swap3A_317], %mul3A_315 {strides = array<i32>} : memref<80x144xf32, #tpu.memory_space<vmem>>, vector<16xf32>,
      %get3A_319 = arith.index_cast %add3A_156 : i32 to index
      %get3A_320 = arith.constant 64 : index
      %get3A_321 = tpu.vector_load %arg12[%get3A_319, %get3A_320] {strides = array<i32>} : memref<80x144xf32, #tpu.memory_space<vmem>>, vector<16xf32>,
      %mul3A_322 = arith.mulf %get3A_321, %exp3A_171 : vector<16xf32>
      %swap3A_323 = arith.index_cast %add3A_156 : i32 to index
      %swap3A_324 = arith.constant 64 : index
      %swap3A_325 = tpu.vector_load %arg12[%swap3A_323, %swap3A_324] {strides = array<i32>} : memref<80x144xf32, #tpu.memory_space<vmem>>, vector<16xf32>,
      tpu.vector_store %arg12[%swap3A_323, %swap3A_324], %mul3A_322 {strides = array<i32>} : memref<80x144xf32, #tpu.memory_space<vmem>>, vector<16xf32>,
      %get3A_326 = arith.index_cast %add3A_156 : i32 to index
      %get3A_327 = arith.constant 80 : index
      %get3A_328 = tpu.vector_load %arg12[%get3A_326, %get3A_327] {strides = array<i32>} : memref<80x144xf32, #tpu.memory_space<vmem>>, vector<16xf32>,
      %mul3A_329 = arith.mulf %get3A_328, %exp3A_171 : vector<16xf32>
      %swap3A_330 = arith.index_cast %add3A_156 : i32 to index
      %swap3A_331 = arith.constant 80 : index
      %swap3A_332 = tpu.vector_load %arg12[%swap3A_330, %swap3A_331] {strides = array<i32>} : memref<80x144xf32, #tpu.memory_space<vmem>>, vector<16xf32>,
      tpu.vector_store %arg12[%swap3A_330, %swap3A_331], %mul3A_329 {strides = array<i32>} : memref<80x144xf32, #tpu.memory_space<vmem>>, vector<16xf32>,
      %get3A_333 = arith.index_cast %add3A_156 : i32 to index
      %get3A_334 = arith.constant 96 : index
      %get3A_335 = tpu.vector_load %arg12[%get3A_333, %get3A_334] {strides = array<i32>} : memref<80x144xf32, #tpu.memory_space<vmem>>, vector<16xf32>,
      %mul3A_336 = arith.mulf %get3A_335, %exp3A_171 : vector<16xf32>
      %swap3A_337 = arith.index_cast %add3A_156 : i32 to index
      %swap3A_338 = arith.constant 96 : index
      %swap3A_339 = tpu.vector_load %arg12[%swap3A_337, %swap3A_338] {strides = array<i32>} : memref<80x144xf32, #tpu.memory_space<vmem>>, vector<16xf32>,
      tpu.vector_store %arg12[%swap3A_337, %swap3A_338], %mul3A_336 {strides = array<i32>} : memref<80x144xf32, #tpu.memory_space<vmem>>, vector<16xf32>,
      %get3A_340 = arith.index_cast %add3A_156 : i32 to index
      %get3A_341 = arith.constant 112 : index
      %get3A_342 = tpu.vector_load %arg12[%get3A_340, %get3A_341] {strides = array<i32>} : memref<80x144xf32, #tpu.memory_space<vmem>>, vector<16xf32>,
      %mul3A_343 = arith.mulf %get3A_342, %exp3A_171 : vector<16xf32>
      %swap3A_344 = arith.index_cast %add3A_156 : i32 to index
      %swap3A_345 = arith.constant 112 : index
      %swap3A_346 = tpu.vector_load %arg12[%swap3A_344, %swap3A_345] {strides = array<i32>} : memref<80x144xf32, #tpu.memory_space<vmem>>, vector<16xf32>,
      tpu.vector_store %arg12[%swap3A_344, %swap3A_345], %mul3A_343 {strides = array<i32>} : memref<80x144xf32, #tpu.memory_space<vmem>>, vector<16xf32>,
      %get3A_347 = arith.index_cast %add3A_176 : i32 to index
      %get3A_348 = arith.constant 0 : index
      %get3A_349 = tpu.vector_load %arg12[%get3A_347, %get3A_348] {strides = array<i32>} : memref<80x144xf32, #tpu.memory_space<vmem>>, vector<16xf32>,
      %mul3A_350 = arith.mulf %get3A_349, %exp3A_191 : vector<16xf32>
      %swap3A_351 = arith.index_cast %add3A_176 : i32 to index
      %swap3A_352 = arith.constant 0 : index
      %swap3A_353 = tpu.vector_load %arg12[%swap3A_351, %swap3A_352] {strides = array<i32>} : memref<80x144xf32, #tpu.memory_space<vmem>>, vector<16xf32>,
      tpu.vector_store %arg12[%swap3A_351, %swap3A_352], %mul3A_350 {strides = array<i32>} : memref<80x144xf32, #tpu.memory_space<vmem>>, vector<16xf32>,
      %get3A_354 = arith.index_cast %add3A_176 : i32 to index
      %get3A_355 = arith.constant 16 : index
      %get3A_356 = tpu.vector_load %arg12[%get3A_354, %get3A_355] {strides = array<i32>} : memref<80x144xf32, #tpu.memory_space<vmem>>, vector<16xf32>,
      %mul3A_357 = arith.mulf %get3A_356, %exp3A_191 : vector<16xf32>
      %swap3A_358 = arith.index_cast %add3A_176 : i32 to index
      %swap3A_359 = arith.constant 16 : index
      %swap3A_360 = tpu.vector_load %arg12[%swap3A_358, %swap3A_359] {strides = array<i32>} : memref<80x144xf32, #tpu.memory_space<vmem>>, vector<16xf32>,
      tpu.vector_store %arg12[%swap3A_358, %swap3A_359], %mul3A_357 {strides = array<i32>} : memref<80x144xf32, #tpu.memory_space<vmem>>, vector<16xf32>,
      %get3A_361 = arith.index_cast %add3A_176 : i32 to index
      %get3A_362 = arith.constant 32 : index
      %get3A_363 = tpu.vector_load %arg12[%get3A_361, %get3A_362] {strides = array<i32>} : memref<80x144xf32, #tpu.memory_space<vmem>>, vector<16xf32>,
      %mul3A_364 = arith.mulf %get3A_363, %exp3A_191 : vector<16xf32>
      %swap3A_365 = arith.index_cast %add3A_176 : i32 to index
      %swap3A_366 = arith.constant 32 : index
      %swap3A_367 = tpu.vector_load %arg12[%swap3A_365, %swap3A_366] {strides = array<i32>} : memref<80x144xf32, #tpu.memory_space<vmem>>, vector<16xf32>,
      tpu.vector_store %arg12[%swap3A_365, %swap3A_366], %mul3A_364 {strides = array<i32>} : memref<80x144xf32, #tpu.memory_space<vmem>>, vector<16xf32>,
      %get3A_368 = arith.index_cast %add3A_176 : i32 to index
      %get3A_369 = arith.constant 48 : index
      %get3A_370 = tpu.vector_load %arg12[%get3A_368, %get3A_369] {strides = array<i32>} : memref<80x144xf32, #tpu.memory_space<vmem>>, vector<16xf32>,
      %mul3A_371 = arith.mulf %get3A_370, %exp3A_191 : vector<16xf32>
      %swap3A_372 = arith.index_cast %add3A_176 : i32 to index
      %swap3A_373 = arith.constant 48 : index
      %swap3A_374 = tpu.vector_load %arg12[%swap3A_372, %swap3A_373] {strides = array<i32>} : memref<80x144xf32, #tpu.memory_space<vmem>>, vector<16xf32>,
      tpu.vector_store %arg12[%swap3A_372, %swap3A_373], %mul3A_371 {strides = array<i32>} : memref<80x144xf32, #tpu.memory_space<vmem>>, vector<16xf32>,
      %get3A_375 = arith.index_cast %add3A_176 : i32 to index
      %get3A_376 = arith.constant 64 : index
      %get3A_377 = tpu.vector_load %arg12[%get3A_375, %get3A_376] {strides = array<i32>} : memref<80x144xf32, #tpu.memory_space<vmem>>, vector<16xf32>,
      %mul3A_378 = arith.mulf %get3A_377, %exp3A_191 : vector<16xf32>
      %swap3A_379 = arith.index_cast %add3A_176 : i32 to index
      %swap3A_380 = arith.constant 64 : index
      %swap3A_381 = tpu.vector_load %arg12[%swap3A_379, %swap3A_380] {strides = array<i32>} : memref<80x144xf32, #tpu.memory_space<vmem>>, vector<16xf32>,
      tpu.vector_store %arg12[%swap3A_379, %swap3A_380], %mul3A_378 {strides = array<i32>} : memref<80x144xf32, #tpu.memory_space<vmem>>, vector<16xf32>,
      %get3A_382 = arith.index_cast %add3A_176 : i32 to index
      %get3A_383 = arith.constant 80 : index
      %get3A_384 = tpu.vector_load %arg12[%get3A_382, %get3A_383] {strides = array<i32>} : memref<80x144xf32, #tpu.memory_space<vmem>>, vector<16xf32>,
      %mul3A_385 = arith.mulf %get3A_384, %exp3A_191 : vector<16xf32>
      %swap3A_386 = arith.index_cast %add3A_176 : i32 to index
      %swap3A_387 = arith.constant 80 : index
      %swap3A_388 = tpu.vector_load %arg12[%swap3A_386, %swap3A_387] {strides = array<i32>} : memref<80x144xf32, #tpu.memory_space<vmem>>, vector<16xf32>,
      tpu.vector_store %arg12[%swap3A_386, %swap3A_387], %mul3A_385 {strides = array<i32>} : memref<80x144xf32, #tpu.memory_space<vmem>>, vector<16xf32>,
      %get3A_389 = arith.index_cast %add3A_176 : i32 to index
      %get3A_390 = arith.constant 96 : index
      %get3A_391 = tpu.vector_load %arg12[%get3A_389, %get3A_390] {strides = array<i32>} : memref<80x144xf32, #tpu.memory_space<vmem>>, vector<16xf32>,
      %mul3A_392 = arith.mulf %get3A_391, %exp3A_191 : vector<16xf32>
      %swap3A_393 = arith.index_cast %add3A_176 : i32 to index
      %swap3A_394 = arith.constant 96 : index
      %swap3A_395 = tpu.vector_load %arg12[%swap3A_393, %swap3A_394] {strides = array<i32>} : memref<80x144xf32, #tpu.memory_space<vmem>>, vector<16xf32>,
      tpu.vector_store %arg12[%swap3A_393, %swap3A_394], %mul3A_392 {strides = array<i32>} : memref<80x144xf32, #tpu.memory_space<vmem>>, vector<16xf32>,
      %get3A_396 = arith.index_cast %add3A_176 : i32 to index
      %get3A_397 = arith.constant 112 : index
      %get3A_398 = tpu.vector_load %arg12[%get3A_396, %get3A_397] {strides = array<i32>} : memref<80x144xf32, #tpu.memory_space<vmem>>, vector<16xf32>,
      %mul3A_399 = arith.mulf %get3A_398, %exp3A_191 : vector<16xf32>
      %swap3A_400 = arith.index_cast %add3A_176 : i32 to index
      %swap3A_401 = arith.constant 112 : index
      %swap3A_402 = tpu.vector_load %arg12[%swap3A_400, %swap3A_401] {strides = array<i32>} : memref<80x144xf32, #tpu.memory_space<vmem>>, vector<16xf32>,
      tpu.vector_store %arg12[%swap3A_400, %swap3A_401], %mul3A_399 {strides = array<i32>} : memref<80x144xf32, #tpu.memory_space<vmem>>, vector<16xf32>,
      %get3A_403 = arith.index_cast %add3A_196 : i32 to index
      %get3A_404 = arith.constant 0 : index
      %get3A_405 = tpu.vector_load %arg12[%get3A_403, %get3A_404] {strides = array<i32>} : memref<80x144xf32, #tpu.memory_space<vmem>>, vector<16xf32>,
      %mul3A_406 = arith.mulf %get3A_405, %exp3A_211 : vector<16xf32>
      %swap3A_407 = arith.index_cast %add3A_196 : i32 to index
      %swap3A_408 = arith.constant 0 : index
      %swap3A_409 = tpu.vector_load %arg12[%swap3A_407, %swap3A_408] {strides = array<i32>} : memref<80x144xf32, #tpu.memory_space<vmem>>, vector<16xf32>,
      tpu.vector_store %arg12[%swap3A_407, %swap3A_408], %mul3A_406 {strides = array<i32>} : memref<80x144xf32, #tpu.memory_space<vmem>>, vector<16xf32>,
      %get3A_410 = arith.index_cast %add3A_196 : i32 to index
      %get3A_411 = arith.constant 16 : index
      %get3A_412 = tpu.vector_load %arg12[%get3A_410, %get3A_411] {strides = array<i32>} : memref<80x144xf32, #tpu.memory_space<vmem>>, vector<16xf32>,
      %mul3A_413 = arith.mulf %get3A_412, %exp3A_211 : vector<16xf32>
      %swap3A_414 = arith.index_cast %add3A_196 : i32 to index
      %swap3A_415 = arith.constant 16 : index
      %swap3A_416 = tpu.vector_load %arg12[%swap3A_414, %swap3A_415] {strides = array<i32>} : memref<80x144xf32, #tpu.memory_space<vmem>>, vector<16xf32>,
      tpu.vector_store %arg12[%swap3A_414, %swap3A_415], %mul3A_413 {strides = array<i32>} : memref<80x144xf32, #tpu.memory_space<vmem>>, vector<16xf32>,
      %get3A_417 = arith.index_cast %add3A_196 : i32 to index
      %get3A_418 = arith.constant 32 : index
      %get3A_419 = tpu.vector_load %arg12[%get3A_417, %get3A_418] {strides = array<i32>} : memref<80x144xf32, #tpu.memory_space<vmem>>, vector<16xf32>,
      %mul3A_420 = arith.mulf %get3A_419, %exp3A_211 : vector<16xf32>
      %swap3A_421 = arith.index_cast %add3A_196 : i32 to index
      %swap3A_422 = arith.constant 32 : index
      %swap3A_423 = tpu.vector_load %arg12[%swap3A_421, %swap3A_422] {strides = array<i32>} : memref<80x144xf32, #tpu.memory_space<vmem>>, vector<16xf32>,
      tpu.vector_store %arg12[%swap3A_421, %swap3A_422], %mul3A_420 {strides = array<i32>} : memref<80x144xf32, #tpu.memory_space<vmem>>, vector<16xf32>,
      %get3A_424 = arith.index_cast %add3A_196 : i32 to index
      %get3A_425 = arith.constant 48 : index
      %get3A_426 = tpu.vector_load %arg12[%get3A_424, %get3A_425] {strides = array<i32>} : memref<80x144xf32, #tpu.memory_space<vmem>>, vector<16xf32>,
      %mul3A_427 = arith.mulf %get3A_426, %exp3A_211 : vector<16xf32>
      %swap3A_428 = arith.index_cast %add3A_196 : i32 to index
      %swap3A_429 = arith.constant 48 : index
      %swap3A_430 = tpu.vector_load %arg12[%swap3A_428, %swap3A_429] {strides = array<i32>} : memref<80x144xf32, #tpu.memory_space<vmem>>, vector<16xf32>,
      tpu.vector_store %arg12[%swap3A_428, %swap3A_429], %mul3A_427 {strides = array<i32>} : memref<80x144xf32, #tpu.memory_space<vmem>>, vector<16xf32>,
      %get3A_431 = arith.index_cast %add3A_196 : i32 to index
      %get3A_432 = arith.constant 64 : index
      %get3A_433 = tpu.vector_load %arg12[%get3A_431, %get3A_432] {strides = array<i32>} : memref<80x144xf32, #tpu.memory_space<vmem>>, vector<16xf32>,
      %mul3A_434 = arith.mulf %get3A_433, %exp3A_211 : vector<16xf32>
      %swap3A_435 = arith.index_cast %add3A_196 : i32 to index
      %swap3A_436 = arith.constant 64 : index
      %swap3A_437 = tpu.vector_load %arg12[%swap3A_435, %swap3A_436] {strides = array<i32>} : memref<80x144xf32, #tpu.memory_space<vmem>>, vector<16xf32>,
      tpu.vector_store %arg12[%swap3A_435, %swap3A_436], %mul3A_434 {strides = array<i32>} : memref<80x144xf32, #tpu.memory_space<vmem>>, vector<16xf32>,
      %get3A_438 = arith.index_cast %add3A_196 : i32 to index
      %get3A_439 = arith.constant 80 : index
      %get3A_440 = tpu.vector_load %arg12[%get3A_438, %get3A_439] {strides = array<i32>} : memref<80x144xf32, #tpu.memory_space<vmem>>, vector<16xf32>,
      %mul3A_441 = arith.mulf %get3A_440, %exp3A_211 : vector<16xf32>
      %swap3A_442 = arith.index_cast %add3A_196 : i32 to index
      %swap3A_443 = arith.constant 80 : index
      %swap3A_444 = tpu.vector_load %arg12[%swap3A_442, %swap3A_443] {strides = array<i32>} : memref<80x144xf32, #tpu.memory_space<vmem>>, vector<16xf32>,
      tpu.vector_store %arg12[%swap3A_442, %swap3A_443], %mul3A_441 {strides = array<i32>} : memref<80x144xf32, #tpu.memory_space<vmem>>, vector<16xf32>,
      %get3A_445 = arith.index_cast %add3A_196 : i32 to index
      %get3A_446 = arith.constant 96 : index
      %get3A_447 = tpu.vector_load %arg12[%get3A_445, %get3A_446] {strides = array<i32>} : memref<80x144xf32, #tpu.memory_space<vmem>>, vector<16xf32>,
      %mul3A_448 = arith.mulf %get3A_447, %exp3A_211 : vector<16xf32>
      %swap3A_449 = arith.index_cast %add3A_196 : i32 to index
      %swap3A_450 = arith.constant 96 : index
      %swap3A_451 = tpu.vector_load %arg12[%swap3A_449, %swap3A_450] {strides = array<i32>} : memref<80x144xf32, #tpu.memory_space<vmem>>, vector<16xf32>,
      tpu.vector_store %arg12[%swap3A_449, %swap3A_450], %mul3A_448 {strides = array<i32>} : memref<80x144xf32, #tpu.memory_space<vmem>>, vector<16xf32>,
      %get3A_452 = arith.index_cast %add3A_196 : i32 to index
      %get3A_453 = arith.constant 112 : index
      %get3A_454 = tpu.vector_load %arg12[%get3A_452, %get3A_453] {strides = array<i32>} : memref<80x144xf32, #tpu.memory_space<vmem>>, vector<16xf32>,
      %mul3A_455 = arith.mulf %get3A_454, %exp3A_211 : vector<16xf32>
      %swap3A_456 = arith.index_cast %add3A_196 : i32 to index
      %swap3A_457 = arith.constant 112 : index
      %swap3A_458 = tpu.vector_load %arg12[%swap3A_456, %swap3A_457] {strides = array<i32>} : memref<80x144xf32, #tpu.memory_space<vmem>>, vector<16xf32>,
      tpu.vector_store %arg12[%swap3A_456, %swap3A_457], %mul3A_455 {strides = array<i32>} : memref<80x144xf32, #tpu.memory_space<vmem>>, vector<16xf32>,
      %get3A_459 = arith.index_cast %add3A_216 : i32 to index
      %get3A_460 = arith.constant 0 : index
      %get3A_461 = tpu.vector_load %arg12[%get3A_459, %get3A_460] {strides = array<i32>} : memref<80x144xf32, #tpu.memory_space<vmem>>, vector<16xf32>,
      %mul3A_462 = arith.mulf %get3A_461, %exp3A_231 : vector<16xf32>
      %swap3A_463 = arith.index_cast %add3A_216 : i32 to index
      %swap3A_464 = arith.constant 0 : index
      %swap3A_465 = tpu.vector_load %arg12[%swap3A_463, %swap3A_464] {strides = array<i32>} : memref<80x144xf32, #tpu.memory_space<vmem>>, vector<16xf32>,
      tpu.vector_store %arg12[%swap3A_463, %swap3A_464], %mul3A_462 {strides = array<i32>} : memref<80x144xf32, #tpu.memory_space<vmem>>, vector<16xf32>,
      %get3A_466 = arith.index_cast %add3A_216 : i32 to index
      %get3A_467 = arith.constant 16 : index
      %get3A_468 = tpu.vector_load %arg12[%get3A_466, %get3A_467] {strides = array<i32>} : memref<80x144xf32, #tpu.memory_space<vmem>>, vector<16xf32>,
      %mul3A_469 = arith.mulf %get3A_468, %exp3A_231 : vector<16xf32>
      %swap3A_470 = arith.index_cast %add3A_216 : i32 to index
      %swap3A_471 = arith.constant 16 : index
      %swap3A_472 = tpu.vector_load %arg12[%swap3A_470, %swap3A_471] {strides = array<i32>} : memref<80x144xf32, #tpu.memory_space<vmem>>, vector<16xf32>,
      tpu.vector_store %arg12[%swap3A_470, %swap3A_471], %mul3A_469 {strides = array<i32>} : memref<80x144xf32, #tpu.memory_space<vmem>>, vector<16xf32>,
      %get3A_473 = arith.index_cast %add3A_216 : i32 to index
      %get3A_474 = arith.constant 32 : index
      %get3A_475 = tpu.vector_load %arg12[%get3A_473, %get3A_474] {strides = array<i32>} : memref<80x144xf32, #tpu.memory_space<vmem>>, vector<16xf32>,
      %mul3A_476 = arith.mulf %get3A_475, %exp3A_231 : vector<16xf32>
      %swap3A_477 = arith.index_cast %add3A_216 : i32 to index
      %swap3A_478 = arith.constant 32 : index
      %swap3A_479 = tpu.vector_load %arg12[%swap3A_477, %swap3A_478] {strides = array<i32>} : memref<80x144xf32, #tpu.memory_space<vmem>>, vector<16xf32>,
      tpu.vector_store %arg12[%swap3A_477, %swap3A_478], %mul3A_476 {strides = array<i32>} : memref<80x144xf32, #tpu.memory_space<vmem>>, vector<16xf32>,
      %get3A_480 = arith.index_cast %add3A_216 : i32 to index
      %get3A_481 = arith.constant 48 : index
      %get3A_482 = tpu.vector_load %arg12[%get3A_480, %get3A_481] {strides = array<i32>} : memref<80x144xf32, #tpu.memory_space<vmem>>, vector<16xf32>,
      %mul3A_483 = arith.mulf %get3A_482, %exp3A_231 : vector<16xf32>
      %swap3A_484 = arith.index_cast %add3A_216 : i32 to index
      %swap3A_485 = arith.constant 48 : index
      %swap3A_486 = tpu.vector_load %arg12[%swap3A_484, %swap3A_485] {strides = array<i32>} : memref<80x144xf32, #tpu.memory_space<vmem>>, vector<16xf32>,
      tpu.vector_store %arg12[%swap3A_484, %swap3A_485], %mul3A_483 {strides = array<i32>} : memref<80x144xf32, #tpu.memory_space<vmem>>, vector<16xf32>,
      %get3A_487 = arith.index_cast %add3A_216 : i32 to index
      %get3A_488 = arith.constant 64 : index
      %get3A_489 = tpu.vector_load %arg12[%get3A_487, %get3A_488] {strides = array<i32>} : memref<80x144xf32, #tpu.memory_space<vmem>>, vector<16xf32>,
      %mul3A_490 = arith.mulf %get3A_489, %exp3A_231 : vector<16xf32>
      %swap3A_491 = arith.index_cast %add3A_216 : i32 to index
      %swap3A_492 = arith.constant 64 : index
      %swap3A_493 = tpu.vector_load %arg12[%swap3A_491, %swap3A_492] {strides = array<i32>} : memref<80x144xf32, #tpu.memory_space<vmem>>, vector<16xf32>,
      tpu.vector_store %arg12[%swap3A_491, %swap3A_492], %mul3A_490 {strides = array<i32>} : memref<80x144xf32, #tpu.memory_space<vmem>>, vector<16xf32>,
      %get3A_494 = arith.index_cast %add3A_216 : i32 to index
      %get3A_495 = arith.constant 80 : index
      %get3A_496 = tpu.vector_load %arg12[%get3A_494, %get3A_495] {strides = array<i32>} : memref<80x144xf32, #tpu.memory_space<vmem>>, vector<16xf32>,
      %mul3A_497 = arith.mulf %get3A_496, %exp3A_231 : vector<16xf32>
      %swap3A_498 = arith.index_cast %add3A_216 : i32 to index
      %swap3A_499 = arith.constant 80 : index
      %swap3A_500 = tpu.vector_load %arg12[%swap3A_498, %swap3A_499] {strides = array<i32>} : memref<80x144xf32, #tpu.memory_space<vmem>>, vector<16xf32>,
      tpu.vector_store %arg12[%swap3A_498, %swap3A_499], %mul3A_497 {strides = array<i32>} : memref<80x144xf32, #tpu.memory_space<vmem>>, vector<16xf32>,
      %get3A_501 = arith.index_cast %add3A_216 : i32 to index
      %get3A_502 = arith.constant 96 : index
      %get3A_503 = tpu.vector_load %arg12[%get3A_501, %get3A_502] {strides = array<i32>} : memref<80x144xf32, #tpu.memory_space<vmem>>, vector<16xf32>,
      %mul3A_504 = arith.mulf %get3A_503, %exp3A_231 : vector<16xf32>
      %swap3A_505 = arith.index_cast %add3A_216 : i32 to index
      %swap3A_506 = arith.constant 96 : index
      %swap3A_507 = tpu.vector_load %arg12[%swap3A_505, %swap3A_506] {strides = array<i32>} : memref<80x144xf32, #tpu.memory_space<vmem>>, vector<16xf32>,
      tpu.vector_store %arg12[%swap3A_505, %swap3A_506], %mul3A_504 {strides = array<i32>} : memref<80x144xf32, #tpu.memory_space<vmem>>, vector<16xf32>,
      %get3A_508 = arith.index_cast %add3A_216 : i32 to index
      %get3A_509 = arith.constant 112 : index
      %get3A_510 = tpu.vector_load %arg12[%get3A_508, %get3A_509] {strides = array<i32>} : memref<80x144xf32, #tpu.memory_space<vmem>>, vector<16xf32>,
      %mul3A_511 = arith.mulf %get3A_510, %exp3A_231 : vector<16xf32>
      %swap3A_512 = arith.index_cast %add3A_216 : i32 to index
      %swap3A_513 = arith.constant 112 : index
      %swap3A_514 = tpu.vector_load %arg12[%swap3A_512, %swap3A_513] {strides = array<i32>} : memref<80x144xf32, #tpu.memory_space<vmem>>, vector<16xf32>,
      tpu.vector_store %arg12[%swap3A_512, %swap3A_513], %mul3A_511 {strides = array<i32>} : memref<80x144xf32, #tpu.memory_space<vmem>>, vector<16xf32>,
      %scan3A_515 = arith.constant 0 : i32
      scf.yield %scan3A_515 : i32
    }
    %scan3A_114 = arith.constant 16 : i32
    %dma_start3A_115 = arith.constant 9920 : i32
    %dma_start3A_116 = tpu.memref_slice %arg8[%dma_start3A_115] : memref<10000xi32, #tpu.memory_space<vmem>> -> memref<80xi32, #tpu.memory_space<vmem>>
    %dma_start3A_117 = arith.constant 0 : i32
    %dma_start3A_118 = arith.constant 0 : i32
    %dma_start3A_119 = tpu.memref_slice %arg17[%dma_start3A_117, %dma_start3A_118] : memref<10112x144xf32, #tpu.memory_space<vmem_shared>> -> memref<10112x144xf32, #tpu.memory_space<vmem_shared>>
    tpu.enqueue_indirect_dma source(%arg12 : memref<80x144xf32, #tpu.memory_space<vmem>>) target(%dma_start3A_119 : memref<10112x144xf32, #tpu.memory_space<vmem_shared>>) offsets(%dma_start3A_116 : memref<80xi32, #tpu.memory_space<vmem>>) semaphore(%arg20 : memref<!tpu.dma_semaphore, #tpu.memory_space<semaphore_mem>>) {add = true}
    %dma_wait3A_120 = arith.constant 9920 : i32
    %dma_wait3A_121 = tpu.memref_slice %arg8[%dma_wait3A_120] : memref<10000xi32, #tpu.memory_space<vmem>> -> memref<80xi32, #tpu.memory_space<vmem>>
    %dma_wait3A_122 = arith.constant 0 : i32
    %dma_wait3A_123 = arith.constant 0 : i32
    %dma_wait3A_124 = tpu.memref_slice %arg17[%dma_wait3A_122, %dma_wait3A_123] : memref<10112x144xf32, #tpu.memory_space<vmem_shared>> -> memref<10112x144xf32, #tpu.memory_space<vmem_shared>>
    tpu.wait_indirect_dma semaphore(%arg20 : memref<!tpu.dma_semaphore, #tpu.memory_space<semaphore_mem>>) src(%arg12 : memref<80x144xf32, #tpu.memory_space<vmem>>) dst(%dma_wait3A_124 : memref<10112x144xf32, #tpu.memory_space<vmem_shared>>)
    %min3A_125 = arith.constant 124 : i32
    %min3A_126 = arith.constant 124 : i32
    %min3A_127 = arith.minsi %min3A_125, %min3A_126 : i32
    %mul3A_128 = arith.constant 80 : i32
    %mul3A_129 = arith.muli %min3A_127, %mul3A_128 : i32
    %add3A_130 = arith.addi %mul3A_2, %mul3A_129 : i32
    %dma_wait3A_131 = tpu.memref_slice %arg2[%add3A_130] : memref<320000xi32, #tpu.memory_space<hbm>> -> memref<80xi32, #tpu.memory_space<hbm>>
    %dma_wait3A_132 = tpu.memref_slice %arg2[%add3A_130] : memref<320000xi32, #tpu.memory_space<hbm>> -> memref<80xi32, #tpu.memory_space<hbm>>
    tpu.wait_dma2 semaphore(%arg23 : memref<!tpu.dma_semaphore, #tpu.memory_space<semaphore_mem>>) src(%dma_wait3A_132 : memref<80xi32, #tpu.memory_space<hbm>>) dst(%arg13 : memref<80xi32, #tpu.memory_space<vmem>>)
    %dma_wait3A_133 = tpu.memref_slice %arg4[%add3A_130] : memref<320000xf32, #tpu.memory_space<hbm>> -> memref<80xf32, #tpu.memory_space<hbm>>
    %dma_wait3A_134 = tpu.memref_slice %arg4[%add3A_130] : memref<320000xf32, #tpu.memory_space<hbm>> -> memref<80xf32, #tpu.memory_space<hbm>>
    tpu.wait_dma2 semaphore(%arg23 : memref<!tpu.dma_semaphore, #tpu.memory_space<semaphore_mem>>) src(%dma_wait3A_134 : memref<80xf32, #tpu.memory_space<hbm>>) dst(%arg14 : memref<80xf32, #tpu.memory_space<vmem>>)
    %barrier3A_135 = arith.constant 0 : index
    tpu.barrier barrier_id(%barrier3A_135)
    "tpu.region"() ({
      %run_scoped3A = tpu.sem_alloc : memref<!tpu.dma_semaphore, #tpu.memory_space<semaphore_mem>>
      %dma_start3A_136 = arith.constant 0 : i32
      %dma_start3A_137 = tpu.memref_slice %arg7[%arg0, %mul3A_4, %dma_start3A_136] : memref<2x10112x144xf32, #tpu.memory_space<hbm>> -> memref<1x632x144xf32, #tpu.memory_space<hbm>>
      %dma_start3A_138 = tpu.memref_squeeze %dma_start3A_137 : memref<1x632x144xf32, #tpu.memory_space<hbm>> -> memref<632x144xf32, #tpu.memory_space<hbm>>
      %dma_start3A_139 = arith.constant 0 : i32
      %dma_start3A_140 = tpu.memref_slice %arg17[%mul3A_4, %dma_start3A_139] : memref<10112x144xf32, #tpu.memory_space<vmem_shared>> -> memref<632x144xf32, #tpu.memory_space<vmem_shared>>
      tpu.enqueue_dma source(%dma_start3A_140 : memref<632x144xf32, #tpu.memory_space<vmem_shared>>) target(%dma_start3A_138 : memref<632x144xf32, #tpu.memory_space<hbm>>) target_semaphore(%run_scoped3A : memref<!tpu.dma_semaphore, #tpu.memory_space<semaphore_mem>>)
      %dma_wait3A_141 = arith.constant 0 : i32
      %dma_wait3A_142 = tpu.memref_slice %arg7[%arg0, %mul3A_4, %dma_wait3A_141] : memref<2x10112x144xf32, #tpu.memory_space<hbm>> -> memref<1x632x144xf32, #tpu.memory_space<hbm>>
      %dma_wait3A_143 = tpu.memref_squeeze %dma_wait3A_142 : memref<1x632x144xf32, #tpu.memory_space<hbm>> -> memref<632x144xf32, #tpu.memory_space<hbm>>
      %dma_wait3A_144 = arith.constant 0 : i32
      %dma_wait3A_145 = tpu.memref_slice %arg17[%mul3A_4, %dma_wait3A_144] : memref<10112x144xf32, #tpu.memory_space<vmem_shared>> -> memref<632x144xf32, #tpu.memory_space<vmem_shared>>
      tpu.wait_dma2 semaphore(%run_scoped3A : memref<!tpu.dma_semaphore, #tpu.memory_space<semaphore_mem>>) src(%dma_wait3A_145 : memref<632x144xf32, #tpu.memory_space<vmem_shared>>) dst(%dma_wait3A_143 : memref<632x144xf32, #tpu.memory_space<hbm>>)
      tpu.yield
    }) : () -> ()
    return
  }
}

module attributes {stable_mosaic.version = 14 : i64} {
  func.func @_prep_body(%arg0: i32, %arg1: memref<1000x128xf32, #tpu.memory_space<vmem>>, %arg2: memref<128x128xf32, #tpu.memory_space<vmem>>, %arg3: memref<1x128xf32, #tpu.memory_space<vmem>>, %arg4: memref<1x128xf32, #tpu.memory_space<vmem>>, %arg5: memref<128x8xf32, #tpu.memory_space<vmem>>, %arg6: memref<128x128xf32, #tpu.memory_space<vmem>>, %arg7: memref<1000x144xf32, #tpu.memory_space<vmem>>, %arg8: memref<1000x16xf32, #tpu.memory_space<vmem>>) attributes {dimension_semantics = [#tpu.dimension_semantics<arbitrary>], iteration_bounds = array<i64: 10>, scalar_prefetch = 0 : i64, scratch_operands = 0 : i64, tpu.core_type = #tpu.core_type<tc>, window_params = [{transform_indices = @transform_0, window_bounds = array<i64: 1000, 128>}, {pipeline_mode = #tpu.pipeline_mode<synchronous>, transform_indices = @transform_1, window_bounds = array<i64: 128, 128>}, {pipeline_mode = #tpu.pipeline_mode<synchronous>, transform_indices = @transform_2, window_bounds = array<i64: 1, 128>}, {pipeline_mode = #tpu.pipeline_mode<synchronous>, transform_indices = @transform_3, window_bounds = array<i64: 1, 128>}, {pipeline_mode = #tpu.pipeline_mode<synchronous>, transform_indices = @transform_4, window_bounds = array<i64: 128, 8>}, {pipeline_mode = #tpu.pipeline_mode<synchronous>, transform_indices = @transform_5, window_bounds = array<i64: 128, 128>}, {transform_indices = @transform_6, window_bounds = array<i64: 1000, 144>}, {transform_indices = @transform_7, window_bounds = array<i64: 1000, 16>}]} {
    %get3A = arith.constant 0 : index
    %get3A_0 = arith.constant 0 : index
    %get3A_1 = vector.load %arg1[%get3A, %get3A_0] : memref<1000x128xf32, #tpu.memory_space<vmem>>, vector<1000x128xf32>
    %get3A_2 = arith.constant 0 : index
    %get3A_3 = arith.constant 0 : index
    %get3A_4 = vector.load %arg2[%get3A_2, %get3A_3] : memref<128x128xf32, #tpu.memory_space<vmem>>, vector<128x128xf32>
    %dot_general3A = arith.constant dense<0.000000e+00> : vector<1000x128xf32>
    %dot_general3A_5 = tpu.matmul %get3A_1, %get3A_4, %dot_general3A {dimension_numbers = #tpu.dot_dimension_numbers<[1], [0], [0], [1], [0, 0, 1, 1], [], []>, transpose_lhs_hint = false} : vector<1000x128xf32>, vector<128x128xf32>, vector<1000x128xf32> -> vector<1000x128xf32>
    %get3A_6 = arith.constant 0 : index
    %get3A_7 = arith.constant 0 : index
    %get3A_8 = vector.load %arg6[%get3A_6, %get3A_7] : memref<128x128xf32, #tpu.memory_space<vmem>>, vector<128x128xf32>
    %dot_general3A_9 = arith.constant dense<0.000000e+00> : vector<1000x128xf32>
    %dot_general3A_10 = tpu.matmul %dot_general3A_5, %get3A_8, %dot_general3A_9 {dimension_numbers = #tpu.dot_dimension_numbers<[1], [0], [0], [1], [0, 0, 1, 1], [], []>, transpose_lhs_hint = false} : vector<1000x128xf32>, vector<128x128xf32>, vector<1000x128xf32> -> vector<1000x128xf32>
    %get3A_11 = arith.constant 0 : index
    %get3A_12 = arith.constant 0 : index
    %get3A_13 = vector.load %arg3[%get3A_11, %get3A_12] : memref<1x128xf32, #tpu.memory_space<vmem>>, vector<1x128xf32>
    %mul3A = vector.broadcast %get3A_13 : vector<1x128xf32> to vector<1000x128xf32>
    %mul3A_14 = arith.mulf %dot_general3A_5, %mul3A : vector<1000x128xf32>
    %get3A_15 = arith.constant 0 : index
    %get3A_16 = arith.constant 0 : index
    %get3A_17 = vector.load %arg5[%get3A_15, %get3A_16] : memref<128x8xf32, #tpu.memory_space<vmem>>, vector<128x8xf32>
    %dot_general3A_18 = arith.constant dense<0.000000e+00> : vector<1000x8xf32>
    %dot_general3A_19 = tpu.matmul %mul3A_14, %get3A_17, %dot_general3A_18 {dimension_numbers = #tpu.dot_dimension_numbers<[1], [0], [0], [1], [0, 0, 1, 1], [], []>, transpose_lhs_hint = false} : vector<1000x128xf32>, vector<128x8xf32>, vector<1000x8xf32> -> vector<1000x8xf32>
    %get3A_20 = arith.constant 0 : index
    %get3A_21 = arith.constant 0 : index
    %get3A_22 = vector.load %arg4[%get3A_20, %get3A_21] : memref<1x128xf32, #tpu.memory_space<vmem>>, vector<1x128xf32>
    %mul3A_23 = vector.broadcast %get3A_22 : vector<1x128xf32> to vector<1000x128xf32>
    %mul3A_24 = arith.mulf %dot_general3A_5, %mul3A_23 : vector<1000x128xf32>
    %get3A_25 = arith.constant 0 : index
    %get3A_26 = arith.constant 0 : index
    %get3A_27 = vector.load %arg5[%get3A_25, %get3A_26] : memref<128x8xf32, #tpu.memory_space<vmem>>, vector<128x8xf32>
    %dot_general3A_28 = arith.constant dense<0.000000e+00> : vector<1000x8xf32>
    %dot_general3A_29 = tpu.matmul %mul3A_24, %get3A_27, %dot_general3A_28 {dimension_numbers = #tpu.dot_dimension_numbers<[1], [0], [0], [1], [0, 0, 1, 1], [], []>, transpose_lhs_hint = false} : vector<1000x128xf32>, vector<128x8xf32>, vector<1000x8xf32> -> vector<1000x8xf32>
    %concatenate3A = tpu.concatenate %dot_general3A_10, %dot_general3A_19, %dot_general3A_19 in 1 : vector<1000x128xf32>, vector<1000x8xf32>, vector<1000x8xf32> -> vector<1000x144xf32>
    %swap3A = arith.constant 0 : index
    %swap3A_30 = arith.constant 0 : index
    %swap3A_31 = vector.load %arg7[%swap3A, %swap3A_30] : memref<1000x144xf32, #tpu.memory_space<vmem>>, vector<1000x144xf32>
    tpu.vector_store %arg7[%swap3A, %swap3A_30], %concatenate3A {strides = array<i32>} : memref<1000x144xf32, #tpu.memory_space<vmem>>, vector<1000x144xf32>,
    %concatenate3A_32 = tpu.concatenate %dot_general3A_29, %dot_general3A_29 in 1 : vector<1000x8xf32>, vector<1000x8xf32> -> vector<1000x16xf32>
    %swap3A_33 = arith.constant 0 : index
    %swap3A_34 = arith.constant 0 : index
    %swap3A_35 = vector.load %arg8[%swap3A_33, %swap3A_34] : memref<1000x16xf32, #tpu.memory_space<vmem>>, vector<1000x16xf32>
    tpu.vector_store %arg8[%swap3A_33, %swap3A_34], %concatenate3A_32 {strides = array<i32>} : memref<1000x16xf32, #tpu.memory_space<vmem>>, vector<1000x16xf32>,
    return
  }
  func.func @transform_0(%arg0: i32) -> (i32, i32) {
    %c0_i32 = arith.constant 0 : i32
    %c0_i32_0 = arith.constant 0 : i32
    return %arg0, %c0_i32 : i32, i32
  }
  func.func @transform_1(%arg0: i32) -> (i32, i32) {
    %c0_i32 = arith.constant 0 : i32
    %c0_i32_0 = arith.constant 0 : i32
    %c0_i32_1 = arith.constant 0 : i32
    return %c0_i32, %c0_i32_0 : i32, i32
  }
  func.func @transform_2(%arg0: i32) -> (i32, i32) {
    %c0_i32 = arith.constant 0 : i32
    %c0_i32_0 = arith.constant 0 : i32
    %c0_i32_1 = arith.constant 0 : i32
    return %c0_i32, %c0_i32_0 : i32, i32
  }
  func.func @transform_3(%arg0: i32) -> (i32, i32) {
    %c0_i32 = arith.constant 0 : i32
    %c0_i32_0 = arith.constant 0 : i32
    %c0_i32_1 = arith.constant 0 : i32
    return %c0_i32, %c0_i32_0 : i32, i32
  }
  func.func @transform_4(%arg0: i32) -> (i32, i32) {
    %c0_i32 = arith.constant 0 : i32
    %c0_i32_0 = arith.constant 0 : i32
    %c0_i32_1 = arith.constant 0 : i32
    return %c0_i32, %c0_i32_0 : i32, i32
  }
  func.func @transform_5(%arg0: i32) -> (i32, i32) {
    %c0_i32 = arith.constant 0 : i32
    %c0_i32_0 = arith.constant 0 : i32
    %c0_i32_1 = arith.constant 0 : i32
    return %c0_i32, %c0_i32_0 : i32, i32
  }
  func.func @transform_6(%arg0: i32) -> (i32, i32) {
    %c0_i32 = arith.constant 0 : i32
    %c0_i32_0 = arith.constant 0 : i32
    return %arg0, %c0_i32 : i32, i32
  }
  func.func @transform_7(%arg0: i32) -> (i32, i32) {
    %c0_i32 = arith.constant 0 : i32
    %c0_i32_0 = arith.constant 0 : i32
    return %arg0, %c0_i32 : i32, i32
  }
}

module attributes {stable_mosaic.version = 14 : i64} {
  func.func @_finish_body(%arg0: i32, %arg1: memref<2x1000x144xf32, #tpu.memory_space<vmem>>, %arg2: memref<1000x128xf32, #tpu.memory_space<vmem>>, %arg3: memref<128x128xf32, #tpu.memory_space<vmem>>, %arg4: memref<8x128xf32, #tpu.memory_space<vmem>>, %arg5: memref<128x128xf32, #tpu.memory_space<vmem>>, %arg6: memref<1000x128xf32, #tpu.memory_space<vmem>>) attributes {dimension_semantics = [#tpu.dimension_semantics<arbitrary>], iteration_bounds = array<i64: 10>, scalar_prefetch = 0 : i64, scratch_operands = 0 : i64, tpu.core_type = #tpu.core_type<tc>, window_params = [{transform_indices = @transform_0, window_bounds = array<i64: 2, 1000, 144>}, {transform_indices = @transform_1, window_bounds = array<i64: 1000, 128>}, {pipeline_mode = #tpu.pipeline_mode<synchronous>, transform_indices = @transform_2, window_bounds = array<i64: 128, 128>}, {pipeline_mode = #tpu.pipeline_mode<synchronous>, transform_indices = @transform_3, window_bounds = array<i64: 8, 128>}, {pipeline_mode = #tpu.pipeline_mode<synchronous>, transform_indices = @transform_4, window_bounds = array<i64: 128, 128>}, {transform_indices = @transform_5, window_bounds = array<i64: 1000, 128>}]} {
    %get3A = arith.constant 0 : index
    %get3A_0 = arith.constant 0 : index
    %get3A_1 = arith.constant 0 : index
    %get3A_2 = vector.load %arg1[%get3A, %get3A_0, %get3A_1] : memref<2x1000x144xf32, #tpu.memory_space<vmem>>, vector<1x1000x128xf32>
    %get3A_3 = vector.shape_cast %get3A_2 : vector<1x1000x128xf32> to vector<1000x128xf32>
    %get3A_4 = arith.constant 1 : index
    %get3A_5 = arith.constant 0 : index
    %get3A_6 = arith.constant 0 : index
    %get3A_7 = vector.load %arg1[%get3A_4, %get3A_5, %get3A_6] : memref<2x1000x144xf32, #tpu.memory_space<vmem>>, vector<1x1000x128xf32>
    %get3A_8 = vector.shape_cast %get3A_7 : vector<1x1000x128xf32> to vector<1000x128xf32>
    %add3A = arith.addf %get3A_3, %get3A_8 : vector<1000x128xf32>
    %get3A_9 = arith.constant 0 : index
    %get3A_10 = arith.constant 0 : index
    %get3A_11 = arith.constant 128 : index
    %get3A_12 = vector.load %arg1[%get3A_9, %get3A_10, %get3A_11] : memref<2x1000x144xf32, #tpu.memory_space<vmem>>, vector<1x1000x8xf32>
    %get3A_13 = vector.shape_cast %get3A_12 : vector<1x1000x8xf32> to vector<1000x8xf32>
    %get3A_14 = arith.constant 1 : index
    %get3A_15 = arith.constant 0 : index
    %get3A_16 = arith.constant 128 : index
    %get3A_17 = vector.load %arg1[%get3A_14, %get3A_15, %get3A_16] : memref<2x1000x144xf32, #tpu.memory_space<vmem>>, vector<1x1000x8xf32>
    %get3A_18 = vector.shape_cast %get3A_17 : vector<1x1000x8xf32> to vector<1000x8xf32>
    %add3A_19 = arith.addf %get3A_13, %get3A_18 : vector<1000x8xf32>
    %add3A_20 = arith.constant 1.000000e-16 : f32
    %add3A_21 = vector.broadcast %add3A_20 : f32 to vector<1000x8xf32>
    %add3A_22 = arith.addf %add3A_19, %add3A_21 : vector<1000x8xf32>
    %get3A_23 = arith.constant 0 : index
    %get3A_24 = arith.constant 0 : index
    %get3A_25 = vector.load %arg4[%get3A_23, %get3A_24] : memref<8x128xf32, #tpu.memory_space<vmem>>, vector<8x128xf32>
    %dot_general3A = arith.constant dense<0.000000e+00> : vector<1000x128xf32>
    %dot_general3A_26 = tpu.matmul %add3A_22, %get3A_25, %dot_general3A {dimension_numbers = #tpu.dot_dimension_numbers<[1], [0], [0], [1], [0, 0, 1, 1], [], []>, transpose_lhs_hint = false} : vector<1000x8xf32>, vector<8x128xf32>, vector<1000x128xf32> -> vector<1000x128xf32>
    %div3A = arith.divf %add3A, %dot_general3A_26 : vector<1000x128xf32>
    %gt3A = arith.constant 0.000000e+00 : f32
    %gt3A_27 = vector.broadcast %gt3A : f32 to vector<1000x128xf32>
    %gt3A_28 = arith.cmpf ogt, %div3A, %gt3A_27 : vector<1000x128xf32>
    %min3A = arith.constant 0.000000e+00 : f32
    %min3A_29 = vector.broadcast %min3A : f32 to vector<1000x128xf32>
    %min3A_30 = arith.minimumf %div3A, %min3A_29 : vector<1000x128xf32>
    %exp3A = math.exp %min3A_30 : vector<1000x128xf32>
    %sub3A = arith.constant 1.000000e+00 : f32
    %sub3A_31 = vector.broadcast %sub3A : f32 to vector<1000x128xf32>
    %sub3A_32 = arith.subf %exp3A, %sub3A_31 : vector<1000x128xf32>
    %select_n3A = arith.select %gt3A_28, %div3A, %sub3A_32 : vector<1000x128xi1>, vector<1000x128xf32>
    %get3A_33 = arith.constant 0 : index
    %get3A_34 = arith.constant 0 : index
    %get3A_35 = vector.load %arg5[%get3A_33, %get3A_34] : memref<128x128xf32, #tpu.memory_space<vmem>>, vector<128x128xf32>
    %dot_general3A_36 = arith.constant dense<0.000000e+00> : vector<1000x128xf32>
    %dot_general3A_37 = tpu.matmul %select_n3A, %get3A_35, %dot_general3A_36 {dimension_numbers = #tpu.dot_dimension_numbers<[1], [0], [0], [1], [0, 0, 1, 1], [], []>, transpose_lhs_hint = false} : vector<1000x128xf32>, vector<128x128xf32>, vector<1000x128xf32> -> vector<1000x128xf32>
    %get3A_38 = arith.constant 0 : index
    %get3A_39 = arith.constant 0 : index
    %get3A_40 = vector.load %arg2[%get3A_38, %get3A_39] : memref<1000x128xf32, #tpu.memory_space<vmem>>, vector<1000x128xf32>
    %get3A_41 = arith.constant 0 : index
    %get3A_42 = arith.constant 0 : index
    %get3A_43 = vector.load %arg3[%get3A_41, %get3A_42] : memref<128x128xf32, #tpu.memory_space<vmem>>, vector<128x128xf32>
    %dot_general3A_44 = arith.constant dense<0.000000e+00> : vector<1000x128xf32>
    %dot_general3A_45 = tpu.matmul %get3A_40, %get3A_43, %dot_general3A_44 {dimension_numbers = #tpu.dot_dimension_numbers<[1], [0], [0], [1], [0, 0, 1, 1], [], []>, transpose_lhs_hint = false} : vector<1000x128xf32>, vector<128x128xf32>, vector<1000x128xf32> -> vector<1000x128xf32>
    %add3A_46 = arith.addf %dot_general3A_37, %dot_general3A_45 : vector<1000x128xf32>
    %swap3A = arith.constant 0 : index
    %swap3A_47 = arith.constant 0 : index
    %swap3A_48 = vector.load %arg6[%swap3A, %swap3A_47] : memref<1000x128xf32, #tpu.memory_space<vmem>>, vector<1000x128xf32>
    tpu.vector_store %arg6[%swap3A, %swap3A_47], %add3A_46 {strides = array<i32>} : memref<1000x128xf32, #tpu.memory_space<vmem>>, vector<1000x128xf32>,
    return
  }
  func.func @transform_0(%arg0: i32) -> (i32, i32, i32) {
    %c0_i32 = arith.constant 0 : i32
    %c0_i32_0 = arith.constant 0 : i32
    %c0_i32_1 = arith.constant 0 : i32
    return %c0_i32, %arg0, %c0_i32_0 : i32, i32, i32
  }
  func.func @transform_1(%arg0: i32) -> (i32, i32) {
    %c0_i32 = arith.constant 0 : i32
    %c0_i32_0 = arith.constant 0 : i32
    return %arg0, %c0_i32 : i32, i32
  }
  func.func @transform_2(%arg0: i32) -> (i32, i32) {
    %c0_i32 = arith.constant 0 : i32
    %c0_i32_0 = arith.constant 0 : i32
    %c0_i32_1 = arith.constant 0 : i32
    return %c0_i32, %c0_i32_0 : i32, i32
  }
  func.func @transform_3(%arg0: i32) -> (i32, i32) {
    %c0_i32 = arith.constant 0 : i32
    %c0_i32_0 = arith.constant 0 : i32
    %c0_i32_1 = arith.constant 0 : i32
    return %c0_i32, %c0_i32_0 : i32, i32
  }
  func.func @transform_4(%arg0: i32) -> (i32, i32) {
    %c0_i32 = arith.constant 0 : i32
    %c0_i32_0 = arith.constant 0 : i32
    %c0_i32_1 = arith.constant 0 : i32
    return %c0_i32, %c0_i32_0 : i32, i32
  }
  func.func @transform_5(%arg0: i32) -> (i32, i32) {
    %c0_i32 = arith.constant 0 : i32
    %c0_i32_0 = arith.constant 0 : i32
    return %arg0, %c0_i32 : i32, i32
  }
}

</mosaic_0001>

<sc_bundles>
// kernel: kernel.5.cloned.1.call-start
scs
__scs_entry_jumppad:
0x0: {  	(pc) =	sbr.rel $0x88, $3  }
0x1: {  	(tag) =	ssettag $0x0;
	lr =	simm.s32 $0x1  }
0x2: {  	[smem:$0x3F9A] =	sst lr;
	_ =	strace $0xD0000000  }
0x3: {  	_ = 	snop  }
0x4: {  	_ = 	snop  }
0x5: {  	_ = 	snop  }
0x6: {  	_ = 	snop  }
0x7: {  	_ = 	snop  }
__scs_overlays_trampoline_lowered:
0x8: {  	[smem:$0x3FA9] =	sst s0  }
0x9: {  	[smem:$0x3FAA] =	sst s1  }
0xa: {  	[smem:$0x3FAB] =	sst s2  }
0xb: {  	[smem:$0x3FAC] =	sst s3  }
0xc: {  	[smem:$0x3FAD] =	sst s4  }
0xd: {  	[smem:$0x3FAE] =	sst s5  }
0xe: {  	[smem:$0x3FAF] =	sst s6  }
0xf: {  	[smem:$0x3FB0] =	sst s7  }
0x10: {  	[smem:$0x3FB1] =	sst s8  }
0x11: {  	[smem:$0x3FB2] =	sst s9;
	s0 =	simm.s32 @!p0 $0x0  }
0x12: {  	s1 =	sld [smem:$0x3F98];
	s0 =	simm.s32 @p0 $0x1  }
0x13: {  	[smem:$0x3FB3] =	sst s0;
	s0 =	simm.s32 @!p1 $0x0  }
0x14: {  	s2 =	sld [smem:$0x3F97];
	s0 =	simm.s32 @p1 $0x1  }
0x15: {  	[smem:$0x3FB4] =	sst s0;
	s0 =	simm.s32 @!p2 $0x0  }
0x16: {  	s3 =	sld [smem:$0x3FDB];
	s0 =	simm.s32 @p2 $0x1  }
0x17: {  	s4 =	simm.s32 $0x1BF5;
	[smem:$0x3FB6] =	sst s0  }
0x18: {  	s0 =	sld [smem:$0x3F99];
	_ =	swait.ge [sflag:s4], $0x0  }
0x19: {  	s7 =	sld [smem:$0x3F9A]  }
0x1a: {  	s8 =	sadd.s32 $0xFFFFE003, lr  }
0x1b: {  	s9 =	sadd.s32 $0xFFFFFEF7, lr;
	s5 =	simm.s32 $0xFFFFFFFF;
	p2 =	slt.u32 s8, $0xFFFFF086  }
0x1c: {  	p1 =	slt.u32 s9, $0xF7A;
	s5 =	simm.s32 @!p2 $0x0  }
0x1d: {  	s5 =	simm.s32 @p1 $0x1;
	p0 =	seq.s32 s7, s2  }
0x1e: {  	s7 =	smul.u32 @!p0 $0xF7A, s2;
	p2 =	seq.s32 @!p0 s5, $0x0  }
0x1f: {  	s9 =	smul.u32 $0xF7A, s1;
	s8 =	simm.s32 @!p0 $0x1BF5;
	p2 =	por !p2, p0  }
0x20: {  	[sflag:s8] =	ssyncset.s32 @!p0 $0xFFFFF086;
	s6 =	sadd.s32 @!p0 s3, s7;
	s7 =	simm.s32 @!p0 $0x108  }
0x21: {  	s3 =	sadd.s32 s3, s9;
	s6 =	sadd.s32 @!p0 $0x88, s6;
	s7 =	simm.s32 @p2 $0x1082  }
0x22: {  	[simem:s7], [sflag:s8] =	dma.local @!p0 [hbm:s6], $0xF7A  }
0x23: {  	s9 =	sor.u32 $0xD0000000, s2;
	s6 =	simm.s32 $0x108;
	_ =	swait.ge @!p0 [sflag:s8], $0x0  }
0x24: {  	s3 =	sadd.s32 $0x88, s3;
	s6 =	simm.s32 @!p1 $0x1082;
	[sflag:s4] =	ssyncset.s32 $0xFFFFF086  }
0x25: {  	[simem:s6], [sflag:s4] =	dma.local [hbm:s3], $0xF7A  }
0x26: {  	[smem:$0x3F9A] =	sst s1;
	(tag) =	ssettag s2;
	_ =	strace s9  }
0x27: {  	s1 =	sld [smem:$0x3FAA]  }
0x28: {  	s2 =	sld [smem:$0x3FAB]  }
0x29: {  	s4 =	sld [smem:$0x3FAD]  }
0x2a: {  	p0 =	seq.s32 s5, $0x0;
	s5 =	sld [smem:$0x3FAE]  }
0x2b: {  	s6 =	sld [smem:$0x3FAF]  }
0x2c: {  	s7 =	sld [smem:$0x3FB0]  }
0x2d: {  	s3 =	simm.s32 $0x108;
	s8 =	sld [smem:$0x3FB1]  }
0x2e: {  	s3 =	simm.s32 @!p0 $0x1082;
	s9 =	sld [smem:$0x3FB2]  }
0x2f: {  	lr =	sadd.s32 s0, s3;
	s0 =	sld [smem:$0x3FA9]  }
0x30: {  	s3 =	sld [smem:$0x3FAC]  }
0x31: {  	[smem:$0x3FB5] =	sst s10  }
0x32: {  	s10 =	sld [smem:$0x3FB3];
	_ =	sdelay $0x3  }
0x33: {  	p0 =	seq.s32 s10, $0x1;
	s10 =	sld [smem:$0x3FB5];
	_ =	sdelay $0x3  }
0x34: {  	[smem:$0x3FB5] =	sst s10  }
0x35: {  	s10 =	sld [smem:$0x3FB4];
	_ =	sdelay $0x3  }
0x36: {  	p1 =	seq.s32 s10, $0x1;
	s10 =	sld [smem:$0x3FB5];
	_ =	sdelay $0x3  }
0x37: {  	[smem:$0x3FB5] =	sst s10  }
0x38: {  	s10 =	sld [smem:$0x3FB6]  }
0x39: {  	_ = 	snop;
	(pc) =	sbr.ind lr, $3  }
0x3a: {  	_ = 	snop  }
0x3b: {  	_ = 	snop  }
0x3c: {  	p2 =	seq.s32 s10, $0x1;
	s10 =	sld [smem:$0x3FB5]  }
0x3d: {  	_ =	shalt  }
0x3e: {  	_ =	shalt  }
0x3f: {  	_ =	shalt  }
0x40: {  	_ =	shalt  }
0x41: {  	_ =	shalt  }
0x42: {  	_ =	shalt  }
0x43: {  	_ =	shalt  }
0x44: {  	_ =	shalt  }
0x45: {  	_ =	shalt  }
0x46: {  	_ =	shalt  }
0x47: {  	_ =	shalt  }
0x48: {  	_ =	shalt  }
0x49: {  	_ =	shalt  }
0x4a: {  	_ =	shalt  }
0x4b: {  	_ =	shalt  }
0x4c: {  	_ =	shalt  }
0x4d: {  	_ =	shalt  }
0x4e: {  	_ =	shalt  }
0x4f: {  	_ =	shalt  }
0x50: {  	_ =	shalt  }
0x51: {  	_ =	shalt  }
0x52: {  	_ =	shalt  }
0x53: {  	_ =	shalt  }
0x54: {  	_ =	shalt  }
0x55: {  	_ =	shalt  }
0x56: {  	_ =	shalt  }
0x57: {  	_ =	shalt  }
0x58: {  	_ =	shalt  }
0x59: {  	_ =	shalt  }
0x5a: {  	_ =	shalt  }
0x5b: {  	_ =	shalt  }
0x5c: {  	_ =	shalt  }
0x5d: {  	_ =	shalt  }
0x5e: {  	_ =	shalt  }
0x5f: {  	_ =	shalt  }
0x60: {  	_ =	shalt  }
0x61: {  	_ =	shalt  }
0x62: {  	_ =	shalt  }
0x63: {  	_ =	shalt  }
0x64: {  	_ =	shalt  }
0x65: {  	_ =	shalt  }
0x66: {  	_ =	shalt  }
0x67: {  	_ =	shalt  }
0x68: {  	_ =	shalt  }
0x69: {  	_ =	shalt  }
0x6a: {  	_ =	shalt  }
0x6b: {  	_ =	shalt  }
0x6c: {  	_ =	shalt  }
0x6d: {  	_ =	shalt  }
0x6e: {  	_ =	shalt  }
0x6f: {  	_ =	shalt  }
0x70: {  	_ =	shalt  }
0x71: {  	_ =	shalt  }
0x72: {  	_ =	shalt  }
0x73: {  	_ =	shalt  }
0x74: {  	_ =	shalt  }
0x75: {  	_ =	shalt  }
0x76: {  	_ =	shalt  }
0x77: {  	_ =	shalt  }
0x78: {  	_ =	shalt  }
0x79: {  	_ =	shalt  }
0x7a: {  	_ =	shalt  }
0x7b: {  	_ =	shalt  }
0x7c: {  	_ =	shalt  }
0x7d: {  	_ =	shalt  }
0x7e: {  	_ =	shalt  }
0x7f: {  	_ =	shalt  }
0x80: {  	_ =	shalt  }
0x81: {  	_ =	shalt  }
0x82: {  	_ =	shalt  }
0x83: {  	_ =	shalt  }
0x84: {  	_ =	shalt  }
0x85: {  	_ =	shalt  }
0x86: {  	_ =	shalt  }
0x87: {  	_ =	shalt  }
.Lfunc_end0:
.L_simem_size_0:
called_computation_lowered:
.L_overlay_start_0:
0x88: {  	s2 =	sld [smem:$0x3FD9]  }
0x89: {  	s3 =	sld [smem:$0x3FFE];
	_ =	sdelay $0x1  }
0x8a: {  	s1 =	srdreg.scid  }
0x8b: {  	s0 =	sand.u32 $0x1, s1  }
0x8c: {  	s17 =	sshll.u32 s0, $0xA;
	s2 =	sadd.s32 s3, s2  }
0x8d: {  	s2 =	sadd.s32 s2, s17  }
0x8e: {  	[smem:$0x3FC1] =	sst s2  }
0x8f: {  	_ = 	snop  }
0x90: {  	s2 =	sld [smem:$0x3FD0];
	(tm) =	ssettm $0x1  }
0x91: {  	s18 =	sld [smem:$0x3FFB];
	_ =	sdelay $0x3  }
0x92: {  	_ =	strace s18  }
0x93: {  	s3 =	sld [smem:$0x3FFC];
	_ =	sdelay $0x3  }
0x94: {  	_ =	strace s3  }
0x95: {  	s3 =	sld [smem:$0x3FFD];
	_ =	sdelay $0x3  }
0x96: {  	_ =	strace s3  }
0x97: {  	_ =	strace $0x8FFFFFFF  }
0x98: {  	s19 =	sld [smem:$0x3FDB];
	_ =	sdelay $0x1  }
0x99: {  	s4 =	simm.s32 $_scs_section_size  }
0x9a: {  	s5 =	simm.s32 $_size__tile_overlayer_lowered;
	s6 =	simm.s32 $_tile_overlayer_lowered  }
0x9b: {  	s22 =	simm.s32 $0x1BFF;
	s21 =	sshll.u32 s6, $0x1;
	s3 =	sadd.s32 s4, s19  }
0x9c: {  	s7 =	simm.s32 $0x0;
	s20 =	sshll.u32 s5, $0x1;
	s5 =	sadd.s32 s21, s3  }
0x9d: {  	[timem:s7], [sflag:s22] =	dma.local [hbm:s5], s20  }
0x9e: {  	_ =	swait.ge [sflag:s22], s20  }
0x9f: {  	s4 =	ssub.s32 $0x0, s20;
	[sflag:s22] =	ssyncset.done $0x0  }
0xa0: {  	[sflag:s22] =	ssyncadd.s32 s4;
	_ =	sdelay $0x1  }
0xa1: {  	s23 =	simm.s32 $0x1B8B  }
0xa2: {  	_ =	swait.ge [sflag:s23], $0x1  }
0xa3: {  	[sflag:s23] =	ssyncset.done $0x0  }
0xa4: {  	s25 =	simm.s32 $0x1B8E;
	s24 =	sld [smem:$0x3FFE];
	[sflag:s23] =	ssyncadd.s32 $0xFFFFFFFF  }
0xa5: {  	s26 =	simm.s32 $execute0_lowered;
	[smem:$0x3FD2] =	sst s25  }
0xa6: {  	s5 =	sshll.u32 s26, $0x1;
	_ =	strace $0x80000046;
	[dreg:$0x1] =	wrdreg $0xFFFFFFFF  }
0xa7: {  	s28 =	simm.s32 $_size_execute0_lowered;
	s3 =	sadd.s32 s3, s5;
	[dreg:$0x0] =	wrdreg $0x0  }
0xa8: {  	s5 =	sshll.u32 s28, $0x1;
	[dreg:$0x2] =	wrdreg s3  }
0xa9: {  	[dreg:$0x3] =	wrdreg s5  }
0xaa: {  	[dreg:$0x4] =	wrdreg $0xC0  }
0xab: {  	_ =	task [dreg:s7], $0x5FFFF  }
0xac: {  	[dreg:$0x1] =	wrdreg $0xFFFFFFFF  }
0xad: {  	[dreg:$0x0] =	wrdreg $0x60  }
0xae: {  	[dreg:$0x2] =	wrdreg s24  }
0xaf: {  	[dreg:$0x3] =	wrdreg s2  }
0xb0: {  	[dreg:$0x4] =	wrdreg $0x8C500  }
0xb1: {  	[dreg:$0x5] =	wrdreg $0x9  }
0xb2: {  	_ =	task.clear_ibuf [dreg:s7], $0x6FFFF;
	_ =	strace $0x90000046  }
0xb3: {  	s29 =	simm.s32 $0x9;
	_ =	strace $0x80000048  }
0xb4: {  	_ =	swait.ge [sflag:s29], $0x1  }
0xb5: {  	[sflag:s29] =	ssyncadd.s32 $0xFFFFFFFF  }
0xb6: {  	_ =	strace $0x90000048  }
0xb7: {  	_ =	sfence  }
0xb8: {  	s30 =	sld [smem:$0x0];
	_ =	sdelay $0x2  }
0xb9: {  	s31 =	sshll.u32 s1, $0xD;
	s1 =	sshrl.u32 s1, $0x2  }
0xba: {  	s3 =	sand.u32 $0x4000, s31;
	s1 =	sadd.s32 s1, s30  }
0xbb: {  	s0 =	sor.u32 s3, s0;
	s1 =	sshll.u32 s1, $0x11  }
0xbc: {  	s0 =	sor.u32 s1, s0  }
0xbd: {  	s0 =	sadd.s32 $0x8F2B, s0  }
0xbe: {  	[sflag:s0] =	ssyncadd.remote.s32 $0x1  }
0xbf: {  	_ =	sfence.sel $0xFFFF  }
0xc0: {  	[dreg:$0x0] =	wrdreg $0xFFFFFFFF;
	(pc) =	sbr.abs _section_cstart, $3  }
0xc1: {  	[dreg:$0x1] =	wrdreg $0xFFFFFFFF  }
0xc2: {  	_ =	task.clear_ibuf [dreg:s7], $0x2FFFF;
	_ =	strace $0x9FFFFFFF  }
0xc3: {  	(tm) =	ssettm $0x7FFFFFFF  }
tec
execute0_lowered:
.L_overlay_start_1:
0x0: {  	(tag) =	ssettag $0x1  }
0x1: {  	s0 =	rddreg [dreg:$0x0]  }
0x2: {  	s2 =	rddreg [dreg:$0x1]  }
0x3: {  	s1 =	rddreg [dreg:$0x2]  }
0x4: {  	s3 =	srdreg.scid;
	s13 =	stileid.u32  }
0x5: {  	s14 =	simm.s32 $0x8;
	s28 =	simm.s32 $0x2710;
	s29 =	simm.s32 $0x2760  }
0x6: {  	s30 =	simm.s32 $0x59B0;
	s31 =	simm.s32 $0x5A00;
	s9 =	sand.u32 $0x1, s3  }
0x7: {  	s3 =	simm.s32 $0x0;
	s10 =	smul.u32 $0x16380, s13;
	s4 =	sadd.s32 $0x800, s0  }
0x8: {  	s7 =	sshll.u32 s13, $0x1;
	s5 =	sadd.s32 $0x3B600, s0;
	s13 =	smul.u32 $0x58E00, s13  }
0x9: {  	s6 =	smul.u32 $0x163800, s9;
	[smem:$0x7FF] =	sst s3;
	s7 =	sor.u32 s9, s7  }
0xa: {  	s9 =	ssub.s32 $0x2, s9;
	_ =	strace $0x80000047;
	s7 =	smul.u32 $0x2710, s7  }
0xb: {  	s15 =	sshrl.u32 s9, $0x1;
	s19 =	sshrl.u32 s13, $0x2;
	s21 =	sadd.s32 s10, s1  }
0xc: {  	s13 =	simm.s32 $0x1;
	s9 =	ssub.s32 s9, s15;
	s20 =	sadd.s32 s19, s1  }
0xd: {  	s8 =	sadd.s32 s10, s6;
	s9 =	smax.u32 s9, $0x1;
	[dreg:$0x9] =	wrdreg s20  }
0xe: {  	s6 =	sadd.s32 $0xA600, s0;
	s22 =	sadd.s32 $0x2D00, s20;
	[dreg:$0xc] =	wrdreg s9  }
0xf: {  	s10 =	simm.s32 $0x27B0;
	s23 =	sadd.s32 $0x5A00, s20;
	[dreg:$0xd] =	wrdreg s22  }
0x10: {  	s15 =	simm.s32 $0x6;
	s24 =	sadd.s32 $0x8700, s20;
	[dreg:$0xe] =	wrdreg s23  }
0x11: {  	s19 =	simm.s32 $0x3;
	s25 =	sadd.s32 $0xB400, s20;
	[dreg:$0xf] =	wrdreg s24  }
0x12: {  	s12 =	sshrl.u32 s7, $0x3;
	s26 =	sadd.s32 $0xE100, s20;
	[dreg:$0x10] =	wrdreg s25  }
0x13: {  	s11 =	sshrl.u32 s8, $0x3;
	s2 =	sadd.s32 s2, s12;
	[dreg:$0x11] =	wrdreg s26  }
0x14: {  	s8 =	sadd.s32 $0xF600, s0;
	s16 =	sadd.s32 s4, s12;
	[dreg:$0x4] =	wrdreg s2  }
0x15: {  	s0 =	sadd.s32 s11, s0;
	s17 =	sadd.s32 s5, s12;
	[dreg:$0x5] =	wrdreg s16  }
0x16: {  	s18 =	sadd.s32 $0xA, s12;
	s11 =	sadd.s32 $0x13B00, s20;
	[dreg:$0x6] =	wrdreg s17  }
0x17: {  	s9 =	simm.s32 $0x2CB0;
	s12 =	sadd.s32 s4, s18;
	[dreg:$0xa] =	wrdreg s11  }
0x18: {  	s2 =	sadd.s32 s5, s18;
	s16 =	sadd.s32 $0xF0, s7;
	[dreg:$0x7] =	wrdreg s12  }
0x19: {  	s0 =	sadd.s32 $0x45400, s0;
	s11 =	simm.s32 $0x5F50;
	[dreg:$0x8] =	wrdreg s2  }
0x1a: {  	s18 =	simm.s32 $0x2;
	[dreg:$0xb] =	wrdreg s0;
	s2 =	sadd.s32 $0x10E00, s20  }
0x1b: {  	s17 =	simm.s32 $0x0;
	s0 =	sshrl.u32 s21, $0x3;
	[dreg:$0x12] =	wrdreg s2  }
0x1c: {  	v0 =	vimm.f32 $0.0e+00;
	[dreg:$0x13] =	wrdreg s0;
	s0 =	simm.s32 $0x5;
	s2 =	simm.s32 $0x50  }
.LBB2_1:
0x1d: {  	s12 =	rddreg [dreg:$0x4]  }
0x1e: {  	[tilespmem:s3], [sflag:$0x8] =	stream.linear.gather [hbm4b:s12+s3], $0x2710, $0x38;
	[tilespmem:$0x1EFD0] =	vst v63  }
0x1f: {  	_ =	swait.ge [sflag:s14], $0x2710  }
0x20: {  	[sflag:s14] =	ssyncset.done $0x0  }
0x21: {  	s23 =	rddreg [dreg:$0x5];
	[sflag:s14] =	ssyncadd.s32 $0xFFFFD8F0  }
0x22: {  	[tilespmem:s28], [sflag:$0x5] =	stream.linear.gather [hbm4b:s23+s3], $0x50, $0x38;
	[tilespmem:$0x1EFD0] =	vst v63  }
0x23: {  	s24 =	rddreg [dreg:$0x6]  }
0x24: {  	[tilespmem:s29], [sflag:$0x5] =	stream.linear.gather [hbm4b:s24+s3], $0x50, $0x38;
	[tilespmem:$0x1EFD0] =	vst v63  }
0x25: {  	s25 =	rddreg [dreg:$0x7]  }
0x26: {  	[tilespmem:s30], [sflag:$0x6] =	stream.linear.gather [hbm4b:s25+s3], $0x50, $0x38;
	[tilespmem:$0x1EFD0] =	vst v63  }
0x27: {  	s26 =	rddreg [dreg:$0x8]  }
0x28: {  	[tilespmem:s31], [sflag:$0x6] =	stream.linear.gather [hbm4b:s26+s3], $0x50, $0x38;
	[tilespmem:$0x1EFD0] =	vst v63  }
0x29: {  	_ =	swait.ge [sflag:s0], $0x50  }
0x2a: {  	[sflag:s0] =	ssyncset.done $0x0  }
0x2b: {  	[sflag:s0] =	ssyncadd.s32 $0xFFFFFFB0  }
0x2c: {  	_ =	swait.ge [sflag:s0], $0x50  }
0x2d: {  	[sflag:s0] =	ssyncset.done $0x0  }
0x2e: {  	[sflag:s0] =	ssyncadd.s32 $0xFFFFFFB0  }
0x2f: {  	[tilespmem:s9], [sflag:$0x1] =	stream.indirect.gather [hbm4b:s8+s2], $0x90, s28, s2, $0xb8;
	[tilespmem:$0x1EFD0] =	vst v63  }
0x30: {  	s12 =	simm.s32 $0x0;
	s14 =	simm.s32 $0x240  }
0x31: {  	[tilespmem:s10], [sflag:$0x1] =	stream.indirect.gather [hbm4b:s6+s2], $0x10, s3, s2, $0xb8;
	[tilespmem:$0x1EFD0] =	vst v63  }
.LBB2_2:
0x32: {  	p0 =	sne.s32 s14, $0xB1C0;
	[tilespmem:s12+$0x5FD0] =	vst v0  }
0x33: {  	[tilespmem:s12+$0x5F50] =	vst v0  }
0x34: {  	[tilespmem:s12+$0x5F60] =	vst v0  }
0x35: {  	[tilespmem:s12+$0x5F70] =	vst v0  }
.Ltmp0:
0x36: {  	[tilespmem:s12+$0x5F80] =	vst v0;
	(pc) =	sbr.rel @p0 .LBB2_2-.Ltmp0, $4  }
0x37: {  	[tilespmem:s12+$0x5F90] =	vst v0  }
0x38: {  	[tilespmem:s12+$0x5FA0] =	vst v0  }
0x39: {  	[tilespmem:s12+$0x5FB0] =	vst v0  }
0x3a: {  	[tilespmem:s12+$0x5FC0] =	vst v0;
	s12 =	sshra.s32 s14, $0x2;
	s14 =	sadd.s32 $0x240, s14  }
0x3b: {  	[tilespmem:s12+$0x5FD0] =	vst v0  }
0x3c: {  	[tilespmem:s12+$0x5F50] =	vst v0  }
0x3d: {  	[tilespmem:s12+$0x5F60] =	vst v0  }
0x3e: {  	[tilespmem:s12+$0x5F70] =	vst v0  }
0x3f: {  	[tilespmem:s12+$0x5F80] =	vst v0  }
0x40: {  	[tilespmem:s12+$0x5F90] =	vst v0  }
0x41: {  	[tilespmem:s12+$0x5FA0] =	vst v0  }
0x42: {  	[dreg:$0x14] =	wrdreg s17;
	[tilespmem:s12+$0x5FB0] =	vst v0  }
0x43: {  	[tilespmem:s12+$0x5FC0] =	vst v0;
	s14 =	rddreg [dreg:$0x9]  }
0x44: {  	[spmem:s14] =	stream.linear.scatter [tilespmem:s11], [sflag:$0x7], $0x2D00, $0x38;
	[tilespmem:$0x1EFD0] =	vst v63  }
0x45: {  	s17 =	rddreg [dreg:$0xd]  }
0x46: {  	[spmem:s17] =	stream.linear.scatter [tilespmem:s11], [sflag:$0x7], $0x2D00, $0x38;
	[tilespmem:$0x1EFD0] =	vst v63  }
0x47: {  	s20 =	rddreg [dreg:$0xe]  }
0x48: {  	[spmem:s20] =	stream.linear.scatter [tilespmem:s11], [sflag:$0x7], $0x2D00, $0x38;
	[tilespmem:$0x1EFD0] =	vst v63  }
0x49: {  	s21 =	rddreg [dreg:$0xf]  }
0x4a: {  	[spmem:s21] =	stream.linear.scatter [tilespmem:s11], [sflag:$0x7], $0x2D00, $0x38;
	[tilespmem:$0x1EFD0] =	vst v63  }
0x4b: {  	s22 =	rddreg [dreg:$0x10]  }
0x4c: {  	[spmem:s22] =	stream.linear.scatter [tilespmem:s11], [sflag:$0x7], $0x2D00, $0x38;
	[tilespmem:$0x1EFD0] =	vst v63  }
0x4d: {  	s23 =	rddreg [dreg:$0x11]  }
0x4e: {  	[spmem:s23] =	stream.linear.scatter [tilespmem:s11], [sflag:$0x7], $0x2D00, $0x38;
	[tilespmem:$0x1EFD0] =	vst v63  }
0x4f: {  	s24 =	rddreg [dreg:$0x12]  }
0x50: {  	[spmem:s24] =	stream.linear.scatter [tilespmem:s11], [sflag:$0x7], $0x2D00, $0x38;
	[tilespmem:$0x1EFD0] =	vst v63  }
0x51: {  	s25 =	rddreg [dreg:$0xa];
	s26 =	simm.s32 $0x7  }
0x52: {  	[spmem:s25] =	stream.linear.scatter [tilespmem:s11], [sflag:$0x7], $0x2880, $0x38;
	[tilespmem:$0x1EFD0] =	vst v63  }
0x53: {  	_ =	swait.ge [sflag:s26], $0x2D00  }
0x54: {  	[sflag:s26] =	ssyncset.done $0x0  }
0x55: {  	[sflag:s26] =	ssyncadd.s32 $0xFFFFD300  }
0x56: {  	_ =	swait.ge [sflag:s26], $0x2D00  }
0x57: {  	[sflag:s26] =	ssyncset.done $0x0  }
0x58: {  	[sflag:s26] =	ssyncadd.s32 $0xFFFFD300  }
0x59: {  	_ =	swait.ge [sflag:s26], $0x2D00  }
0x5a: {  	[sflag:s26] =	ssyncset.done $0x0  }
0x5b: {  	[sflag:s26] =	ssyncadd.s32 $0xFFFFD300  }
0x5c: {  	_ =	swait.ge [sflag:s26], $0x2D00  }
0x5d: {  	[sflag:s26] =	ssyncset.done $0x0  }
0x5e: {  	[sflag:s26] =	ssyncadd.s32 $0xFFFFD300  }
0x5f: {  	_ =	swait.ge [sflag:s26], $0x2D00  }
0x60: {  	[sflag:s26] =	ssyncset.done $0x0  }
0x61: {  	[sflag:s26] =	ssyncadd.s32 $0xFFFFD300  }
0x62: {  	_ =	swait.ge [sflag:s26], $0x2D00  }
0x63: {  	[sflag:s26] =	ssyncset.done $0x0  }
0x64: {  	[sflag:s26] =	ssyncadd.s32 $0xFFFFD300  }
0x65: {  	_ =	swait.ge [sflag:s26], $0x2D00  }
0x66: {  	[sflag:s26] =	ssyncset.done $0x0  }
0x67: {  	[sflag:s26] =	ssyncadd.s32 $0xFFFFD300  }
0x68: {  	_ =	swait.ge [sflag:s26], $0x2880  }
0x69: {  	[sflag:s26] =	ssyncset.done $0x0  }
0x6a: {  	[sflag:s26] =	ssyncadd.s32 $0xFFFFD780  }
0x6b: {  	s21 =	simm.s32 $0x0;
	[bflag:$0x0] =	sbarrier.arrive $0xFFFF  }
.LBB2_4:
0x6c: {  	_ =	swait.ge [sflag:s13], $0x2D00  }
0x6d: {  	[sflag:s13] =	ssyncset.done $0x0  }
0x6e: {  	[sflag:s13] =	ssyncadd.s32 $0xFFFFD300  }
0x6f: {  	_ =	swait.ge [sflag:s13], $0x500  }
0x70: {  	p0 =	seq.s32 s21, $0x0;
	[sflag:s13] =	ssyncset.done $0x0  }
0x71: {  	s12 =	simm.s32 @!p0 $0x4;
	[sflag:s13] =	ssyncadd.s32 $0xFFFFFB00  }
0x72: {  	_ =	swait.ge @!p0 [sflag:s12], $0x2D00  }
0x73: {  	[sflag:s12] =	ssyncset.done @!p0 $0x0  }
0x74: {  	[sflag:s12] =	ssyncadd.s32 @!p0 $0xFFFFD300  }
0x75: {  	_ =	swait.ge [sflag:s15], $0x50  }
0x76: {  	[sflag:s15] =	ssyncset.done $0x0  }
0x77: {  	[sflag:s15] =	ssyncadd.s32 $0xFFFFFFB0  }
0x78: {  	s25 =	smul.u32 $0x280, s21;
	_ =	swait.ge [sflag:s15], $0x50  }
0x79: {  	[sflag:s15] =	ssyncset.done $0x0  }
0x7a: {  	s26 =	simm.s32 $0x0;
	s24 =	sshra.s32 s25, $0x2;
	[sflag:s15] =	ssyncadd.s32 $0xFFFFFFB0  }
0x7b: {  	[tilespmem:s11], [sflag:$0x2] =	stream.indirect.gather [hbm4b:s8+s2], $0x90, s30, s2, $0xb8;
	[tilespmem:$0x1EFD0] =	vst v63  }
0x7c: {  	s14 =	simm.s32 $0x5A50;
	v1 =	vmov s26;
	s25 =	simm.s32 $0x2E10;
	s22 =	sadd.s32 $0x50, s24  }
0x7d: {  	[tilespmem:s14], [sflag:$0x2] =	stream.indirect.gather [hbm4b:s6+s2], $0x10, s22, s2, $0xb8;
	[tilespmem:$0x1EFD0] =	vst v63  }
0x7e: {  	s14 =	simm.s32 $0x27D0;
	v2 =	vld [tilespmem:s25+$0xFFFFFF20]  }
0x7f: {  	v3 =	vld [tilespmem:s14+$0xFFFFFFE0];
	_ =	sdelay $0x1  }
0x80: {  	v1 =	vld.idx.msk [tilespmem:v1+s29+$0x0], $0xffff;
	_ =	sdelay $0x2  }
0x81: {  	v2 =	vadd.f32 v3, v2;
	_ =	sdelay $0x1  }
0x82: {  	v1 =	vmul.f32 v2, v1;
	_ =	sdelay $0x1  }
0x83: {  	v2 =	vmul.f32 $2.000000030e-01, v1;
	_ =	sdelay $0x1  }
0x84: {  	v1 =	vmax.f32 v1, v2  }
0x85: {  	v1 =	vmul.f32 $1.442695020e+00, v1;
	_ =	sdelay $0x1  }
0x86: {  	(erf) = vpow2.f32 v1;
	_ =	sdelay $0x6  }
0x87: {  	s17 =	simm.s32 $0x1  }
0x88: {  	v2 =	vmov s17  }
0x89: {  	v1 =	vpop (erf)  }
0x8a: {  	v3 =	vld [tilespmem:s25+$0xFFFFFFB0];
	[tilespmem:s25+$0xFFFFFF20] =	vst v1  }
0x8b: {  	v4 =	vld [tilespmem:s14+$0xFFFFFFF0];
	_ =	sdelay $0x1  }
0x8c: {  	v2 =	vld.idx.msk [tilespmem:v2+s29+$0x0], $0xffff;
	_ =	sdelay $0x2  }
0x8d: {  	v3 =	vadd.f32 v4, v3;
	_ =	sdelay $0x1  }
0x8e: {  	v2 =	vmul.f32 v3, v2;
	_ =	sdelay $0x1  }
0x8f: {  	v3 =	vmul.f32 $2.000000030e-01, v2;
	_ =	sdelay $0x1  }
0x90: {  	v2 =	vmax.f32 v2, v3  }
0x91: {  	v2 =	vmul.f32 $1.442695020e+00, v2;
	_ =	sdelay $0x1  }
0x92: {  	(erf) = vpow2.f32 v2;
	_ =	sdelay $0x6  }
0x93: {  	s20 =	simm.s32 $0x2  }
0x94: {  	v2 =	vmov s20  }
0x95: {  	v3 =	vpop (erf)  }
0x96: {  	v4 =	vld [tilespmem:s25+$0x40];
	[tilespmem:s25+$0xFFFFFFB0] =	vst v3  }
0x97: {  	v5 =	vld [tilespmem:s14+$0x0];
	_ =	sdelay $0x1  }
0x98: {  	v2 =	vld.idx.msk [tilespmem:v2+s29+$0x0], $0xffff;
	_ =	sdelay $0x2  }
0x99: {  	v4 =	vadd.f32 v5, v4;
	_ =	sdelay $0x1  }
0x9a: {  	v2 =	vmul.f32 v4, v2;
	_ =	sdelay $0x1  }
0x9b: {  	v4 =	vmul.f32 $2.000000030e-01, v2;
	_ =	sdelay $0x1  }
0x9c: {  	v2 =	vmax.f32 v2, v4  }
0x9d: {  	v2 =	vmul.f32 $1.442695020e+00, v2;
	_ =	sdelay $0x1  }
0x9e: {  	(erf) = vpow2.f32 v2;
	_ =	sdelay $0x6  }
0x9f: {  	s23 =	simm.s32 $0x3  }
0xa0: {  	v2 =	vmov s23  }
0xa1: {  	v4 =	vpop (erf)  }
0xa2: {  	v5 =	vld [tilespmem:s25+$0xD0];
	[tilespmem:s25+$0x40] =	vst v4  }
0xa3: {  	v6 =	vld [tilespmem:s14+$0x10];
	_ =	sdelay $0x1  }
0xa4: {  	v2 =	vld.idx.msk [tilespmem:v2+s29+$0x0], $0xffff;
	_ =	sdelay $0x2  }
0xa5: {  	v5 =	vadd.f32 v6, v5;
	_ =	sdelay $0x1  }
0xa6: {  	v2 =	vmul.f32 v5, v2  }
0xa7: {  	v8 =	vld [tilespmem:s25+$0xA0]  }
0xa8: {  	v9 =	vld [tilespmem:s25+$0xB0];
	v7 =	vmul.f32 $2.000000030e-01, v2  }
0xa9: {  	v10 =	vld [tilespmem:s25+$0xFFFFFFD0]  }
0xaa: {  	v11 =	vld [tilespmem:s25+$0xFFFFFFF0];
	v2 =	vmax.f32 v2, v7  }
0xab: {  	v12 =	vld [tilespmem:s25+$0x20];
	v2 =	vmul.f32 $1.442695020e+00, v2  }
0xac: {  	v13 =	vld [tilespmem:s25+$0x0]  }
0xad: {  	v14 =	vld [tilespmem:s25+$0xFFFFFFE0];
	(erf) = vpow2.f32 v2  }
0xae: {  	v15 =	vld [tilespmem:s25+$0xFFFFFFC0]  }
0xaf: {  	v16 =	vld [tilespmem:s25+$0x70]  }
0xb0: {  	v17 =	vld [tilespmem:s25+$0x50]  }
0xb1: {  	v19 =	vld [tilespmem:s25+$0x30]  }
0xb2: {  	v20 =	vld [tilespmem:s25+$0x80]  }
0xb3: {  	v22 =	vld [tilespmem:s25+$0x160]  }
0xb4: {  	s26 =	simm.s32 $0x4;
	v2 =	vld [tilespmem:s25+$0x10]  }
0xb5: {  	v18 =	vmov s26;
	v7 =	vld [tilespmem:s25+$0xC0]  }
0xb6: {  	v24 =	vld [tilespmem:s25+$0x60];
	v21 =	vpop (erf)  }
0xb7: {  	v60 =	vld [tilespmem:s25+$0xFFFFFF30];
	[tilespmem:s25+$0xD0] =	vst v21  }
0xb8: {  	v12 =	vmul.f32 v12, v4;
	v23 =	vld [tilespmem:s14+$0x20]  }
0xb9: {  	v5 =	vld [tilespmem:s25+$0x90];
	v2 =	vmul.f32 v2, v4  }
0xba: {  	v7 =	vmul.f32 v7, v21;
	v18 =	vld.idx.msk [tilespmem:v18+s29+$0x0], $0xffff;
	[tilespmem:s25+$0x20] =	vst v12  }
0xbb: {  	v61 =	vld [tilespmem:s25+$0x130];
	v9 =	vmul.f32 v9, v21;
	[tilespmem:s25+$0x10] =	vst v2  }
0xbc: {  	v62 =	vld [tilespmem:s25+$0xE0];
	v20 =	vmul.f32 v20, v21;
	[tilespmem:s25+$0xC0] =	vst v7  }
0xbd: {  	v63 =	vld [tilespmem:s25+$0x100];
	v7 =	vmul.f32 v16, v21;
	[tilespmem:s25+$0xB0] =	vst v9;
	v9 =	vmul.f32 v17, v21;
	v17 =	vadd.f32 v23, v22  }
0xbe: {  	v6 =	vld [tilespmem:s25+$0xFFFFFEE0];
	v2 =	vmul.f32 v5, v21;
	[tilespmem:s25+$0x80] =	vst v20  }
0xbf: {  	v12 =	vld [tilespmem:s25+$0xFFFFFF10];
	[tilespmem:s25+$0x70] =	vst v7;
	v7 =	vmul.f32 v8, v21;
	v8 =	vmul.f32 v17, v18  }
0xc0: {  	v16 =	vld [tilespmem:s25+$0xFFFFFF00];
	[tilespmem:s25+$0x90] =	vst v2;
	v2 =	vmul.f32 v14, v4  }
0xc1: {  	v20 =	vld [tilespmem:s25+$0xFFFFFF40];
	[tilespmem:s25+$0x50] =	vst v9;
	v5 =	vmul.f32 $2.000000030e-01, v8  }
0xc2: {  	v9 =	vmul.f32 v13, v4;
	v13 =	vld [tilespmem:s25+$0xFFFFFF50];
	[tilespmem:s25+$0xFFFFFFE0] =	vst v2  }
0xc3: {  	[tilespmem:s25+$0xA0] =	vst v7;
	v7 =	vmul.f32 v11, v4;
	v11 =	vld [tilespmem:s25+$0xFFFFFFA0];
	v5 =	vmax.f32 v8, v5  }
0xc4: {  	v14 =	vld [tilespmem:s25+$0xFFFFFF80];
	[tilespmem:s25+$0x0] =	vst v9;
	v9 =	vmul.f32 v24, v21;
	v5 =	vmul.f32 $1.442695020e+00, v5  }
0xc5: {  	[tilespmem:s25+$0xFFFFFFF0] =	vst v7;
	v7 =	vmul.f32 v10, v4;
	v10 =	vld [tilespmem:s25+$0xFFFFFF70]  }
0xc6: {  	[tilespmem:s25+$0x60] =	vst v9;
	v9 =	vmul.f32 v15, v4;
	v8 =	vld [tilespmem:s25+$0xFFFFFF90];
	(erf) = vpow2.f32 v5  }
0xc7: {  	v18 =	vld [tilespmem:s25+$0xFFFFFF60];
	v13 =	vmul.f32 v13, v3;
	[tilespmem:s25+$0xFFFFFFD0] =	vst v7  }
0xc8: {  	v17 =	vld [tilespmem:s25+$0xFFFFFEF0];
	[tilespmem:s25+$0xFFFFFFC0] =	vst v9;
	v2 =	vmul.f32 v11, v3  }
0xc9: {  	v15 =	vld [tilespmem:s25+$0xFFFFFED0];
	[tilespmem:s25+$0xFFFFFF50] =	vst v13;
	v13 =	vmul.f32 v12, v1  }
0xca: {  	v11 =	vld [tilespmem:s25+$0x150];
	[tilespmem:s25+$0xFFFFFFA0] =	vst v2;
	v9 =	vmul.f32 v10, v3;
	v2 =	vmul.f32 v6, v1  }
0xcb: {  	v6 =	vld [tilespmem:s25+$0x140];
	[tilespmem:s25+$0xFFFFFF10] =	vst v13;
	v7 =	vmul.f32 v8, v3;
	v8 =	vmul.f32 v14, v3  }
0xcc: {  	v10 =	vmul.f32 v18, v3;
	v5 =	vld [tilespmem:s25+$0x110];
	[tilespmem:s25+$0xFFFFFF70] =	vst v9  }
0xcd: {  	v4 =	vmul.f32 v19, v4;
	v18 =	vmul.f32 v16, v1;
	[tilespmem:s25+$0xFFFFFF80] =	vst v8;
	v8 =	vld [tilespmem:s25+$0xF0]  }
0xce: {  	v9 =	vmul.f32 v20, v3;
	[tilespmem:s25+$0xFFFFFF60] =	vst v10;
	v10 =	vld [tilespmem:s25+$0x120];
	v14 =	vmul.f32 v17, v1  }
0xcf: {  	v17 =	vmul.f32 v60, v3;
	[tilespmem:s25+$0xFFFFFF90] =	vst v7;
	v7 =	vmul.f32 v15, v1;
	v15 =	vld [tilespmem:s25+$0xFFFFFEC0];
	v3 =	vpop (erf)  }
0xd0: {  	v16 =	vld [tilespmem:s25+$0xFFFFFEB0];
	[tilespmem:s25+$0xFFFFFF40] =	vst v9;
	v9 =	vmul.f32 v62, v3;
	v12 =	vmul.f32 v11, v3  }
0xd1: {  	s26 =	simm.s32 $0x9;
	s20 =	simm.s32 $0x2E10;
	s23 =	sshll.u32 s21, $0x1;
	[tilespmem:s25+$0xFFFFFF30] =	vst v17;
	v17 =	vld [tilespmem:s25+$0xFFFFFEA0];
	v11 =	vmul.f32 v63, v3;
	v13 =	vmul.f32 v61, v3  }
.LBB2_5:
0xd2: {  	p0 =	sne.s32 s26, $0x4F;
	[tilespmem:s25+$0xFFFFFF00] =	vst v18;
	v8 =	vmul.f32 v8, v3;
	v6 =	vmul.f32 v6, v3;
	s20 =	sadd.s32 $0x2D0, s20;
	s14 =	sadd.s32 $0x50, s14  }
0xd3: {  	v5 =	vmul.f32 v5, v3;
	s12 =	smov.u32 s26;
	s26 =	sadd.s32 $0x5, s26;
	[tilespmem:s25+$0xFFFFFEF0] =	vst v14;
	v10 =	vmul.f32 v10, v3  }
0xd4: {  	v14 =	vmul.f32 v15, v1;
	[tilespmem:s25+$0xFFFFFEE0] =	vst v2  }
0xd5: {  	v2 =	vmul.f32 v16, v1;
	[tilespmem:s25+$0xFFFFFED0] =	vst v7  }
0xd6: {  	v1 =	vmul.f32 v17, v1;
	[tilespmem:s25+$0xFFFFFEC0] =	vst v14  }
0xd7: {  	[tilespmem:s25+$0xFFFFFEB0] =	vst v2  }
0xd8: {  	[tilespmem:s25+$0xFFFFFEA0] =	vst v1  }
0xd9: {  	[tilespmem:s25+$0x160] =	vst v3  }
0xda: {  	[tilespmem:s25+$0x30] =	vst v4  }
0xdb: {  	[tilespmem:s25+$0x150] =	vst v12  }
0xdc: {  	[tilespmem:s25+$0xE0] =	vst v9  }
0xdd: {  	[tilespmem:s25+$0x130] =	vst v13  }
0xde: {  	s17 =	sadd.s32 $0xFFFFFFFC, s12;
	[tilespmem:s25+$0x100] =	vst v11  }
0xdf: {  	v1 =	vmov s17;
	[tilespmem:s25+$0x110] =	vst v5  }
0xe0: {  	[tilespmem:s25+$0x120] =	vst v10  }
0xe1: {  	[tilespmem:s25+$0x140] =	vst v6  }
0xe2: {  	v2 =	vld [tilespmem:s20+$0xFFFFFF20];
	[tilespmem:s25+$0xF0] =	vst v8;
	s25 =	smov.u32 s20  }
0xe3: {  	v3 =	vld [tilespmem:s14+$0xFFFFFFE0]  }
0xe4: {  	v1 =	vld.idx.msk [tilespmem:v1+s29+$0x0], $0xffff;
	_ =	sdelay $0x3  }
0xe5: {  	v2 =	vadd.f32 v3, v2;
	_ =	sdelay $0x1  }
0xe6: {  	v1 =	vmul.f32 v2, v1;
	_ =	sdelay $0x1  }
0xe7: {  	v2 =	vmul.f32 $2.000000030e-01, v1;
	_ =	sdelay $0x1  }
0xe8: {  	v1 =	vmax.f32 v1, v2  }
0xe9: {  	v1 =	vmul.f32 $1.442695020e+00, v1;
	_ =	sdelay $0x1  }
0xea: {  	(erf) = vpow2.f32 v1;
	_ =	sdelay $0x4  }
0xeb: {  	v2 =	vld [tilespmem:s20+$0xFFFFFEE0]  }
0xec: {  	s17 =	sadd.s32 $0xFFFFFFFD, s12  }
0xed: {  	v3 =	vmov s17;
	_ =	sdelay $0x1  }
0xee: {  	v1 =	vpop (erf)  }
0xef: {  	[tilespmem:s20+$0xFFFFFF20] =	vst v1;
	v4 =	vld [tilespmem:s20+$0xFFFFFFB0];
	v2 =	vmul.f32 v2, v1  }
0xf0: {  	v5 =	vld [tilespmem:s14+$0xFFFFFFF0]  }
0xf1: {  	v3 =	vld.idx.msk [tilespmem:v3+s29+$0x0], $0xffff;
	_ =	sdelay $0x3  }
0xf2: {  	v4 =	vadd.f32 v5, v4;
	_ =	sdelay $0x1  }
0xf3: {  	v3 =	vmul.f32 v4, v3;
	_ =	sdelay $0x1  }
0xf4: {  	v4 =	vmul.f32 $2.000000030e-01, v3;
	_ =	sdelay $0x1  }
0xf5: {  	v3 =	vmax.f32 v3, v4  }
0xf6: {  	v3 =	vmul.f32 $1.442695020e+00, v3;
	_ =	sdelay $0x1  }
0xf7: {  	(erf) = vpow2.f32 v3;
	_ =	sdelay $0x5  }
0xf8: {  	s17 =	sadd.s32 $0xFFFFFFFE, s12  }
0xf9: {  	v4 =	vmov s17;
	_ =	sdelay $0x1  }
0xfa: {  	v3 =	vpop (erf)  }
0xfb: {  	[tilespmem:s20+$0xFFFFFFB0] =	vst v3;
	v5 =	vld [tilespmem:s20+$0x40]  }
0xfc: {  	v6 =	vld [tilespmem:s14+$0x0]  }
0xfd: {  	v4 =	vld.idx.msk [tilespmem:v4+s29+$0x0], $0xffff;
	_ =	sdelay $0x3  }
0xfe: {  	v5 =	vadd.f32 v6, v5;
	_ =	sdelay $0x1  }
0xff: {  	v4 =	vmul.f32 v5, v4;
	_ =	sdelay $0x1  }
0x100: {  	v5 =	vmul.f32 $2.000000030e-01, v4;
	_ =	sdelay $0x1  }
0x101: {  	v4 =	vmax.f32 v4, v5  }
0x102: {  	v4 =	vmul.f32 $1.442695020e+00, v4;
	_ =	sdelay $0x1  }
0x103: {  	(erf) = vpow2.f32 v4;
	_ =	sdelay $0x5  }
0x104: {  	s17 =	sadd.s32 $0xFFFFFFFF, s12  }
0x105: {  	v4 =	vmov s17;
	_ =	sdelay $0x1  }
0x106: {  	v5 =	vpop (erf)  }
0x107: {  	[tilespmem:s20+$0x40] =	vst v5;
	v6 =	vld [tilespmem:s20+$0xD0]  }
0x108: {  	v7 =	vld [tilespmem:s14+$0x10]  }
0x109: {  	v4 =	vld.idx.msk [tilespmem:v4+s29+$0x0], $0xffff;
	_ =	sdelay $0x3  }
0x10a: {  	v6 =	vadd.f32 v7, v6;
	_ =	sdelay $0x1  }
0x10b: {  	v4 =	vmul.f32 v6, v4  }
0x10c: {  	v6 =	vld [tilespmem:s20+$0x90]  }
0x10d: {  	v7 =	vmul.f32 $2.000000030e-01, v4;
	v8 =	vld [tilespmem:s20+$0xA0]  }
0x10e: {  	v9 =	vld [tilespmem:s20+$0xB0]  }
0x10f: {  	v4 =	vmax.f32 v4, v7;
	v7 =	vld [tilespmem:s20+$0xC0]  }
0x110: {  	v4 =	vmul.f32 $1.442695020e+00, v4;
	v10 =	vld [tilespmem:s20+$0xFFFFFFD0]  }
0x111: {  	v11 =	vld [tilespmem:s20+$0xFFFFFFF0]  }
0x112: {  	v12 =	vld [tilespmem:s20+$0x10];
	(erf) = vpow2.f32 v4  }
0x113: {  	v4 =	vld [tilespmem:s20+$0x20]  }
0x114: {  	v13 =	vld [tilespmem:s20+$0x0]  }
0x115: {  	v14 =	vld [tilespmem:s20+$0xFFFFFFE0]  }
0x116: {  	v15 =	vld [tilespmem:s20+$0xFFFFFFC0]  }
0x117: {  	v16 =	vld [tilespmem:s20+$0x70]  }
0x118: {  	v17 =	vmul.f32 v4, v5;
	v4 =	vld [tilespmem:s20+$0x50]  }
0x119: {  	v18 =	vmov s12;
	v12 =	vmul.f32 v12, v5;
	v13 =	vmul.f32 v13, v5;
	v19 =	vld [tilespmem:s20+$0x30]  }
0x11a: {  	v11 =	vmul.f32 v11, v5;
	v14 =	vmul.f32 v14, v5;
	v20 =	vld [tilespmem:s20+$0x60]  }
0x11b: {  	v10 =	vmul.f32 v10, v5;
	v15 =	vmul.f32 v15, v5;
	v21 =	vld [tilespmem:s20+$0x80];
	v22 =	vpop (erf)  }
0x11c: {  	[tilespmem:s20+$0xD0] =	vst v22;
	v23 =	vld [tilespmem:s20+$0x160];
	v16 =	vmul.f32 v16, v22;
	v7 =	vmul.f32 v7, v22  }
0x11d: {  	v9 =	vmul.f32 v9, v22;
	v24 =	vld [tilespmem:s14+$0x20];
	v25 =	vmul.f32 v4, v22  }
0x11e: {  	v18 =	vld.idx.msk [tilespmem:v18+s29+$0x0], $0xffff;
	v4 =	vmul.f32 v19, v5;
	v5 =	vmul.f32 v8, v22  }
0x11f: {  	v6 =	vmul.f32 v6, v22;
	[tilespmem:s20+$0x20] =	vst v17;
	v8 =	vmul.f32 v20, v22  }
0x120: {  	v17 =	vld [tilespmem:s20+$0xFFFFFF10];
	v19 =	vmul.f32 v21, v22;
	[tilespmem:s20+$0xC0] =	vst v7  }
0x121: {  	v20 =	vld [tilespmem:s20+$0xFFFFFF00];
	[tilespmem:s20+$0xB0] =	vst v9  }
0x122: {  	v7 =	vadd.f32 v24, v23;
	v9 =	vld [tilespmem:s20+$0xFFFFFF30];
	[tilespmem:s20+$0x80] =	vst v19  }
0x123: {  	v19 =	vld [tilespmem:s20+$0xFFFFFF40];
	[tilespmem:s20+$0x70] =	vst v16  }
0x124: {  	v7 =	vmul.f32 v7, v18;
	v16 =	vld [tilespmem:s20+$0xFFFFFEF0];
	[tilespmem:s20+$0x50] =	vst v25  }
0x125: {  	v18 =	vld [tilespmem:s20+$0xFFFFFF50];
	[tilespmem:s20+$0x10] =	vst v12  }
0x126: {  	v12 =	vmul.f32 $2.000000030e-01, v7;
	v21 =	vld [tilespmem:s20+$0xFFFFFF60];
	[tilespmem:s20+$0xA0] =	vst v5  }
0x127: {  	v5 =	vld [tilespmem:s20+$0xFFFFFFA0];
	[tilespmem:s20+$0x0] =	vst v13  }
0x128: {  	v7 =	vmax.f32 v7, v12;
	v12 =	vld [tilespmem:s20+$0xFFFFFF90];
	[tilespmem:s20+$0x90] =	vst v6  }
0x129: {  	v6 =	vmul.f32 $1.442695020e+00, v7;
	v7 =	vld [tilespmem:s20+$0xFFFFFF80];
	[tilespmem:s20+$0xFFFFFFF0] =	vst v11  }
0x12a: {  	v11 =	vld [tilespmem:s20+$0xFFFFFF70];
	[tilespmem:s20+$0x60] =	vst v8  }
0x12b: {  	v8 =	vld [tilespmem:s20+$0xFFFFFED0];
	[tilespmem:s20+$0xFFFFFFE0] =	vst v14;
	(erf) = vpow2.f32 v6  }
0x12c: {  	v6 =	vmul.f32 v5, v3;
	[tilespmem:s20+$0xFFFFFFD0] =	vst v10;
	v13 =	vld [tilespmem:s20+$0x150]  }
0x12d: {  	v10 =	vmul.f32 v12, v3;
	[tilespmem:s20+$0xFFFFFFC0] =	vst v15;
	v5 =	vld [tilespmem:s20+$0x110]  }
0x12e: {  	v7 =	vmul.f32 v7, v3;
	[tilespmem:s20+$0xFFFFFFA0] =	vst v6;
	v22 =	vld [tilespmem:s20+$0x130]  }
0x12f: {  	v6 =	vmul.f32 v11, v3;
	[tilespmem:s20+$0xFFFFFF90] =	vst v10;
	v11 =	vld [tilespmem:s20+$0xE0]  }
0x130: {  	v10 =	vmul.f32 v21, v3;
	[tilespmem:s20+$0xFFFFFF80] =	vst v7;
	v21 =	vld [tilespmem:s20+$0x100]  }
0x131: {  	v12 =	vmul.f32 v18, v3;
	[tilespmem:s20+$0xFFFFFF70] =	vst v6;
	v6 =	vld [tilespmem:s20+$0x140]  }
.Ltmp1:
0x132: {  	v19 =	vmul.f32 v19, v3;
	v7 =	vmul.f32 v8, v1;
	[tilespmem:s20+$0xFFFFFF60] =	vst v10;
	v8 =	vld [tilespmem:s20+$0xF0];
	(pc) =	sbr.rel @p0 .LBB2_5-.Ltmp1, $4  }
0x133: {  	v9 =	vmul.f32 v9, v3;
	v14 =	vmul.f32 v16, v1;
	[tilespmem:s20+$0xFFFFFF50] =	vst v12;
	v10 =	vld [tilespmem:s20+$0x120]  }
0x134: {  	v18 =	vmul.f32 v20, v1;
	v20 =	vmul.f32 v17, v1;
	v15 =	vld [tilespmem:s20+$0xFFFFFEC0];
	[tilespmem:s20+$0xFFFFFF40] =	vst v19;
	v3 =	vpop (erf)  }
0x135: {  	v16 =	vld [tilespmem:s20+$0xFFFFFEB0];
	[tilespmem:s20+$0xFFFFFF30] =	vst v9;
	v9 =	vmul.f32 v11, v3;
	v12 =	vmul.f32 v13, v3  }
0x136: {  	v11 =	vmul.f32 v21, v3;
	v13 =	vmul.f32 v22, v3;
	v17 =	vld [tilespmem:s20+$0xFFFFFEA0];
	[tilespmem:s20+$0xFFFFFF10] =	vst v20  }
0x137: {  	[tilespmem:s25+$0xFFFFFF00] =	vst v18  }
0x138: {  	[tilespmem:s25+$0xFFFFFEF0] =	vst v14  }
0x139: {  	[tilespmem:s25+$0xFFFFFEE0] =	vst v2  }
0x13a: {  	[tilespmem:s25+$0xFFFFFED0] =	vst v7  }
0x13b: {  	[tilespmem:s25+$0x160] =	vst v3  }
0x13c: {  	[tilespmem:s25+$0x30] =	vst v4  }
0x13d: {  	[tilespmem:s25+$0x150] =	vst v12  }
0x13e: {  	[tilespmem:s25+$0xE0] =	vst v9  }
0x13f: {  	v4 =	vmul.f32 v6, v3;
	[tilespmem:s25+$0x130] =	vst v13  }
0x140: {  	[tilespmem:s25+$0x100] =	vst v11;
	v14 =	vmul.f32 v15, v1  }
0x141: {  	[tilespmem:s25+$0x140] =	vst v4;
	v2 =	vmul.f32 v16, v1;
	v1 =	vmul.f32 v17, v1  }
0x142: {  	[tilespmem:s25+$0xFFFFFEC0] =	vst v14  }
0x143: {  	s12 =	sadd.s32 $0x2, s23;
	[tilespmem:s25+$0xFFFFFEA0] =	vst v1;
	v1 =	vmul.f32 v5, v3  }
0x144: {  	s14 =	smul.u32 $0x50, s12;
	[tilespmem:s25+$0xFFFFFEB0] =	vst v2;
	v2 =	vmul.f32 v10, v3  }
0x145: {  	[tilespmem:s25+$0x110] =	vst v1;
	v1 =	vmul.f32 v8, v3  }
0x146: {  	s14 =	sadd.s32 s7, s14;
	[tilespmem:s25+$0x120] =	vst v2  }
0x147: {  	s14 =	sshrl.u32 s14, $0x3;
	[tilespmem:s25+$0xF0] =	vst v1  }
0x148: {  	[spmem:s1] =	stream.indirect.scatter.add.f32 [tilespmem:s9], [sflag:$0x3], $0x90, s24, s2, $0xb8;
	[tilespmem:$0x1EFD0] =	vst v63  }
0x149: {  	s17 =	sadd.s32 s4, s14  }
0x14a: {  	[tilespmem:s28], [sflag:$0x5] =	stream.linear.gather [hbm4b:s17+s3], $0x50, $0x38;
	[tilespmem:$0x1EFD0] =	vst v63  }
0x14b: {  	s14 =	sadd.s32 s5, s14  }
0x14c: {  	[tilespmem:s29], [sflag:$0x5] =	stream.linear.gather [hbm4b:s14+s3], $0x50, $0x38;
	[tilespmem:$0x1EFD0] =	vst v63  }
0x14d: {  	_ =	swait.ge [sflag:s18], $0x2D00  }
0x14e: {  	[sflag:s18] =	ssyncset.done $0x0  }
0x14f: {  	[sflag:s18] =	ssyncadd.s32 $0xFFFFD300  }
0x150: {  	_ =	swait.ge [sflag:s18], $0x500  }
0x151: {  	[sflag:s18] =	ssyncset.done $0x0  }
0x152: {  	[sflag:s18] =	ssyncadd.s32 $0xFFFFFB00  }
0x153: {  	_ =	swait.ge [sflag:s19], $0x2D00  }
0x154: {  	[sflag:s19] =	ssyncset.done $0x0  }
0x155: {  	[sflag:s19] =	ssyncadd.s32 $0xFFFFD300  }
0x156: {  	_ =	swait.ge [sflag:s0], $0x50  }
0x157: {  	[sflag:s0] =	ssyncset.done $0x0  }
0x158: {  	[sflag:s0] =	ssyncadd.s32 $0xFFFFFFB0  }
0x159: {  	_ =	swait.ge [sflag:s0], $0x50  }
0x15a: {  	[sflag:s0] =	ssyncset.done $0x0  }
0x15b: {  	s26 =	simm.s32 $0x0;
	s12 =	smul.u32 $0x140, s12;
	[sflag:s0] =	ssyncadd.s32 $0xFFFFFFB0  }
0x15c: {  	[tilespmem:s9], [sflag:$0x1] =	stream.indirect.gather [hbm4b:s8+s2], $0x90, s28, s2, $0xb8;
	[tilespmem:$0x1EFD0] =	vst v63  }
0x15d: {  	s12 =	sshra.s32 s12, $0x2;
	v1 =	vmov s26;
	s24 =	simm.s32 $0x60B0  }
0x15e: {  	[tilespmem:s10], [sflag:$0x1] =	stream.indirect.gather [hbm4b:s6+s2], $0x10, s12, s2, $0xb8;
	[tilespmem:$0x1EFD0] =	vst v63  }
0x15f: {  	s14 =	simm.s32 $0x5A70;
	v2 =	vld [tilespmem:s24+$0xFFFFFF20]  }
0x160: {  	v3 =	vld [tilespmem:s14+$0xFFFFFFE0];
	_ =	sdelay $0x1  }
0x161: {  	v1 =	vld.idx.msk [tilespmem:v1+s31+$0x0], $0xffff;
	_ =	sdelay $0x2  }
0x162: {  	v2 =	vadd.f32 v3, v2;
	_ =	sdelay $0x1  }
0x163: {  	v1 =	vmul.f32 v2, v1;
	_ =	sdelay $0x1  }
0x164: {  	v2 =	vmul.f32 $2.000000030e-01, v1;
	_ =	sdelay $0x1  }
0x165: {  	v1 =	vmax.f32 v1, v2  }
0x166: {  	v1 =	vmul.f32 $1.442695020e+00, v1;
	_ =	sdelay $0x1  }
0x167: {  	(erf) = vpow2.f32 v1;
	_ =	sdelay $0x6  }
0x168: {  	s17 =	simm.s32 $0x1  }
0x169: {  	v2 =	vmov s17  }
0x16a: {  	v1 =	vpop (erf)  }
0x16b: {  	v3 =	vld [tilespmem:s24+$0xFFFFFFB0];
	[tilespmem:s24+$0xFFFFFF20] =	vst v1  }
0x16c: {  	v4 =	vld [tilespmem:s14+$0xFFFFFFF0];
	_ =	sdelay $0x1  }
0x16d: {  	v2 =	vld.idx.msk [tilespmem:v2+s31+$0x0], $0xffff;
	_ =	sdelay $0x2  }
0x16e: {  	v3 =	vadd.f32 v4, v3;
	_ =	sdelay $0x1  }
0x16f: {  	v2 =	vmul.f32 v3, v2;
	_ =	sdelay $0x1  }
0x170: {  	v3 =	vmul.f32 $2.000000030e-01, v2;
	_ =	sdelay $0x1  }
0x171: {  	v2 =	vmax.f32 v2, v3  }
0x172: {  	v2 =	vmul.f32 $1.442695020e+00, v2;
	_ =	sdelay $0x1  }
0x173: {  	(erf) = vpow2.f32 v2;
	_ =	sdelay $0x6  }
0x174: {  	s20 =	simm.s32 $0x2  }
0x175: {  	v2 =	vmov s20  }
0x176: {  	v3 =	vpop (erf)  }
0x177: {  	v4 =	vld [tilespmem:s24+$0x40];
	[tilespmem:s24+$0xFFFFFFB0] =	vst v3  }
0x178: {  	v5 =	vld [tilespmem:s14+$0x0];
	_ =	sdelay $0x1  }
0x179: {  	v2 =	vld.idx.msk [tilespmem:v2+s31+$0x0], $0xffff;
	_ =	sdelay $0x2  }
0x17a: {  	v4 =	vadd.f32 v5, v4;
	_ =	sdelay $0x1  }
0x17b: {  	v2 =	vmul.f32 v4, v2;
	_ =	sdelay $0x1  }
0x17c: {  	v4 =	vmul.f32 $2.000000030e-01, v2;
	_ =	sdelay $0x1  }
0x17d: {  	v2 =	vmax.f32 v2, v4  }
0x17e: {  	v2 =	vmul.f32 $1.442695020e+00, v2;
	_ =	sdelay $0x1  }
0x17f: {  	(erf) = vpow2.f32 v2;
	_ =	sdelay $0x6  }
0x180: {  	s25 =	simm.s32 $0x3  }
0x181: {  	v2 =	vmov s25  }
0x182: {  	v4 =	vpop (erf)  }
0x183: {  	v5 =	vld [tilespmem:s24+$0xD0];
	[tilespmem:s24+$0x40] =	vst v4  }
0x184: {  	v6 =	vld [tilespmem:s14+$0x10];
	_ =	sdelay $0x1  }
0x185: {  	v2 =	vld.idx.msk [tilespmem:v2+s31+$0x0], $0xffff;
	_ =	sdelay $0x2  }
0x186: {  	v5 =	vadd.f32 v6, v5;
	_ =	sdelay $0x1  }
0x187: {  	v2 =	vmul.f32 v5, v2  }
0x188: {  	v8 =	vld [tilespmem:s24+$0xA0]  }
0x189: {  	v9 =	vld [tilespmem:s24+$0xB0];
	v7 =	vmul.f32 $2.000000030e-01, v2  }
0x18a: {  	v10 =	vld [tilespmem:s24+$0xFFFFFFD0]  }
0x18b: {  	v11 =	vld [tilespmem:s24+$0xFFFFFFF0];
	v2 =	vmax.f32 v2, v7  }
0x18c: {  	v12 =	vld [tilespmem:s24+$0x20];
	v2 =	vmul.f32 $1.442695020e+00, v2  }
0x18d: {  	v13 =	vld [tilespmem:s24+$0x0]  }
0x18e: {  	v14 =	vld [tilespmem:s24+$0xFFFFFFE0];
	(erf) = vpow2.f32 v2  }
0x18f: {  	v15 =	vld [tilespmem:s24+$0xFFFFFFC0]  }
0x190: {  	v16 =	vld [tilespmem:s24+$0x70]  }
0x191: {  	v17 =	vld [tilespmem:s24+$0x50]  }
0x192: {  	v19 =	vld [tilespmem:s24+$0x30]  }
0x193: {  	v20 =	vld [tilespmem:s24+$0x80]  }
0x194: {  	v22 =	vld [tilespmem:s24+$0x160]  }
0x195: {  	s26 =	simm.s32 $0x4;
	v2 =	vld [tilespmem:s24+$0x10]  }
0x196: {  	v18 =	vmov s26;
	v7 =	vld [tilespmem:s24+$0xC0]  }
0x197: {  	v24 =	vld [tilespmem:s24+$0x60];
	v21 =	vpop (erf)  }
0x198: {  	v60 =	vld [tilespmem:s24+$0xFFFFFF30];
	[tilespmem:s24+$0xD0] =	vst v21  }
0x199: {  	v12 =	vmul.f32 v12, v4;
	v23 =	vld [tilespmem:s14+$0x20]  }
0x19a: {  	v5 =	vld [tilespmem:s24+$0x90];
	v2 =	vmul.f32 v2, v4  }
0x19b: {  	v7 =	vmul.f32 v7, v21;
	v18 =	vld.idx.msk [tilespmem:v18+s31+$0x0], $0xffff;
	[tilespmem:s24+$0x20] =	vst v12  }
0x19c: {  	v61 =	vld [tilespmem:s24+$0x150];
	v9 =	vmul.f32 v9, v21;
	[tilespmem:s24+$0x10] =	vst v2  }
0x19d: {  	v62 =	vld [tilespmem:s24+$0x130];
	v20 =	vmul.f32 v20, v21;
	[tilespmem:s24+$0xC0] =	vst v7  }
0x19e: {  	v63 =	vld [tilespmem:s24+$0x100];
	v7 =	vmul.f32 v16, v21;
	[tilespmem:s24+$0xB0] =	vst v9;
	v9 =	vmul.f32 v17, v21;
	v17 =	vadd.f32 v23, v22  }
0x19f: {  	v6 =	vld [tilespmem:s24+$0xFFFFFEE0];
	v2 =	vmul.f32 v5, v21;
	[tilespmem:s24+$0x80] =	vst v20  }
0x1a0: {  	v12 =	vld [tilespmem:s24+$0xFFFFFF10];
	[tilespmem:s24+$0x70] =	vst v7;
	v7 =	vmul.f32 v8, v21;
	v8 =	vmul.f32 v17, v18  }
0x1a1: {  	v16 =	vld [tilespmem:s24+$0xFFFFFF00];
	[tilespmem:s24+$0x90] =	vst v2;
	v2 =	vmul.f32 v14, v4  }
0x1a2: {  	v20 =	vld [tilespmem:s24+$0xFFFFFF40];
	[tilespmem:s24+$0x50] =	vst v9;
	v5 =	vmul.f32 $2.000000030e-01, v8  }
0x1a3: {  	v9 =	vmul.f32 v13, v4;
	v13 =	vld [tilespmem:s24+$0xFFFFFF50];
	[tilespmem:s24+$0xFFFFFFE0] =	vst v2  }
0x1a4: {  	[tilespmem:s24+$0xA0] =	vst v7;
	v7 =	vmul.f32 v11, v4;
	v11 =	vld [tilespmem:s24+$0xFFFFFFA0];
	v5 =	vmax.f32 v8, v5  }
0x1a5: {  	v14 =	vld [tilespmem:s24+$0xFFFFFF80];
	[tilespmem:s24+$0x0] =	vst v9;
	v9 =	vmul.f32 v24, v21;
	v5 =	vmul.f32 $1.442695020e+00, v5  }
0x1a6: {  	[tilespmem:s24+$0xFFFFFFF0] =	vst v7;
	v7 =	vmul.f32 v10, v4;
	v10 =	vld [tilespmem:s24+$0xFFFFFF70]  }
0x1a7: {  	[tilespmem:s24+$0x60] =	vst v9;
	v9 =	vmul.f32 v15, v4;
	v8 =	vld [tilespmem:s24+$0xFFFFFF90];
	(erf) = vpow2.f32 v5  }
0x1a8: {  	v18 =	vld [tilespmem:s24+$0xFFFFFF60];
	v13 =	vmul.f32 v13, v3;
	[tilespmem:s24+$0xFFFFFFD0] =	vst v7  }
0x1a9: {  	v17 =	vld [tilespmem:s24+$0xFFFFFEF0];
	[tilespmem:s24+$0xFFFFFFC0] =	vst v9;
	v2 =	vmul.f32 v11, v3  }
0x1aa: {  	v15 =	vld [tilespmem:s24+$0xFFFFFED0];
	[tilespmem:s24+$0xFFFFFF50] =	vst v13;
	v13 =	vmul.f32 v12, v1  }
0x1ab: {  	[tilespmem:s24+$0xFFFFFFA0] =	vst v2;
	v9 =	vmul.f32 v10, v3;
	v10 =	vld [tilespmem:s24+$0xE0];
	v2 =	vmul.f32 v6, v1  }
0x1ac: {  	v6 =	vld [tilespmem:s24+$0x140];
	[tilespmem:s24+$0xFFFFFF10] =	vst v13;
	v7 =	vmul.f32 v8, v3;
	v8 =	vmul.f32 v14, v3  }
0x1ad: {  	v11 =	vmul.f32 v18, v3;
	v5 =	vld [tilespmem:s24+$0x110];
	[tilespmem:s24+$0xFFFFFF70] =	vst v9  }
0x1ae: {  	v4 =	vmul.f32 v19, v4;
	v18 =	vmul.f32 v16, v1;
	[tilespmem:s24+$0xFFFFFF80] =	vst v8;
	v8 =	vld [tilespmem:s24+$0xF0]  }
0x1af: {  	v9 =	vmul.f32 v20, v3;
	[tilespmem:s24+$0xFFFFFF60] =	vst v11;
	v11 =	vld [tilespmem:s24+$0x120];
	v14 =	vmul.f32 v17, v1  }
0x1b0: {  	v17 =	vmul.f32 v60, v3;
	[tilespmem:s24+$0xFFFFFF90] =	vst v7;
	v7 =	vmul.f32 v15, v1;
	v15 =	vld [tilespmem:s24+$0xFFFFFEC0];
	v3 =	vpop (erf)  }
0x1b1: {  	v16 =	vld [tilespmem:s24+$0xFFFFFEB0];
	[tilespmem:s24+$0xFFFFFF40] =	vst v9;
	v9 =	vmul.f32 v10, v3;
	v12 =	vmul.f32 v61, v3  }
0x1b2: {  	s20 =	simm.s32 $0x60B0;
	s25 =	simm.s32 $0x9;
	[tilespmem:s24+$0xFFFFFF30] =	vst v17;
	v17 =	vld [tilespmem:s24+$0xFFFFFEA0];
	v10 =	vmul.f32 v63, v3;
	v13 =	vmul.f32 v62, v3  }
.LBB2_7:
0x1b3: {  	p0 =	sne.s32 s25, $0x4F;
	[tilespmem:s24+$0xFFFFFF00] =	vst v18;
	v8 =	vmul.f32 v8, v3;
	v6 =	vmul.f32 v6, v3;
	s20 =	sadd.s32 $0x2D0, s20;
	s14 =	sadd.s32 $0x50, s14  }
0x1b4: {  	v5 =	vmul.f32 v5, v3;
	s12 =	smov.u32 s25;
	s25 =	sadd.s32 $0x5, s25;
	[tilespmem:s24+$0xFFFFFEF0] =	vst v14;
	v11 =	vmul.f32 v11, v3  }
0x1b5: {  	v14 =	vmul.f32 v15, v1;
	[tilespmem:s24+$0xFFFFFEE0] =	vst v2  }
0x1b6: {  	v2 =	vmul.f32 v16, v1;
	[tilespmem:s24+$0xFFFFFED0] =	vst v7  }
0x1b7: {  	v1 =	vmul.f32 v17, v1;
	[tilespmem:s24+$0xFFFFFEC0] =	vst v14  }
0x1b8: {  	[tilespmem:s24+$0xFFFFFEB0] =	vst v2  }
0x1b9: {  	[tilespmem:s24+$0xFFFFFEA0] =	vst v1  }
0x1ba: {  	[tilespmem:s24+$0x160] =	vst v3  }
0x1bb: {  	[tilespmem:s24+$0x30] =	vst v4  }
0x1bc: {  	[tilespmem:s24+$0x150] =	vst v12  }
0x1bd: {  	[tilespmem:s24+$0xE0] =	vst v9  }
0x1be: {  	[tilespmem:s24+$0x130] =	vst v13  }
0x1bf: {  	s17 =	sadd.s32 $0xFFFFFFFC, s12;
	[tilespmem:s24+$0x100] =	vst v10  }
0x1c0: {  	v1 =	vmov s17;
	[tilespmem:s24+$0x110] =	vst v5  }
0x1c1: {  	[tilespmem:s24+$0x120] =	vst v11  }
0x1c2: {  	[tilespmem:s24+$0x140] =	vst v6  }
0x1c3: {  	v2 =	vld [tilespmem:s20+$0xFFFFFF20];
	[tilespmem:s24+$0xF0] =	vst v8;
	s24 =	smov.u32 s20  }
0x1c4: {  	v3 =	vld [tilespmem:s14+$0xFFFFFFE0]  }
0x1c5: {  	v1 =	vld.idx.msk [tilespmem:v1+s31+$0x0], $0xffff;
	_ =	sdelay $0x3  }
0x1c6: {  	v2 =	vadd.f32 v3, v2;
	_ =	sdelay $0x1  }
0x1c7: {  	v1 =	vmul.f32 v2, v1;
	_ =	sdelay $0x1  }
0x1c8: {  	v2 =	vmul.f32 $2.000000030e-01, v1;
	_ =	sdelay $0x1  }
0x1c9: {  	v1 =	vmax.f32 v1, v2  }
0x1ca: {  	v1 =	vmul.f32 $1.442695020e+00, v1;
	_ =	sdelay $0x1  }
0x1cb: {  	(erf) = vpow2.f32 v1;
	_ =	sdelay $0x4  }
0x1cc: {  	v2 =	vld [tilespmem:s20+$0xFFFFFEE0]  }
0x1cd: {  	s17 =	sadd.s32 $0xFFFFFFFD, s12  }
0x1ce: {  	v3 =	vmov s17;
	_ =	sdelay $0x1  }
0x1cf: {  	v1 =	vpop (erf)  }
0x1d0: {  	[tilespmem:s20+$0xFFFFFF20] =	vst v1;
	v4 =	vld [tilespmem:s20+$0xFFFFFFB0];
	v2 =	vmul.f32 v2, v1  }
0x1d1: {  	v5 =	vld [tilespmem:s14+$0xFFFFFFF0]  }
0x1d2: {  	v3 =	vld.idx.msk [tilespmem:v3+s31+$0x0], $0xffff;
	_ =	sdelay $0x3  }
0x1d3: {  	v4 =	vadd.f32 v5, v4;
	_ =	sdelay $0x1  }
0x1d4: {  	v3 =	vmul.f32 v4, v3;
	_ =	sdelay $0x1  }
0x1d5: {  	v4 =	vmul.f32 $2.000000030e-01, v3;
	_ =	sdelay $0x1  }
0x1d6: {  	v3 =	vmax.f32 v3, v4  }
0x1d7: {  	v3 =	vmul.f32 $1.442695020e+00, v3;
	_ =	sdelay $0x1  }
0x1d8: {  	(erf) = vpow2.f32 v3;
	_ =	sdelay $0x5  }
0x1d9: {  	s17 =	sadd.s32 $0xFFFFFFFE, s12  }
0x1da: {  	v4 =	vmov s17;
	_ =	sdelay $0x1  }
0x1db: {  	v3 =	vpop (erf)  }
0x1dc: {  	[tilespmem:s20+$0xFFFFFFB0] =	vst v3;
	v5 =	vld [tilespmem:s20+$0x40]  }
0x1dd: {  	v6 =	vld [tilespmem:s14+$0x0]  }
0x1de: {  	v4 =	vld.idx.msk [tilespmem:v4+s31+$0x0], $0xffff;
	_ =	sdelay $0x3  }
0x1df: {  	v5 =	vadd.f32 v6, v5;
	_ =	sdelay $0x1  }
0x1e0: {  	v4 =	vmul.f32 v5, v4;
	_ =	sdelay $0x1  }
0x1e1: {  	v5 =	vmul.f32 $2.000000030e-01, v4;
	_ =	sdelay $0x1  }
0x1e2: {  	v4 =	vmax.f32 v4, v5  }
0x1e3: {  	v4 =	vmul.f32 $1.442695020e+00, v4;
	_ =	sdelay $0x1  }
0x1e4: {  	(erf) = vpow2.f32 v4;
	_ =	sdelay $0x5  }
0x1e5: {  	s17 =	sadd.s32 $0xFFFFFFFF, s12  }
0x1e6: {  	v4 =	vmov s17;
	_ =	sdelay $0x1  }
0x1e7: {  	v5 =	vpop (erf)  }
0x1e8: {  	[tilespmem:s20+$0x40] =	vst v5;
	v6 =	vld [tilespmem:s20+$0xD0]  }
0x1e9: {  	v7 =	vld [tilespmem:s14+$0x10]  }
0x1ea: {  	v4 =	vld.idx.msk [tilespmem:v4+s31+$0x0], $0xffff;
	_ =	sdelay $0x3  }
0x1eb: {  	v6 =	vadd.f32 v7, v6;
	_ =	sdelay $0x1  }
0x1ec: {  	v4 =	vmul.f32 v6, v4  }
0x1ed: {  	v6 =	vld [tilespmem:s20+$0x90]  }
0x1ee: {  	v7 =	vmul.f32 $2.000000030e-01, v4;
	v8 =	vld [tilespmem:s20+$0xA0]  }
0x1ef: {  	v9 =	vld [tilespmem:s20+$0xB0]  }
0x1f0: {  	v4 =	vmax.f32 v4, v7;
	v7 =	vld [tilespmem:s20+$0xC0]  }
0x1f1: {  	v4 =	vmul.f32 $1.442695020e+00, v4;
	v10 =	vld [tilespmem:s20+$0xFFFFFFD0]  }
0x1f2: {  	v11 =	vld [tilespmem:s20+$0xFFFFFFF0]  }
0x1f3: {  	v12 =	vld [tilespmem:s20+$0x10];
	(erf) = vpow2.f32 v4  }
0x1f4: {  	v4 =	vld [tilespmem:s20+$0x20]  }
0x1f5: {  	v13 =	vld [tilespmem:s20+$0x0]  }
0x1f6: {  	v14 =	vld [tilespmem:s20+$0xFFFFFFE0]  }
0x1f7: {  	v15 =	vld [tilespmem:s20+$0xFFFFFFC0]  }
0x1f8: {  	v16 =	vld [tilespmem:s20+$0x70]  }
0x1f9: {  	v17 =	vmul.f32 v4, v5;
	v4 =	vld [tilespmem:s20+$0x50]  }
0x1fa: {  	v18 =	vmov s12;
	v12 =	vmul.f32 v12, v5;
	v13 =	vmul.f32 v13, v5;
	v19 =	vld [tilespmem:s20+$0x30]  }
0x1fb: {  	v11 =	vmul.f32 v11, v5;
	v14 =	vmul.f32 v14, v5;
	v20 =	vld [tilespmem:s20+$0x60]  }
0x1fc: {  	v10 =	vmul.f32 v10, v5;
	v15 =	vmul.f32 v15, v5;
	v21 =	vld [tilespmem:s20+$0x80];
	v22 =	vpop (erf)  }
0x1fd: {  	[tilespmem:s20+$0xD0] =	vst v22;
	v23 =	vld [tilespmem:s20+$0x160];
	v16 =	vmul.f32 v16, v22;
	v7 =	vmul.f32 v7, v22  }
0x1fe: {  	v9 =	vmul.f32 v9, v22;
	v24 =	vld [tilespmem:s14+$0x20];
	v25 =	vmul.f32 v4, v22  }
0x1ff: {  	v18 =	vld.idx.msk [tilespmem:v18+s31+$0x0], $0xffff;
	v4 =	vmul.f32 v19, v5;
	v5 =	vmul.f32 v8, v22  }
0x200: {  	v6 =	vmul.f32 v6, v22;
	[tilespmem:s20+$0x20] =	vst v17;
	v8 =	vmul.f32 v20, v22  }
0x201: {  	v17 =	vld [tilespmem:s20+$0xFFFFFF10];
	v19 =	vmul.f32 v21, v22;
	[tilespmem:s20+$0xC0] =	vst v7  }
0x202: {  	v20 =	vld [tilespmem:s20+$0xFFFFFF00];
	[tilespmem:s20+$0xB0] =	vst v9  }
0x203: {  	v7 =	vadd.f32 v24, v23;
	v9 =	vld [tilespmem:s20+$0xFFFFFF30];
	[tilespmem:s20+$0x80] =	vst v19  }
0x204: {  	v19 =	vld [tilespmem:s20+$0xFFFFFF40];
	[tilespmem:s20+$0x70] =	vst v16  }
0x205: {  	v7 =	vmul.f32 v7, v18;
	v16 =	vld [tilespmem:s20+$0xFFFFFEF0];
	[tilespmem:s20+$0x50] =	vst v25  }
0x206: {  	v18 =	vld [tilespmem:s20+$0xFFFFFF50];
	[tilespmem:s20+$0x10] =	vst v12  }
0x207: {  	v12 =	vmul.f32 $2.000000030e-01, v7;
	v21 =	vld [tilespmem:s20+$0xFFFFFF60];
	[tilespmem:s20+$0xA0] =	vst v5  }
0x208: {  	v5 =	vld [tilespmem:s20+$0xFFFFFFA0];
	[tilespmem:s20+$0x0] =	vst v13  }
0x209: {  	v7 =	vmax.f32 v7, v12;
	v12 =	vld [tilespmem:s20+$0xFFFFFF90];
	[tilespmem:s20+$0x90] =	vst v6  }
0x20a: {  	v6 =	vmul.f32 $1.442695020e+00, v7;
	v7 =	vld [tilespmem:s20+$0xFFFFFF80];
	[tilespmem:s20+$0xFFFFFFF0] =	vst v11  }
0x20b: {  	v11 =	vld [tilespmem:s20+$0xFFFFFF70];
	[tilespmem:s20+$0x60] =	vst v8  }
0x20c: {  	v8 =	vld [tilespmem:s20+$0xFFFFFED0];
	[tilespmem:s20+$0xFFFFFFE0] =	vst v14;
	(erf) = vpow2.f32 v6  }
0x20d: {  	v6 =	vmul.f32 v5, v3;
	[tilespmem:s20+$0xFFFFFFD0] =	vst v10;
	v10 =	vld [tilespmem:s20+$0x150]  }
0x20e: {  	v12 =	vmul.f32 v12, v3;
	[tilespmem:s20+$0xFFFFFFC0] =	vst v15;
	v5 =	vld [tilespmem:s20+$0x110]  }
0x20f: {  	v7 =	vmul.f32 v7, v3;
	[tilespmem:s20+$0xFFFFFFA0] =	vst v6;
	v13 =	vld [tilespmem:s20+$0x130]  }
0x210: {  	v6 =	vmul.f32 v11, v3;
	[tilespmem:s20+$0xFFFFFF90] =	vst v12;
	v12 =	vld [tilespmem:s20+$0xE0]  }
0x211: {  	v11 =	vmul.f32 v21, v3;
	[tilespmem:s20+$0xFFFFFF80] =	vst v7;
	v21 =	vld [tilespmem:s20+$0x100]  }
0x212: {  	v15 =	vmul.f32 v18, v3;
	[tilespmem:s20+$0xFFFFFF70] =	vst v6;
	v6 =	vld [tilespmem:s20+$0x140]  }
.Ltmp2:
0x213: {  	v19 =	vmul.f32 v19, v3;
	v7 =	vmul.f32 v8, v1;
	[tilespmem:s20+$0xFFFFFF60] =	vst v11;
	v8 =	vld [tilespmem:s20+$0xF0];
	(pc) =	sbr.rel @p0 .LBB2_7-.Ltmp2, $4  }
0x214: {  	v9 =	vmul.f32 v9, v3;
	v14 =	vmul.f32 v16, v1;
	[tilespmem:s20+$0xFFFFFF50] =	vst v15;
	v11 =	vld [tilespmem:s20+$0x120]  }
0x215: {  	v18 =	vmul.f32 v20, v1;
	v20 =	vmul.f32 v17, v1;
	v15 =	vld [tilespmem:s20+$0xFFFFFEC0];
	[tilespmem:s20+$0xFFFFFF40] =	vst v19;
	v3 =	vpop (erf)  }
0x216: {  	v16 =	vld [tilespmem:s20+$0xFFFFFEB0];
	[tilespmem:s20+$0xFFFFFF30] =	vst v9;
	v9 =	vmul.f32 v12, v3;
	v12 =	vmul.f32 v10, v3  }
0x217: {  	v10 =	vmul.f32 v21, v3;
	v13 =	vmul.f32 v13, v3;
	v17 =	vld [tilespmem:s20+$0xFFFFFEA0];
	[tilespmem:s20+$0xFFFFFF10] =	vst v20  }
0x218: {  	[tilespmem:s24+$0xFFFFFF00] =	vst v18  }
0x219: {  	[tilespmem:s24+$0xFFFFFEF0] =	vst v14  }
0x21a: {  	[tilespmem:s24+$0xFFFFFEE0] =	vst v2  }
0x21b: {  	[tilespmem:s24+$0xFFFFFED0] =	vst v7  }
0x21c: {  	[tilespmem:s24+$0x160] =	vst v3  }
0x21d: {  	[tilespmem:s24+$0x30] =	vst v4  }
0x21e: {  	[tilespmem:s24+$0x150] =	vst v12  }
0x21f: {  	[tilespmem:s24+$0xE0] =	vst v9  }
0x220: {  	v63 =	vmul.f32 v6, v3;
	[tilespmem:s24+$0x130] =	vst v13  }
0x221: {  	[tilespmem:s24+$0x100] =	vst v10;
	v62 =	vmul.f32 v15, v1  }
0x222: {  	[tilespmem:s24+$0x140] =	vst v63;
	v2 =	vmul.f32 v16, v1;
	v1 =	vmul.f32 v17, v1  }
0x223: {  	[tilespmem:s24+$0xFFFFFEC0] =	vst v62  }
0x224: {  	[tilespmem:s24+$0xFFFFFEA0] =	vst v1;
	v1 =	vmul.f32 v5, v3  }
0x225: {  	s12 =	smin.u32 s23, $0x79;
	[tilespmem:s24+$0xFFFFFEB0] =	vst v2;
	v2 =	vmul.f32 v11, v3  }
0x226: {  	s12 =	smul.u32 $0x50, s12;
	[tilespmem:s24+$0x110] =	vst v1;
	v1 =	vmul.f32 v8, v3  }
0x227: {  	s21 =	sadd.s32 $0x1, s21;
	[tilespmem:s24+$0x120] =	vst v2  }
0x228: {  	p0 =	sne.s32 s21, $0x3E;
	s12 =	sadd.s32 s12, s16;
	[tilespmem:s24+$0xF0] =	vst v1  }
0x229: {  	[spmem:s1] =	stream.indirect.scatter.add.f32 [tilespmem:s11], [sflag:$0x4], $0x90, s22, s2, $0xb8;
	[tilespmem:$0x1EFD0] =	vst v63  }
.Ltmp3:
0x22a: {  	s12 =	sshrl.u32 s12, $0x3;
	(pc) =	sbr.rel @p0 .LBB2_4-.Ltmp3, $4  }
0x22b: {  	s14 =	sadd.s32 s4, s12  }
0x22c: {  	[tilespmem:s30], [sflag:$0x6] =	stream.linear.gather [hbm4b:s14+s3], $0x50, $0x38;
	[tilespmem:$0x1EFD0] =	vst v63  }
0x22d: {  	s12 =	sadd.s32 s5, s12  }
0x22e: {  	[tilespmem:s31], [sflag:$0x6] =	stream.linear.gather [hbm4b:s12+s3], $0x50, $0x38;
	[tilespmem:$0x1EFD0] =	vst v63  }
0x22f: {  	_ =	swait.ge [sflag:s13], $0x2D00  }
0x230: {  	[sflag:s13] =	ssyncset.done $0x0  }
0x231: {  	[sflag:s13] =	ssyncadd.s32 $0xFFFFD300  }
0x232: {  	_ =	swait.ge [sflag:s13], $0x500  }
0x233: {  	[sflag:s13] =	ssyncset.done $0x0  }
0x234: {  	s12 =	simm.s32 $0x4;
	[sflag:s13] =	ssyncadd.s32 $0xFFFFFB00  }
0x235: {  	s14 =	simm.s32 $0x0;
	_ =	swait.ge [sflag:s12], $0x2D00  }
0x236: {  	v1 =	vmov s14;
	[sflag:s12] =	ssyncset.done $0x0  }
0x237: {  	s21 =	simm.s32 $0x2E10;
	[sflag:s12] =	ssyncadd.s32 $0xFFFFD300  }
0x238: {  	s14 =	simm.s32 $0x27D0;
	v2 =	vld [tilespmem:s21+$0xFFFFFF20]  }
0x239: {  	v3 =	vld [tilespmem:s14+$0xFFFFFFE0];
	_ =	sdelay $0x1  }
0x23a: {  	v1 =	vld.idx.msk [tilespmem:v1+s29+$0x0], $0xffff;
	_ =	sdelay $0x2  }
0x23b: {  	v2 =	vadd.f32 v3, v2;
	_ =	sdelay $0x1  }
0x23c: {  	v1 =	vmul.f32 v2, v1;
	_ =	sdelay $0x1  }
0x23d: {  	v2 =	vmul.f32 $2.000000030e-01, v1;
	_ =	sdelay $0x1  }
0x23e: {  	v1 =	vmax.f32 v1, v2  }
0x23f: {  	v1 =	vmul.f32 $1.442695020e+00, v1;
	_ =	sdelay $0x1  }
0x240: {  	(erf) = vpow2.f32 v1;
	_ =	sdelay $0x6  }
0x241: {  	s17 =	simm.s32 $0x1  }
0x242: {  	v2 =	vmov s17  }
0x243: {  	v1 =	vpop (erf)  }
0x244: {  	v3 =	vld [tilespmem:s21+$0xFFFFFFB0];
	[tilespmem:s21+$0xFFFFFF20] =	vst v1  }
0x245: {  	v4 =	vld [tilespmem:s14+$0xFFFFFFF0];
	_ =	sdelay $0x1  }
0x246: {  	v2 =	vld.idx.msk [tilespmem:v2+s29+$0x0], $0xffff;
	_ =	sdelay $0x2  }
0x247: {  	v3 =	vadd.f32 v4, v3;
	_ =	sdelay $0x1  }
0x248: {  	v2 =	vmul.f32 v3, v2;
	_ =	sdelay $0x1  }
0x249: {  	v3 =	vmul.f32 $2.000000030e-01, v2;
	_ =	sdelay $0x1  }
0x24a: {  	v2 =	vmax.f32 v2, v3  }
0x24b: {  	v2 =	vmul.f32 $1.442695020e+00, v2;
	_ =	sdelay $0x1  }
0x24c: {  	(erf) = vpow2.f32 v2;
	_ =	sdelay $0x6  }
0x24d: {  	s25 =	simm.s32 $0x2  }
0x24e: {  	v2 =	vmov s25  }
0x24f: {  	v3 =	vpop (erf)  }
0x250: {  	v4 =	vld [tilespmem:s21+$0x40];
	[tilespmem:s21+$0xFFFFFFB0] =	vst v3  }
0x251: {  	v5 =	vld [tilespmem:s14+$0x0];
	_ =	sdelay $0x1  }
0x252: {  	v2 =	vld.idx.msk [tilespmem:v2+s29+$0x0], $0xffff;
	_ =	sdelay $0x2  }
0x253: {  	v4 =	vadd.f32 v5, v4;
	_ =	sdelay $0x1  }
0x254: {  	v2 =	vmul.f32 v4, v2;
	_ =	sdelay $0x1  }
0x255: {  	v4 =	vmul.f32 $2.000000030e-01, v2;
	_ =	sdelay $0x1  }
0x256: {  	v2 =	vmax.f32 v2, v4  }
0x257: {  	v2 =	vmul.f32 $1.442695020e+00, v2;
	_ =	sdelay $0x1  }
0x258: {  	(erf) = vpow2.f32 v2;
	_ =	sdelay $0x6  }
0x259: {  	s26 =	simm.s32 $0x3  }
0x25a: {  	v2 =	vmov s26  }
0x25b: {  	v4 =	vpop (erf)  }
0x25c: {  	v5 =	vld [tilespmem:s21+$0xD0];
	[tilespmem:s21+$0x40] =	vst v4  }
0x25d: {  	v6 =	vld [tilespmem:s14+$0x10];
	_ =	sdelay $0x1  }
0x25e: {  	v2 =	vld.idx.msk [tilespmem:v2+s29+$0x0], $0xffff;
	_ =	sdelay $0x2  }
0x25f: {  	v5 =	vadd.f32 v6, v5;
	_ =	sdelay $0x1  }
0x260: {  	v2 =	vmul.f32 v5, v2  }
0x261: {  	v8 =	vld [tilespmem:s21+$0xA0]  }
0x262: {  	v9 =	vld [tilespmem:s21+$0xB0];
	v7 =	vmul.f32 $2.000000030e-01, v2  }
0x263: {  	v10 =	vld [tilespmem:s21+$0xFFFFFFD0]  }
0x264: {  	v11 =	vld [tilespmem:s21+$0xFFFFFFF0];
	v2 =	vmax.f32 v2, v7  }
0x265: {  	v12 =	vld [tilespmem:s21+$0x20];
	v2 =	vmul.f32 $1.442695020e+00, v2  }
0x266: {  	v13 =	vld [tilespmem:s21+$0x0]  }
0x267: {  	v14 =	vld [tilespmem:s21+$0xFFFFFFE0];
	(erf) = vpow2.f32 v2  }
0x268: {  	v15 =	vld [tilespmem:s21+$0xFFFFFFC0]  }
0x269: {  	v16 =	vld [tilespmem:s21+$0x70]  }
0x26a: {  	v17 =	vld [tilespmem:s21+$0x50]  }
0x26b: {  	v19 =	vld [tilespmem:s21+$0x30]  }
0x26c: {  	v20 =	vld [tilespmem:s21+$0x80]  }
0x26d: {  	v22 =	vld [tilespmem:s21+$0x160]  }
0x26e: {  	v2 =	vld [tilespmem:s21+$0x10]  }
0x26f: {  	v18 =	vmov s12;
	v7 =	vld [tilespmem:s21+$0xC0]  }
0x270: {  	v24 =	vld [tilespmem:s21+$0x60];
	v21 =	vpop (erf)  }
0x271: {  	v60 =	vld [tilespmem:s21+$0xFFFFFF30];
	[tilespmem:s21+$0xD0] =	vst v21  }
0x272: {  	v12 =	vmul.f32 v12, v4;
	v23 =	vld [tilespmem:s14+$0x20]  }
0x273: {  	v5 =	vld [tilespmem:s21+$0x90];
	v2 =	vmul.f32 v2, v4  }
0x274: {  	v7 =	vmul.f32 v7, v21;
	v18 =	vld.idx.msk [tilespmem:v18+s29+$0x0], $0xffff;
	[tilespmem:s21+$0x20] =	vst v12  }
0x275: {  	v61 =	vld [tilespmem:s21+$0x150];
	v9 =	vmul.f32 v9, v21;
	[tilespmem:s21+$0x10] =	vst v2  }
0x276: {  	v62 =	vld [tilespmem:s21+$0x130];
	v20 =	vmul.f32 v20, v21;
	[tilespmem:s21+$0xC0] =	vst v7  }
0x277: {  	v63 =	vld [tilespmem:s21+$0x100];
	v7 =	vmul.f32 v16, v21;
	[tilespmem:s21+$0xB0] =	vst v9;
	v9 =	vmul.f32 v17, v21;
	v17 =	vadd.f32 v23, v22  }
0x278: {  	v6 =	vld [tilespmem:s21+$0xFFFFFEE0];
	v2 =	vmul.f32 v5, v21;
	[tilespmem:s21+$0x80] =	vst v20  }
0x279: {  	v12 =	vld [tilespmem:s21+$0xFFFFFF10];
	[tilespmem:s21+$0x70] =	vst v7;
	v7 =	vmul.f32 v8, v21;
	v8 =	vmul.f32 v17, v18  }
0x27a: {  	v16 =	vld [tilespmem:s21+$0xFFFFFF00];
	[tilespmem:s21+$0x90] =	vst v2;
	v2 =	vmul.f32 v14, v4  }
0x27b: {  	v20 =	vld [tilespmem:s21+$0xFFFFFF40];
	[tilespmem:s21+$0x50] =	vst v9;
	v5 =	vmul.f32 $2.000000030e-01, v8  }
0x27c: {  	v9 =	vmul.f32 v13, v4;
	v13 =	vld [tilespmem:s21+$0xFFFFFF50];
	[tilespmem:s21+$0xFFFFFFE0] =	vst v2  }
0x27d: {  	[tilespmem:s21+$0xA0] =	vst v7;
	v7 =	vmul.f32 v11, v4;
	v11 =	vld [tilespmem:s21+$0xFFFFFFA0];
	v5 =	vmax.f32 v8, v5  }
0x27e: {  	v14 =	vld [tilespmem:s21+$0xFFFFFF80];
	[tilespmem:s21+$0x0] =	vst v9;
	v9 =	vmul.f32 v24, v21;
	v5 =	vmul.f32 $1.442695020e+00, v5  }
0x27f: {  	[tilespmem:s21+$0xFFFFFFF0] =	vst v7;
	v7 =	vmul.f32 v10, v4;
	v10 =	vld [tilespmem:s21+$0xFFFFFF70]  }
0x280: {  	[tilespmem:s21+$0x60] =	vst v9;
	v9 =	vmul.f32 v15, v4;
	v8 =	vld [tilespmem:s21+$0xFFFFFF90];
	(erf) = vpow2.f32 v5  }
0x281: {  	v18 =	vld [tilespmem:s21+$0xFFFFFF60];
	v13 =	vmul.f32 v13, v3;
	[tilespmem:s21+$0xFFFFFFD0] =	vst v7  }
0x282: {  	v17 =	vld [tilespmem:s21+$0xFFFFFEF0];
	[tilespmem:s21+$0xFFFFFFC0] =	vst v9;
	v2 =	vmul.f32 v11, v3  }
0x283: {  	v15 =	vld [tilespmem:s21+$0xFFFFFED0];
	[tilespmem:s21+$0xFFFFFF50] =	vst v13;
	v13 =	vmul.f32 v12, v1  }
0x284: {  	[tilespmem:s21+$0xFFFFFFA0] =	vst v2;
	v9 =	vmul.f32 v10, v3;
	v10 =	vld [tilespmem:s21+$0xE0];
	v2 =	vmul.f32 v6, v1  }
0x285: {  	v6 =	vld [tilespmem:s21+$0x140];
	[tilespmem:s21+$0xFFFFFF10] =	vst v13;
	v7 =	vmul.f32 v8, v3;
	v8 =	vmul.f32 v14, v3  }
0x286: {  	v11 =	vmul.f32 v18, v3;
	v5 =	vld [tilespmem:s21+$0x110];
	[tilespmem:s21+$0xFFFFFF70] =	vst v9  }
0x287: {  	v4 =	vmul.f32 v19, v4;
	v18 =	vmul.f32 v16, v1;
	[tilespmem:s21+$0xFFFFFF80] =	vst v8;
	v8 =	vld [tilespmem:s21+$0xF0]  }
0x288: {  	v9 =	vmul.f32 v20, v3;
	[tilespmem:s21+$0xFFFFFF60] =	vst v11;
	v11 =	vld [tilespmem:s21+$0x120];
	v14 =	vmul.f32 v17, v1  }
0x289: {  	v17 =	vmul.f32 v60, v3;
	[tilespmem:s21+$0xFFFFFF90] =	vst v7;
	v7 =	vmul.f32 v15, v1;
	v15 =	vld [tilespmem:s21+$0xFFFFFEC0];
	v3 =	vpop (erf)  }
0x28a: {  	v16 =	vld [tilespmem:s21+$0xFFFFFEB0];
	[tilespmem:s21+$0xFFFFFF40] =	vst v9;
	v9 =	vmul.f32 v10, v3;
	v12 =	vmul.f32 v61, v3  }
0x28b: {  	s22 =	simm.s32 $0x9;
	s20 =	simm.s32 $0x2E10;
	[tilespmem:s21+$0xFFFFFF30] =	vst v17;
	v17 =	vld [tilespmem:s21+$0xFFFFFEA0];
	v10 =	vmul.f32 v63, v3;
	v13 =	vmul.f32 v62, v3  }
.LBB2_10:
0x28c: {  	p0 =	sne.s32 s22, $0x4F;
	[tilespmem:s21+$0xFFFFFF00] =	vst v18;
	v8 =	vmul.f32 v8, v3;
	v6 =	vmul.f32 v6, v3;
	s20 =	sadd.s32 $0x2D0, s20;
	s14 =	sadd.s32 $0x50, s14  }
0x28d: {  	v5 =	vmul.f32 v5, v3;
	s12 =	smov.u32 s22;
	s22 =	sadd.s32 $0x5, s22;
	[tilespmem:s21+$0xFFFFFEF0] =	vst v14;
	v11 =	vmul.f32 v11, v3  }
0x28e: {  	v14 =	vmul.f32 v15, v1;
	[tilespmem:s21+$0xFFFFFEE0] =	vst v2  }
0x28f: {  	v2 =	vmul.f32 v16, v1;
	[tilespmem:s21+$0xFFFFFED0] =	vst v7  }
0x290: {  	v1 =	vmul.f32 v17, v1;
	[tilespmem:s21+$0xFFFFFEC0] =	vst v14  }
0x291: {  	[tilespmem:s21+$0xFFFFFEB0] =	vst v2  }
0x292: {  	[tilespmem:s21+$0xFFFFFEA0] =	vst v1  }
0x293: {  	[tilespmem:s21+$0x160] =	vst v3  }
0x294: {  	[tilespmem:s21+$0x30] =	vst v4  }
0x295: {  	[tilespmem:s21+$0x150] =	vst v12  }
0x296: {  	[tilespmem:s21+$0xE0] =	vst v9  }
0x297: {  	[tilespmem:s21+$0x130] =	vst v13  }
0x298: {  	s17 =	sadd.s32 $0xFFFFFFFC, s12;
	[tilespmem:s21+$0x100] =	vst v10  }
0x299: {  	v1 =	vmov s17;
	[tilespmem:s21+$0x110] =	vst v5  }
0x29a: {  	[tilespmem:s21+$0x120] =	vst v11  }
0x29b: {  	[tilespmem:s21+$0x140] =	vst v6  }
0x29c: {  	v2 =	vld [tilespmem:s20+$0xFFFFFF20];
	[tilespmem:s21+$0xF0] =	vst v8;
	s21 =	smov.u32 s20  }
0x29d: {  	v3 =	vld [tilespmem:s14+$0xFFFFFFE0]  }
0x29e: {  	v1 =	vld.idx.msk [tilespmem:v1+s29+$0x0], $0xffff;
	_ =	sdelay $0x3  }
0x29f: {  	v2 =	vadd.f32 v3, v2;
	_ =	sdelay $0x1  }
0x2a0: {  	v1 =	vmul.f32 v2, v1;
	_ =	sdelay $0x1  }
0x2a1: {  	v2 =	vmul.f32 $2.000000030e-01, v1;
	_ =	sdelay $0x1  }
0x2a2: {  	v1 =	vmax.f32 v1, v2  }
0x2a3: {  	v1 =	vmul.f32 $1.442695020e+00, v1;
	_ =	sdelay $0x1  }
0x2a4: {  	(erf) = vpow2.f32 v1;
	_ =	sdelay $0x4  }
0x2a5: {  	v2 =	vld [tilespmem:s20+$0xFFFFFEE0]  }
0x2a6: {  	s17 =	sadd.s32 $0xFFFFFFFD, s12  }
0x2a7: {  	v3 =	vmov s17;
	_ =	sdelay $0x1  }
0x2a8: {  	v1 =	vpop (erf)  }
0x2a9: {  	[tilespmem:s20+$0xFFFFFF20] =	vst v1;
	v4 =	vld [tilespmem:s20+$0xFFFFFFB0];
	v2 =	vmul.f32 v2, v1  }
0x2aa: {  	v5 =	vld [tilespmem:s14+$0xFFFFFFF0]  }
0x2ab: {  	v3 =	vld.idx.msk [tilespmem:v3+s29+$0x0], $0xffff;
	_ =	sdelay $0x3  }
0x2ac: {  	v4 =	vadd.f32 v5, v4;
	_ =	sdelay $0x1  }
0x2ad: {  	v3 =	vmul.f32 v4, v3;
	_ =	sdelay $0x1  }
0x2ae: {  	v4 =	vmul.f32 $2.000000030e-01, v3;
	_ =	sdelay $0x1  }
0x2af: {  	v3 =	vmax.f32 v3, v4  }
0x2b0: {  	v3 =	vmul.f32 $1.442695020e+00, v3;
	_ =	sdelay $0x1  }
0x2b1: {  	(erf) = vpow2.f32 v3;
	_ =	sdelay $0x5  }
0x2b2: {  	s17 =	sadd.s32 $0xFFFFFFFE, s12  }
0x2b3: {  	v4 =	vmov s17;
	_ =	sdelay $0x1  }
0x2b4: {  	v3 =	vpop (erf)  }
0x2b5: {  	[tilespmem:s20+$0xFFFFFFB0] =	vst v3;
	v5 =	vld [tilespmem:s20+$0x40]  }
0x2b6: {  	v6 =	vld [tilespmem:s14+$0x0]  }
0x2b7: {  	v4 =	vld.idx.msk [tilespmem:v4+s29+$0x0], $0xffff;
	_ =	sdelay $0x3  }
0x2b8: {  	v5 =	vadd.f32 v6, v5;
	_ =	sdelay $0x1  }
0x2b9: {  	v4 =	vmul.f32 v5, v4;
	_ =	sdelay $0x1  }
0x2ba: {  	v5 =	vmul.f32 $2.000000030e-01, v4;
	_ =	sdelay $0x1  }
0x2bb: {  	v4 =	vmax.f32 v4, v5  }
0x2bc: {  	v4 =	vmul.f32 $1.442695020e+00, v4;
	_ =	sdelay $0x1  }
0x2bd: {  	(erf) = vpow2.f32 v4;
	_ =	sdelay $0x5  }
0x2be: {  	s17 =	sadd.s32 $0xFFFFFFFF, s12  }
0x2bf: {  	v4 =	vmov s17;
	_ =	sdelay $0x1  }
0x2c0: {  	v5 =	vpop (erf)  }
0x2c1: {  	[tilespmem:s20+$0x40] =	vst v5;
	v6 =	vld [tilespmem:s20+$0xD0]  }
0x2c2: {  	v7 =	vld [tilespmem:s14+$0x10]  }
0x2c3: {  	v4 =	vld.idx.msk [tilespmem:v4+s29+$0x0], $0xffff;
	_ =	sdelay $0x3  }
0x2c4: {  	v6 =	vadd.f32 v7, v6;
	_ =	sdelay $0x1  }
0x2c5: {  	v4 =	vmul.f32 v6, v4  }
0x2c6: {  	v6 =	vld [tilespmem:s20+$0x90]  }
0x2c7: {  	v7 =	vmul.f32 $2.000000030e-01, v4;
	v8 =	vld [tilespmem:s20+$0xA0]  }
0x2c8: {  	v9 =	vld [tilespmem:s20+$0xB0]  }
0x2c9: {  	v4 =	vmax.f32 v4, v7;
	v7 =	vld [tilespmem:s20+$0xC0]  }
0x2ca: {  	v4 =	vmul.f32 $1.442695020e+00, v4;
	v10 =	vld [tilespmem:s20+$0xFFFFFFD0]  }
0x2cb: {  	v11 =	vld [tilespmem:s20+$0xFFFFFFF0]  }
0x2cc: {  	v12 =	vld [tilespmem:s20+$0x10];
	(erf) = vpow2.f32 v4  }
0x2cd: {  	v4 =	vld [tilespmem:s20+$0x20]  }
0x2ce: {  	v13 =	vld [tilespmem:s20+$0x0]  }
0x2cf: {  	v14 =	vld [tilespmem:s20+$0xFFFFFFE0]  }
0x2d0: {  	v15 =	vld [tilespmem:s20+$0xFFFFFFC0]  }
0x2d1: {  	v16 =	vld [tilespmem:s20+$0x70]  }
0x2d2: {  	v17 =	vmul.f32 v4, v5;
	v4 =	vld [tilespmem:s20+$0x50]  }
0x2d3: {  	v18 =	vmov s12;
	v12 =	vmul.f32 v12, v5;
	v13 =	vmul.f32 v13, v5;
	v19 =	vld [tilespmem:s20+$0x30]  }
0x2d4: {  	v11 =	vmul.f32 v11, v5;
	v14 =	vmul.f32 v14, v5;
	v20 =	vld [tilespmem:s20+$0x60]  }
0x2d5: {  	v10 =	vmul.f32 v10, v5;
	v15 =	vmul.f32 v15, v5;
	v21 =	vld [tilespmem:s20+$0x80];
	v22 =	vpop (erf)  }
0x2d6: {  	[tilespmem:s20+$0xD0] =	vst v22;
	v23 =	vld [tilespmem:s20+$0x160];
	v16 =	vmul.f32 v16, v22;
	v7 =	vmul.f32 v7, v22  }
0x2d7: {  	v9 =	vmul.f32 v9, v22;
	v24 =	vld [tilespmem:s14+$0x20];
	v25 =	vmul.f32 v4, v22  }
0x2d8: {  	v18 =	vld.idx.msk [tilespmem:v18+s29+$0x0], $0xffff;
	v4 =	vmul.f32 v19, v5;
	v5 =	vmul.f32 v8, v22  }
0x2d9: {  	v6 =	vmul.f32 v6, v22;
	[tilespmem:s20+$0x20] =	vst v17;
	v8 =	vmul.f32 v20, v22  }
0x2da: {  	v17 =	vld [tilespmem:s20+$0xFFFFFF10];
	v19 =	vmul.f32 v21, v22;
	[tilespmem:s20+$0xC0] =	vst v7  }
0x2db: {  	v20 =	vld [tilespmem:s20+$0xFFFFFF00];
	[tilespmem:s20+$0xB0] =	vst v9  }
0x2dc: {  	v7 =	vadd.f32 v24, v23;
	v9 =	vld [tilespmem:s20+$0xFFFFFF30];
	[tilespmem:s20+$0x80] =	vst v19  }
0x2dd: {  	v19 =	vld [tilespmem:s20+$0xFFFFFF40];
	[tilespmem:s20+$0x70] =	vst v16  }
0x2de: {  	v7 =	vmul.f32 v7, v18;
	v16 =	vld [tilespmem:s20+$0xFFFFFEF0];
	[tilespmem:s20+$0x50] =	vst v25  }
0x2df: {  	v18 =	vld [tilespmem:s20+$0xFFFFFF50];
	[tilespmem:s20+$0x10] =	vst v12  }
0x2e0: {  	v12 =	vmul.f32 $2.000000030e-01, v7;
	v21 =	vld [tilespmem:s20+$0xFFFFFF60];
	[tilespmem:s20+$0xA0] =	vst v5  }
0x2e1: {  	v5 =	vld [tilespmem:s20+$0xFFFFFFA0];
	[tilespmem:s20+$0x0] =	vst v13  }
0x2e2: {  	v7 =	vmax.f32 v7, v12;
	v12 =	vld [tilespmem:s20+$0xFFFFFF90];
	[tilespmem:s20+$0x90] =	vst v6  }
0x2e3: {  	v6 =	vmul.f32 $1.442695020e+00, v7;
	v7 =	vld [tilespmem:s20+$0xFFFFFF80];
	[tilespmem:s20+$0xFFFFFFF0] =	vst v11  }
0x2e4: {  	v11 =	vld [tilespmem:s20+$0xFFFFFF70];
	[tilespmem:s20+$0x60] =	vst v8  }
0x2e5: {  	v8 =	vld [tilespmem:s20+$0xFFFFFED0];
	[tilespmem:s20+$0xFFFFFFE0] =	vst v14;
	(erf) = vpow2.f32 v6  }
0x2e6: {  	v6 =	vmul.f32 v5, v3;
	[tilespmem:s20+$0xFFFFFFD0] =	vst v10;
	v10 =	vld [tilespmem:s20+$0x150]  }
0x2e7: {  	v12 =	vmul.f32 v12, v3;
	[tilespmem:s20+$0xFFFFFFC0] =	vst v15;
	v5 =	vld [tilespmem:s20+$0x110]  }
0x2e8: {  	v7 =	vmul.f32 v7, v3;
	[tilespmem:s20+$0xFFFFFFA0] =	vst v6;
	v13 =	vld [tilespmem:s20+$0x130]  }
0x2e9: {  	v6 =	vmul.f32 v11, v3;
	[tilespmem:s20+$0xFFFFFF90] =	vst v12;
	v12 =	vld [tilespmem:s20+$0xE0]  }
0x2ea: {  	v11 =	vmul.f32 v21, v3;
	[tilespmem:s20+$0xFFFFFF80] =	vst v7;
	v21 =	vld [tilespmem:s20+$0x100]  }
0x2eb: {  	v15 =	vmul.f32 v18, v3;
	[tilespmem:s20+$0xFFFFFF70] =	vst v6;
	v6 =	vld [tilespmem:s20+$0x140]  }
.Ltmp4:
0x2ec: {  	v19 =	vmul.f32 v19, v3;
	v7 =	vmul.f32 v8, v1;
	[tilespmem:s20+$0xFFFFFF60] =	vst v11;
	v8 =	vld [tilespmem:s20+$0xF0];
	(pc) =	sbr.rel @p0 .LBB2_10-.Ltmp4, $4  }
0x2ed: {  	v9 =	vmul.f32 v9, v3;
	v14 =	vmul.f32 v16, v1;
	[tilespmem:s20+$0xFFFFFF50] =	vst v15;
	v11 =	vld [tilespmem:s20+$0x120]  }
0x2ee: {  	v18 =	vmul.f32 v20, v1;
	v20 =	vmul.f32 v17, v1;
	v15 =	vld [tilespmem:s20+$0xFFFFFEC0];
	[tilespmem:s20+$0xFFFFFF40] =	vst v19;
	v3 =	vpop (erf)  }
0x2ef: {  	v16 =	vld [tilespmem:s20+$0xFFFFFEB0];
	[tilespmem:s20+$0xFFFFFF30] =	vst v9;
	v9 =	vmul.f32 v12, v3;
	v12 =	vmul.f32 v10, v3  }
0x2f0: {  	v10 =	vmul.f32 v21, v3;
	v13 =	vmul.f32 v13, v3;
	v17 =	vld [tilespmem:s20+$0xFFFFFEA0];
	[tilespmem:s20+$0xFFFFFF10] =	vst v20  }
0x2f1: {  	[tilespmem:s21+$0xFFFFFF00] =	vst v18  }
0x2f2: {  	[tilespmem:s21+$0xFFFFFEF0] =	vst v14  }
0x2f3: {  	[tilespmem:s21+$0xFFFFFEE0] =	vst v2  }
0x2f4: {  	[tilespmem:s21+$0xFFFFFED0] =	vst v7  }
0x2f5: {  	[tilespmem:s21+$0x160] =	vst v3  }
0x2f6: {  	[tilespmem:s21+$0x30] =	vst v4  }
0x2f7: {  	[tilespmem:s21+$0x150] =	vst v12  }
0x2f8: {  	[tilespmem:s21+$0xE0] =	vst v9  }
0x2f9: {  	v63 =	vmul.f32 v6, v3;
	[tilespmem:s21+$0x130] =	vst v13  }
0x2fa: {  	[tilespmem:s21+$0x100] =	vst v10;
	v62 =	vmul.f32 v15, v1  }
0x2fb: {  	[tilespmem:s21+$0x140] =	vst v63;
	v2 =	vmul.f32 v16, v1;
	v1 =	vmul.f32 v17, v1  }
0x2fc: {  	[tilespmem:s21+$0xFFFFFEC0] =	vst v62  }
0x2fd: {  	[tilespmem:s21+$0xFFFFFEA0] =	vst v1;
	v1 =	vmul.f32 v5, v3  }
0x2fe: {  	[tilespmem:s21+$0xFFFFFEB0] =	vst v2;
	v2 =	vmul.f32 v11, v3  }
0x2ff: {  	[tilespmem:s21+$0x110] =	vst v1;
	v1 =	vmul.f32 v8, v3  }
0x300: {  	[tilespmem:s21+$0x120] =	vst v2  }
0x301: {  	s12 =	simm.s32 $0x26C0;
	[tilespmem:s21+$0xF0] =	vst v1  }
0x302: {  	[spmem:s1] =	stream.indirect.scatter.add.f32 [tilespmem:s9], [sflag:$0x3], $0x90, s12, s2, $0xb8;
	[tilespmem:$0x1EFD0] =	vst v63  }
0x303: {  	_ =	swait.ge [sflag:s19], $0x2D00  }
0x304: {  	[sflag:s19] =	ssyncset.done $0x0  }
0x305: {  	[sflag:s19] =	ssyncadd.s32 $0xFFFFD300  }
0x306: {  	_ =	swait.ge [sflag:s15], $0x50  }
0x307: {  	[sflag:s15] =	ssyncset.done $0x0  }
0x308: {  	[sflag:s15] =	ssyncadd.s32 $0xFFFFFFB0  }
0x309: {  	_ =	swait.ge [sflag:s15], $0x50  }
0x30a: {  	[sflag:s15] =	ssyncset.done $0x0  }
0x30b: {  	[sflag:s15] =	ssyncadd.s32 $0xFFFFFFB0  }
0x30c: {  	s24 =	stileid.u32;
	[bflag:$0x0] =	sbarrier.arrive $0xFFFF  }
0x30d: {  	s12 =	sshll.u32 s24, $0x6;
	s14 =	rddreg [dreg:$0xb]  }
0x30e: {  	s12 =	sor.u32 $0x1C08, s12;
	s17 =	rddreg [dreg:$0x13]  }
0x30f: {  	[hbm:s14], [sflag:s12] =	dma.local [spmem:s17], $0x2C70  }
0x310: {  	s14 =	simm.s32 $0x8  }
0x311: {  	_ =	swait.ge [sflag:s14], $0x2C70  }
0x312: {  	s25 =	rddreg [dreg:$0x14]  }
0x313: {  	s26 =	rddreg [dreg:$0xc];
	s17 =	sadd.s32 $0x1, s25  }
0x314: {  	p0 =	sne.s32 s17, s26  }
.Ltmp5:
0x315: {  	_ = 	snop;
	(pc) =	sbr.rel @p0 .LBB2_1-.Ltmp5, $3  }
0x316: {  	_ =	sdelay $0x1  }
0x317: {  	[sflag:s14] =	ssyncset.done $0x0  }
0x318: {  	[sflag:s14] =	ssyncadd.s32 $0xFFFFD390  }
0x319: {  	_ =	sfence.sel $0x180000  }
0x31a: {  	[bflag:$0x0] =	sbarrier.arrive $0xFFFF  }
0x31b: {  	_ =	strace $0x90000047  }
0x31c: {  	s0 =	stileid.u32;
	[bflag:$0x2] =	sbarrier.arrive $0xFFFF  }
0x31d: {  	p0 =	sne.s32 s0, $0x0;
	s0 =	rddreg [dreg:$0x3]  }
0x31e: {  	s0 =	sadd.s32 @!p0 $0x100000, s0  }
0x31f: {  	[sflag:s0] =	ssyncadd.tile.s32 @!p0 $0x1;
	_ =	shalt  }
.Lfunc_end2:
_tile_overlayer_lowered:
.L_overlay_start_2:
0x320: {  	(tag) =	ssettag $0x2  }
0x321: {  	s0 =	rddreg [dreg:$0x0];
	s2 =	stileid.u32  }
0x322: {  	s1 =	rddreg [dreg:$0x1];
	p0 =	sne.s32 s2, $0x0  }
0x323: {  	s3 =	rddreg [dreg:$0x2];
	[bflag:$0x3] =	sbarrier.arrive $0xFFFF;
	s2 =	simm.s32 @!p0 $0x1C08  }
0x324: {  	[timem:s3], [sflag:s2] =	dma.local @!p0 [hbm:s0], s1  }
0x325: {  	s0 =	simm.s32 @!p0 $0x8  }
0x326: {  	_ =	swait.ge @!p0 [sflag:s0], s1  }
0x327: {  	s1 =	ssub.s32 @!p0 $0x0, s1;
	[sflag:s0] =	ssyncset.done @!p0 $0x0  }
0x328: {  	[sflag:s0] =	ssyncadd.s32 @!p0 s1  }
0x329: {  	[bflag:$0x3] =	sbarrier.arrive $0xFFFF  }
0x32a: {  	_ =	shalt  }

</sc_bundles>
